<compile_context>
chip_gen: v7x
topology: tpu7x:2x2x1
jax: 0.10.2.dev20260603
libtpu: 0.0.44.dev20260713+nightly
codegen_flags: <defaults>
</compile_context>

<pallas_src>
import jax
import jax.numpy as jnp
from jax import lax
from jax.experimental import pallas as pl
from jax.experimental.pallas import tpu as pltpu
from jax.experimental.pallas import tpu_sc as plsc

N = 10000
D = 128
E = 320000
NP = 10240
NC = 2
NS = 16
NW = NC * NS
B = 128
K = 80
KC = 8
NCH = K // KC
K0 = 112
K1 = 48
EP = NW * K * B
JUNK = NP - 1
RPT = NP // NS
BLK = 1024



def _mm1_body(x_ref, w_ref, o_ref):
    o_ref[...] = jnp.dot(x_ref[...], w_ref[...],
                         preferred_element_type=jnp.float32)


def _mm1(x_p, w):
    return pl.pallas_call(
        _mm1_body,
        grid=(NP // BLK,),
        in_specs=[pl.BlockSpec((BLK, D), lambda i: (i, 0)),
                  pl.BlockSpec((D, D), lambda i: (0, 0))],
        out_specs=pl.BlockSpec((BLK, D), lambda i: (i, 0)),
        out_shape=jax.ShapeDtypeStruct((NP, D), jnp.float32),
    )(x_p, w)


def _mid_body(y_ref, aA_ref, aB_ref, dA_ref, dB_ref, b1_ref, ws_ref, wn_ref,
              s_ref, z_ref):
    deg = dA_ref[:, 0:1] + dB_ref[:, 0:1]
    h = (y_ref[...] + aA_ref[...] + aB_ref[...]) / (deg + 1.0) + b1_ref[...]
    h = jnp.maximum(h, 0.0)
    s_ref[...] = jnp.dot(h, ws_ref[...], preferred_element_type=jnp.float32)
    z_ref[...] = jnp.dot(h, wn_ref[...], preferred_element_type=jnp.float32)


def _mid(y, aA, aB, dA, dB, b1, ws, wn):
    blk = pl.BlockSpec((BLK, D), lambda i: (i, 0))
    full = pl.BlockSpec((D, D), lambda i: (0, 0))
    return pl.pallas_call(
        _mid_body,
        grid=(NP // BLK,),
        in_specs=[blk, blk, blk, blk, blk,
                  pl.BlockSpec((1, D), lambda i: (0, 0)), full, full],
        out_specs=[blk, blk],
        out_shape=[jax.ShapeDtypeStruct((NP, D), jnp.float32),
                   jax.ShapeDtypeStruct((NP, D), jnp.float32)],
    )(y, aA, aB, dA, dB, b1, ws, wn)


def _fin_body(s_ref, aA_ref, aB_ref, dA_ref, dB_ref, b2_ref, o_ref):
    deg = dA_ref[:, 0:1] + dB_ref[:, 0:1]
    agg = (aA_ref[...] + aB_ref[...]) / jnp.maximum(deg, 1.0)
    o_ref[...] = s_ref[...] + agg + b2_ref[...]


def _fin(s, aA, aB, dA, dB, b2):
    blk = pl.BlockSpec((BLK, D), lambda i: (i, 0))
    return pl.pallas_call(
        _fin_body,
        grid=(NP // BLK,),
        in_specs=[blk, blk, blk, blk, blk,
                  pl.BlockSpec((1, D), lambda i: (0, 0))],
        out_specs=blk,
        out_shape=jax.ShapeDtypeStruct((NP, D), jnp.float32),
    )(s, aA, aB, dA, dB, b2)



def _edge_body(src_hbm, dst_hbm, tab_hbm, zro_hbm, acc_out,
               src_v, dst_v, rows_v, acc_s, sem):
    c = lax.axis_index("c")
    s = lax.axis_index("s")
    wid = s * NC + c
    r0 = s * RPT
    ncz = lax.select(c == 0, K0 // KC, K1 // KC)
    pltpu.sync_copy(zro_hbm.at[pl.ds(r0, RPT)], acc_s.at[pl.ds(r0, RPT)])
    plsc.subcore_barrier()

    def chunk(ch, carry):
        pltpu.sync_copy(src_hbm.at[wid, pl.ds(ch * KC, KC)], src_v)
        pltpu.sync_copy(dst_hbm.at[wid, pl.ds(ch * KC, KC)], dst_v)
        for j in range(KC):
            pltpu.async_copy(tab_hbm.at[src_v.at[j]], rows_v, sem).wait()
            pltpu.sync_copy(rows_v, acc_s.at[dst_v.at[j]], add=True)
        return carry

    lax.fori_loop(0, ncz, chunk, 0)
    plsc.subcore_barrier()
    pltpu.sync_copy(acc_s.at[pl.ds(r0, RPT)], acc_out.at[c, pl.ds(r0, RPT)])


_edge_pass = pl.kernel(
    _edge_body,
    out_type=(jax.ShapeDtypeStruct((NC, NP, D), jnp.float32),),
    mesh=plsc.VectorSubcoreMesh(core_axis_name="c", subcore_axis_name="s"),
    scratch_types=(
        pltpu.VMEM((KC, B), jnp.int32),
        pltpu.VMEM((KC, B), jnp.int32),
        pltpu.VMEM((B, D), jnp.float32),
        pltpu.VMEM_SHARED((NP, D), jnp.float32),
        pltpu.SemaphoreType.DMA,
    ),
)


def _deg_body(dst_hbm, ones_hbm, zro_hbm, deg_out, dst_v, ones_v, dacc_s):
    c = lax.axis_index("c")
    s = lax.axis_index("s")
    wid = s * NC + c
    r0 = s * RPT
    pltpu.sync_copy(zro_hbm.at[pl.ds(r0, RPT)], dacc_s.at[pl.ds(r0, RPT)])
    pltpu.sync_copy(ones_hbm, ones_v)
    plsc.subcore_barrier()

    def chunk(ch, carry):
        pltpu.sync_copy(dst_hbm.at[wid, pl.ds(ch * KC, KC)], dst_v)
        for j in range(KC):
            pltpu.sync_copy(ones_v, dacc_s.at[dst_v.at[j]], add=True)
        return carry

    lax.fori_loop(0, NCH, chunk, 0)
    plsc.subcore_barrier()
    pltpu.sync_copy(dacc_s.at[pl.ds(r0, RPT)], deg_out.at[c, pl.ds(r0, RPT)])


_deg_pass = pl.kernel(
    _deg_body,
    out_type=(jax.ShapeDtypeStruct((NC, NP, D), jnp.float32),),
    mesh=plsc.VectorSubcoreMesh(core_axis_name="c", subcore_axis_name="s"),
    scratch_types=(
        pltpu.VMEM((KC, B), jnp.int32),
        pltpu.VMEM((B, D), jnp.float32),
        pltpu.VMEM_SHARED((NP, D), jnp.float32),
    ),
)


def kernel(x, edge_index, W_neigh1, b1, W_self2, W_neigh2, b2):
    src = edge_index[0]
    dst = edge_index[1]
    x_p = jnp.pad(x, ((0, NP - N), (0, 0)))

    kmax = max(K0, K1)

    def asym_layout(idx, fill):
        flat = jnp.pad(idx, (0, EP - E), constant_values=fill)
        e0 = flat[:NS * K0 * B].reshape(NS, 1, K0, B)
        e0 = jnp.pad(e0, ((0, 0), (0, 0), (0, kmax - K0), (0, 0)),
                     constant_values=fill)
        e1 = flat[NS * K0 * B:].reshape(NS, 1, K1, B)
        e1 = jnp.pad(e1, ((0, 0), (0, 0), (0, kmax - K1), (0, 0)),
                     constant_values=fill)
        return jnp.concatenate([e0, e1], axis=1).reshape(NW, kmax, B)

    src_p = asym_layout(src, 0)
    dst_p = asym_layout(dst, JUNK)
    dst_d = jnp.pad(dst, (0, EP - E), constant_values=JUNK).reshape(NW, K, B)
    zeros = jnp.zeros((NP, D), jnp.float32)
    ones = jnp.ones((B, D), jnp.float32)

    (dg,) = _deg_pass(dst_d, ones, zeros)
    y = _mm1(x_p, W_neigh1)
    (a1,) = _edge_pass(src_p, dst_p, y, zeros)
    s, z = _mid(y, a1[0], a1[1], dg[0], dg[1],
                b1.reshape(1, D), W_self2, W_neigh2)
    (a2,) = _edge_pass(src_p, dst_p, z, zeros)
    out = _fin(s, a2[0], a2[1], dg[0], dg[1], b2.reshape(1, D))
    return out[:N]

# --- scband reference (transcript-rebuilt; emitter-appended) ---
"""Pipeline reference for scband-sage-64141041599038 (READ-ONLY COPY).

The authoritative reference and input builder live on the scoring server;
editing this copy changes nothing except your own understanding.
"""

import jax, jax.numpy as jnp
import numpy as np

N = 10000
E = 320000
D = 128
H = 128
O = 128


def setup_inputs(seed: int = 0) -> dict:
    key = jax.random.key(seed)
    ks = jax.random.split(key, 8)
    x = jax.random.normal(ks[0], (N, D), dtype=jnp.float32)
    edge_index = jax.random.randint(ks[1], (2, E), 0, N, dtype=jnp.int32)
    s1 = 1.0 / np.sqrt(D)
    s2 = 1.0 / np.sqrt(H)
    W_neigh1 = jax.random.uniform(ks[2], (D, H), dtype=jnp.float32, minval=-s1, maxval=s1)
    b1 = jnp.zeros((H,), dtype=jnp.float32)
    W_self2 = jax.random.uniform(ks[3], (H, O), dtype=jnp.float32, minval=-s2, maxval=s2)
    W_neigh2 = jax.random.uniform(ks[4], (H, O), dtype=jnp.float32, minval=-s2, maxval=s2)
    b2 = jnp.zeros((O,), dtype=jnp.float32)
    return {
        'x': x,
        'edge_index': edge_index,
        'W_neigh1': W_neigh1,
        'b1': b1,
        'W_self2': W_self2,
        'W_neigh2': W_neigh2,
        'b2': b2,
    }


def _sage_gcn(h, src, dst, W_neigh, b, n):
    # DGL SAGEConv aggregator_type='gcn':
    # h_neigh = (sum_{u in N(v)} h_u + h_v) / (in_deg(v) + 1); rst = fc_neigh(h_neigh)
    msg = jnp.take(h, src, axis=0)
    agg = jax.ops.segment_sum(msg, dst, num_segments=n)
    deg = jax.ops.segment_sum(jnp.ones((src.shape[0],), dtype=h.dtype), dst, num_segments=n)
    h_neigh = (agg + h) / (deg[:, None] + 1.0)
    return h_neigh @ W_neigh + b


def _sage_mean(h, src, dst, W_self, W_neigh, b, n):
    # DGL SAGEConv aggregator_type='mean':
    # h_neigh = mean_{u in N(v)} h_u; rst = fc_self(h_v) + fc_neigh(h_neigh)
    msg = jnp.take(h, src, axis=0)
    agg = jax.ops.segment_sum(msg, dst, num_segments=n)
    deg = jax.ops.segment_sum(jnp.ones((src.shape[0],), dtype=h.dtype), dst, num_segments=n)
    h_neigh = agg / jnp.clip(deg, 1.0)[:, None]
    return h @ W_self + h_neigh @ W_neigh + b


def reference(x, edge_index, W_neigh1, b1, W_self2, W_neigh2, b2):
    src = edge_index[0]
    dst = edge_index[1]
    n = x.shape[0]
    # conv1 (gcn aggregator); feat_drop/dropout are identity in eval mode
    h = _sage_gcn(x, src, dst, W_neigh1, b1, n)
    h = jax.nn.relu(h)
    # conv2 (mean aggregator)
    h = _sage_mean(h, src, dst, W_self2, W_neigh2, b2, n)
    return h

if __name__ == "__main__":
    import jax
    _d = setup_inputs()
    print(jax.jit(kernel)(*tuple(_d.values())))

</pallas_src>

<mosaic_0001>
#map = affine_map<(d0, d1) -> (0, 0, 0)>
#map1 = affine_map<(d0, d1) -> (0, 0)>
module attributes {stable_mosaic.version = 14 : i64} {
  func.func @_deg_body(%arg0: i32, %arg1: i32, %arg2: memref<32x80x128xi32, #tpu.memory_space<hbm>>, %arg3: memref<128x128xf32, #tpu.memory_space<hbm>>, %arg4: memref<10240x128xf32, #tpu.memory_space<hbm>>, %arg5: memref<2x10240x128xf32, #tpu.memory_space<hbm>>, %arg6: memref<8x128xi32, #tpu.memory_space<vmem>>, %arg7: memref<128x128xf32, #tpu.memory_space<vmem>>, %arg8: memref<10240x128xf32, #tpu.memory_space<vmem_shared>>) attributes {dimension_semantics = [#tpu.dimension_semantics<core_parallel>, #tpu.dimension_semantics<subcore_parallel>], iteration_bounds = array<i64: 2, 16>, scalar_prefetch = 0 : i64, scratch_operands = 3 : i64, tpu.core_type = #tpu.core_type<sc_vector_subcore>, window_params = [{transform_indices = #map}, {transform_indices = #map1}, {transform_indices = #map1}, {transform_indices = #map}]} {
    %mul3A = arith.constant 2 : i32
    %mul3A_0 = arith.muli %arg1, %mul3A : i32
    %add3A = arith.addi %mul3A_0, %arg0 : i32
    %mul3A_1 = arith.constant 640 : i32
    %mul3A_2 = arith.muli %arg1, %mul3A_1 : i32
    "tpu.region"() ({
      %run_scoped3A = tpu.sem_alloc : memref<!tpu.dma_semaphore, #tpu.memory_space<semaphore_mem>>
      %dma_start3A = arith.constant 0 : i32
      %dma_start3A_9 = tpu.memref_slice %arg8[%mul3A_2, %dma_start3A] : memref<10240x128xf32, #tpu.memory_space<vmem_shared>> -> memref<640x128xf32, #tpu.memory_space<vmem_shared>>
      %dma_start3A_10 = arith.constant 0 : i32
      %dma_start3A_11 = tpu.memref_slice %arg4[%mul3A_2, %dma_start3A_10] : memref<10240x128xf32, #tpu.memory_space<hbm>> -> memref<640x128xf32, #tpu.memory_space<hbm>>
      tpu.enqueue_dma source(%dma_start3A_11 : memref<640x128xf32, #tpu.memory_space<hbm>>) target(%dma_start3A_9 : memref<640x128xf32, #tpu.memory_space<vmem_shared>>) target_semaphore(%run_scoped3A : memref<!tpu.dma_semaphore, #tpu.memory_space<semaphore_mem>>)
      %dma_wait3A = arith.constant 0 : i32
      %dma_wait3A_12 = tpu.memref_slice %arg8[%mul3A_2, %dma_wait3A] : memref<10240x128xf32, #tpu.memory_space<vmem_shared>> -> memref<640x128xf32, #tpu.memory_space<vmem_shared>>
      %dma_wait3A_13 = arith.constant 0 : i32
      %dma_wait3A_14 = tpu.memref_slice %arg4[%mul3A_2, %dma_wait3A_13] : memref<10240x128xf32, #tpu.memory_space<hbm>> -> memref<640x128xf32, #tpu.memory_space<hbm>>
      tpu.wait_dma2 semaphore(%run_scoped3A : memref<!tpu.dma_semaphore, #tpu.memory_space<semaphore_mem>>) src(%dma_wait3A_14 : memref<640x128xf32, #tpu.memory_space<hbm>>) dst(%dma_wait3A_12 : memref<640x128xf32, #tpu.memory_space<vmem_shared>>)
      tpu.yield
    }) : () -> ()
    "tpu.region"() ({
      %run_scoped3A = tpu.sem_alloc : memref<!tpu.dma_semaphore, #tpu.memory_space<semaphore_mem>>
      tpu.enqueue_dma source(%arg3 : memref<128x128xf32, #tpu.memory_space<hbm>>) target(%arg7 : memref<128x128xf32, #tpu.memory_space<vmem>>) target_semaphore(%run_scoped3A : memref<!tpu.dma_semaphore, #tpu.memory_space<semaphore_mem>>)
      tpu.wait_dma2 semaphore(%run_scoped3A : memref<!tpu.dma_semaphore, #tpu.memory_space<semaphore_mem>>) src(%arg3 : memref<128x128xf32, #tpu.memory_space<hbm>>) dst(%arg7 : memref<128x128xf32, #tpu.memory_space<vmem>>)
      tpu.yield
    }) : () -> ()
    %barrier3A = arith.constant 0 : index
    tpu.barrier barrier_id(%barrier3A)
    %scan3A = arith.constant 0 : i32
    %scan3A_3 = arith.constant 0 : i32
    %scan3A_4 = arith.constant 10 : i32
    %scan3A_5 = arith.addi %scan3A_3, %scan3A_4 : i32
    %scan3A_6 = arith.constant 1 : i32
    scf.for %scan3A_9 = %scan3A_3 to %scan3A_5 step %scan3A_6  : i32 {
      %mul3A_10 = arith.constant 8 : i32
      %mul3A_11 = arith.muli %scan3A_9, %mul3A_10 : i32
      "tpu.region"() ({
        %run_scoped3A_19 = tpu.sem_alloc : memref<!tpu.dma_semaphore, #tpu.memory_space<semaphore_mem>>
        %dma_start3A = arith.constant 0 : i32
        %dma_start3A_20 = tpu.memref_slice %arg2[%add3A, %mul3A_11, %dma_start3A] : memref<32x80x128xi32, #tpu.memory_space<hbm>> -> memref<1x8x128xi32, #tpu.memory_space<hbm>>
        %dma_start3A_21 = tpu.memref_squeeze %dma_start3A_20 : memref<1x8x128xi32, #tpu.memory_space<hbm>> -> memref<8x128xi32, #tpu.memory_space<hbm>>
        %dma_start3A_22 = arith.constant 0 : i32
        %dma_start3A_23 = tpu.memref_slice %arg2[%add3A, %mul3A_11, %dma_start3A_22] : memref<32x80x128xi32, #tpu.memory_space<hbm>> -> memref<1x8x128xi32, #tpu.memory_space<hbm>>
        %dma_start3A_24 = tpu.memref_squeeze %dma_start3A_23 : memref<1x8x128xi32, #tpu.memory_space<hbm>> -> memref<8x128xi32, #tpu.memory_space<hbm>>
        tpu.enqueue_dma source(%dma_start3A_24 : memref<8x128xi32, #tpu.memory_space<hbm>>) target(%arg6 : memref<8x128xi32, #tpu.memory_space<vmem>>) target_semaphore(%run_scoped3A_19 : memref<!tpu.dma_semaphore, #tpu.memory_space<semaphore_mem>>)
        %dma_wait3A = arith.constant 0 : i32
        %dma_wait3A_25 = tpu.memref_slice %arg2[%add3A, %mul3A_11, %dma_wait3A] : memref<32x80x128xi32, #tpu.memory_space<hbm>> -> memref<1x8x128xi32, #tpu.memory_space<hbm>>
        %dma_wait3A_26 = tpu.memref_squeeze %dma_wait3A_25 : memref<1x8x128xi32, #tpu.memory_space<hbm>> -> memref<8x128xi32, #tpu.memory_space<hbm>>
        %dma_wait3A_27 = arith.constant 0 : i32
        %dma_wait3A_28 = tpu.memref_slice %arg2[%add3A, %mul3A_11, %dma_wait3A_27] : memref<32x80x128xi32, #tpu.memory_space<hbm>> -> memref<1x8x128xi32, #tpu.memory_space<hbm>>
        %dma_wait3A_29 = tpu.memref_squeeze %dma_wait3A_28 : memref<1x8x128xi32, #tpu.memory_space<hbm>> -> memref<8x128xi32, #tpu.memory_space<hbm>>
        tpu.wait_dma2 semaphore(%run_scoped3A_19 : memref<!tpu.dma_semaphore, #tpu.memory_space<semaphore_mem>>) src(%dma_wait3A_29 : memref<8x128xi32, #tpu.memory_space<hbm>>) dst(%arg6 : memref<8x128xi32, #tpu.memory_space<vmem>>)
        tpu.yield
      }) : () -> ()
      %run_scoped3A = arith.constant 0 : i32
      "tpu.region"() ({
        %run_scoped3A_19 = tpu.sem_alloc : memref<!tpu.dma_semaphore, #tpu.memory_space<semaphore_mem>>
        %dma_start3A = arith.constant 0 : i32
        %dma_start3A_20 = tpu.memref_slice %arg6[%run_scoped3A, %dma_start3A] : memref<8x128xi32, #tpu.memory_space<vmem>> -> memref<1x128xi32, #tpu.memory_space<vmem>>
        %dma_start3A_21 = tpu.memref_squeeze %dma_start3A_20 : memref<1x128xi32, #tpu.memory_space<vmem>> -> memref<128xi32, #tpu.memory_space<vmem>>
        %dma_start3A_22 = arith.constant 0 : i32
        %dma_start3A_23 = arith.constant 0 : i32
        %dma_start3A_24 = tpu.memref_slice %arg8[%dma_start3A_22, %dma_start3A_23] : memref<10240x128xf32, #tpu.memory_space<vmem_shared>> -> memref<10240x128xf32, #tpu.memory_space<vmem_shared>>
        tpu.enqueue_indirect_dma source(%arg7 : memref<128x128xf32, #tpu.memory_space<vmem>>) target(%dma_start3A_24 : memref<10240x128xf32, #tpu.memory_space<vmem_shared>>) offsets(%dma_start3A_21 : memref<128xi32, #tpu.memory_space<vmem>>) semaphore(%run_scoped3A_19 : memref<!tpu.dma_semaphore, #tpu.memory_space<semaphore_mem>>) {add = true}
        %dma_wait3A = arith.constant 0 : i32
        %dma_wait3A_25 = tpu.memref_slice %arg6[%run_scoped3A, %dma_wait3A] : memref<8x128xi32, #tpu.memory_space<vmem>> -> memref<1x128xi32, #tpu.memory_space<vmem>>
        %dma_wait3A_26 = tpu.memref_squeeze %dma_wait3A_25 : memref<1x128xi32, #tpu.memory_space<vmem>> -> memref<128xi32, #tpu.memory_space<vmem>>
        %dma_wait3A_27 = arith.constant 0 : i32
        %dma_wait3A_28 = arith.constant 0 : i32
        %dma_wait3A_29 = tpu.memref_slice %arg8[%dma_wait3A_27, %dma_wait3A_28] : memref<10240x128xf32, #tpu.memory_space<vmem_shared>> -> memref<10240x128xf32, #tpu.memory_space<vmem_shared>>
        tpu.wait_indirect_dma semaphore(%run_scoped3A_19 : memref<!tpu.dma_semaphore, #tpu.memory_space<semaphore_mem>>) src(%arg7 : memref<128x128xf32, #tpu.memory_space<vmem>>) dst(%dma_wait3A_29 : memref<10240x128xf32, #tpu.memory_space<vmem_shared>>)
        tpu.yield
      }) : () -> ()
      %run_scoped3A_12 = arith.constant 1 : i32
      "tpu.region"() ({
        %run_scoped3A_19 = tpu.sem_alloc : memref<!tpu.dma_semaphore, #tpu.memory_space<semaphore_mem>>
        %dma_start3A = arith.constant 0 : i32
        %dma_start3A_20 = tpu.memref_slice %arg6[%run_scoped3A_12, %dma_start3A] : memref<8x128xi32, #tpu.memory_space<vmem>> -> memref<1x128xi32, #tpu.memory_space<vmem>>
        %dma_start3A_21 = tpu.memref_squeeze %dma_start3A_20 : memref<1x128xi32, #tpu.memory_space<vmem>> -> memref<128xi32, #tpu.memory_space<vmem>>
        %dma_start3A_22 = arith.constant 0 : i32
        %dma_start3A_23 = arith.constant 0 : i32
        %dma_start3A_24 = tpu.memref_slice %arg8[%dma_start3A_22, %dma_start3A_23] : memref<10240x128xf32, #tpu.memory_space<vmem_shared>> -> memref<10240x128xf32, #tpu.memory_space<vmem_shared>>
        tpu.enqueue_indirect_dma source(%arg7 : memref<128x128xf32, #tpu.memory_space<vmem>>) target(%dma_start3A_24 : memref<10240x128xf32, #tpu.memory_space<vmem_shared>>) offsets(%dma_start3A_21 : memref<128xi32, #tpu.memory_space<vmem>>) semaphore(%run_scoped3A_19 : memref<!tpu.dma_semaphore, #tpu.memory_space<semaphore_mem>>) {add = true}
        %dma_wait3A = arith.constant 0 : i32
        %dma_wait3A_25 = tpu.memref_slice %arg6[%run_scoped3A_12, %dma_wait3A] : memref<8x128xi32, #tpu.memory_space<vmem>> -> memref<1x128xi32, #tpu.memory_space<vmem>>
        %dma_wait3A_26 = tpu.memref_squeeze %dma_wait3A_25 : memref<1x128xi32, #tpu.memory_space<vmem>> -> memref<128xi32, #tpu.memory_space<vmem>>
        %dma_wait3A_27 = arith.constant 0 : i32
        %dma_wait3A_28 = arith.constant 0 : i32
        %dma_wait3A_29 = tpu.memref_slice %arg8[%dma_wait3A_27, %dma_wait3A_28] : memref<10240x128xf32, #tpu.memory_space<vmem_shared>> -> memref<10240x128xf32, #tpu.memory_space<vmem_shared>>
        tpu.wait_indirect_dma semaphore(%run_scoped3A_19 : memref<!tpu.dma_semaphore, #tpu.memory_space<semaphore_mem>>) src(%arg7 : memref<128x128xf32, #tpu.memory_space<vmem>>) dst(%dma_wait3A_29 : memref<10240x128xf32, #tpu.memory_space<vmem_shared>>)
        tpu.yield
      }) : () -> ()
      %run_scoped3A_13 = arith.constant 2 : i32
      "tpu.region"() ({
        %run_scoped3A_19 = tpu.sem_alloc : memref<!tpu.dma_semaphore, #tpu.memory_space<semaphore_mem>>
        %dma_start3A = arith.constant 0 : i32
        %dma_start3A_20 = tpu.memref_slice %arg6[%run_scoped3A_13, %dma_start3A] : memref<8x128xi32, #tpu.memory_space<vmem>> -> memref<1x128xi32, #tpu.memory_space<vmem>>
        %dma_start3A_21 = tpu.memref_squeeze %dma_start3A_20 : memref<1x128xi32, #tpu.memory_space<vmem>> -> memref<128xi32, #tpu.memory_space<vmem>>
        %dma_start3A_22 = arith.constant 0 : i32
        %dma_start3A_23 = arith.constant 0 : i32
        %dma_start3A_24 = tpu.memref_slice %arg8[%dma_start3A_22, %dma_start3A_23] : memref<10240x128xf32, #tpu.memory_space<vmem_shared>> -> memref<10240x128xf32, #tpu.memory_space<vmem_shared>>
        tpu.enqueue_indirect_dma source(%arg7 : memref<128x128xf32, #tpu.memory_space<vmem>>) target(%dma_start3A_24 : memref<10240x128xf32, #tpu.memory_space<vmem_shared>>) offsets(%dma_start3A_21 : memref<128xi32, #tpu.memory_space<vmem>>) semaphore(%run_scoped3A_19 : memref<!tpu.dma_semaphore, #tpu.memory_space<semaphore_mem>>) {add = true}
        %dma_wait3A = arith.constant 0 : i32
        %dma_wait3A_25 = tpu.memref_slice %arg6[%run_scoped3A_13, %dma_wait3A] : memref<8x128xi32, #tpu.memory_space<vmem>> -> memref<1x128xi32, #tpu.memory_space<vmem>>
        %dma_wait3A_26 = tpu.memref_squeeze %dma_wait3A_25 : memref<1x128xi32, #tpu.memory_space<vmem>> -> memref<128xi32, #tpu.memory_space<vmem>>
        %dma_wait3A_27 = arith.constant 0 : i32
        %dma_wait3A_28 = arith.constant 0 : i32
        %dma_wait3A_29 = tpu.memref_slice %arg8[%dma_wait3A_27, %dma_wait3A_28] : memref<10240x128xf32, #tpu.memory_space<vmem_shared>> -> memref<10240x128xf32, #tpu.memory_space<vmem_shared>>
        tpu.wait_indirect_dma semaphore(%run_scoped3A_19 : memref<!tpu.dma_semaphore, #tpu.memory_space<semaphore_mem>>) src(%arg7 : memref<128x128xf32, #tpu.memory_space<vmem>>) dst(%dma_wait3A_29 : memref<10240x128xf32, #tpu.memory_space<vmem_shared>>)
        tpu.yield
      }) : () -> ()
      %run_scoped3A_14 = arith.constant 3 : i32
      "tpu.region"() ({
        %run_scoped3A_19 = tpu.sem_alloc : memref<!tpu.dma_semaphore, #tpu.memory_space<semaphore_mem>>
        %dma_start3A = arith.constant 0 : i32
        %dma_start3A_20 = tpu.memref_slice %arg6[%run_scoped3A_14, %dma_start3A] : memref<8x128xi32, #tpu.memory_space<vmem>> -> memref<1x128xi32, #tpu.memory_space<vmem>>
        %dma_start3A_21 = tpu.memref_squeeze %dma_start3A_20 : memref<1x128xi32, #tpu.memory_space<vmem>> -> memref<128xi32, #tpu.memory_space<vmem>>
        %dma_start3A_22 = arith.constant 0 : i32
        %dma_start3A_23 = arith.constant 0 : i32
        %dma_start3A_24 = tpu.memref_slice %arg8[%dma_start3A_22, %dma_start3A_23] : memref<10240x128xf32, #tpu.memory_space<vmem_shared>> -> memref<10240x128xf32, #tpu.memory_space<vmem_shared>>
        tpu.enqueue_indirect_dma source(%arg7 : memref<128x128xf32, #tpu.memory_space<vmem>>) target(%dma_start3A_24 : memref<10240x128xf32, #tpu.memory_space<vmem_shared>>) offsets(%dma_start3A_21 : memref<128xi32, #tpu.memory_space<vmem>>) semaphore(%run_scoped3A_19 : memref<!tpu.dma_semaphore, #tpu.memory_space<semaphore_mem>>) {add = true}
        %dma_wait3A = arith.constant 0 : i32
        %dma_wait3A_25 = tpu.memref_slice %arg6[%run_scoped3A_14, %dma_wait3A] : memref<8x128xi32, #tpu.memory_space<vmem>> -> memref<1x128xi32, #tpu.memory_space<vmem>>
        %dma_wait3A_26 = tpu.memref_squeeze %dma_wait3A_25 : memref<1x128xi32, #tpu.memory_space<vmem>> -> memref<128xi32, #tpu.memory_space<vmem>>
        %dma_wait3A_27 = arith.constant 0 : i32
        %dma_wait3A_28 = arith.constant 0 : i32
        %dma_wait3A_29 = tpu.memref_slice %arg8[%dma_wait3A_27, %dma_wait3A_28] : memref<10240x128xf32, #tpu.memory_space<vmem_shared>> -> memref<10240x128xf32, #tpu.memory_space<vmem_shared>>
        tpu.wait_indirect_dma semaphore(%run_scoped3A_19 : memref<!tpu.dma_semaphore, #tpu.memory_space<semaphore_mem>>) src(%arg7 : memref<128x128xf32, #tpu.memory_space<vmem>>) dst(%dma_wait3A_29 : memref<10240x128xf32, #tpu.memory_space<vmem_shared>>)
        tpu.yield
      }) : () -> ()
      %run_scoped3A_15 = arith.constant 4 : i32
      "tpu.region"() ({
        %run_scoped3A_19 = tpu.sem_alloc : memref<!tpu.dma_semaphore, #tpu.memory_space<semaphore_mem>>
        %dma_start3A = arith.constant 0 : i32
        %dma_start3A_20 = tpu.memref_slice %arg6[%run_scoped3A_15, %dma_start3A] : memref<8x128xi32, #tpu.memory_space<vmem>> -> memref<1x128xi32, #tpu.memory_space<vmem>>
        %dma_start3A_21 = tpu.memref_squeeze %dma_start3A_20 : memref<1x128xi32, #tpu.memory_space<vmem>> -> memref<128xi32, #tpu.memory_space<vmem>>
        %dma_start3A_22 = arith.constant 0 : i32
        %dma_start3A_23 = arith.constant 0 : i32
        %dma_start3A_24 = tpu.memref_slice %arg8[%dma_start3A_22, %dma_start3A_23] : memref<10240x128xf32, #tpu.memory_space<vmem_shared>> -> memref<10240x128xf32, #tpu.memory_space<vmem_shared>>
        tpu.enqueue_indirect_dma source(%arg7 : memref<128x128xf32, #tpu.memory_space<vmem>>) target(%dma_start3A_24 : memref<10240x128xf32, #tpu.memory_space<vmem_shared>>) offsets(%dma_start3A_21 : memref<128xi32, #tpu.memory_space<vmem>>) semaphore(%run_scoped3A_19 : memref<!tpu.dma_semaphore, #tpu.memory_space<semaphore_mem>>) {add = true}
        %dma_wait3A = arith.constant 0 : i32
        %dma_wait3A_25 = tpu.memref_slice %arg6[%run_scoped3A_15, %dma_wait3A] : memref<8x128xi32, #tpu.memory_space<vmem>> -> memref<1x128xi32, #tpu.memory_space<vmem>>
        %dma_wait3A_26 = tpu.memref_squeeze %dma_wait3A_25 : memref<1x128xi32, #tpu.memory_space<vmem>> -> memref<128xi32, #tpu.memory_space<vmem>>
        %dma_wait3A_27 = arith.constant 0 : i32
        %dma_wait3A_28 = arith.constant 0 : i32
        %dma_wait3A_29 = tpu.memref_slice %arg8[%dma_wait3A_27, %dma_wait3A_28] : memref<10240x128xf32, #tpu.memory_space<vmem_shared>> -> memref<10240x128xf32, #tpu.memory_space<vmem_shared>>
        tpu.wait_indirect_dma semaphore(%run_scoped3A_19 : memref<!tpu.dma_semaphore, #tpu.memory_space<semaphore_mem>>) src(%arg7 : memref<128x128xf32, #tpu.memory_space<vmem>>) dst(%dma_wait3A_29 : memref<10240x128xf32, #tpu.memory_space<vmem_shared>>)
        tpu.yield
      }) : () -> ()
      %run_scoped3A_16 = arith.constant 5 : i32
      "tpu.region"() ({
        %run_scoped3A_19 = tpu.sem_alloc : memref<!tpu.dma_semaphore, #tpu.memory_space<semaphore_mem>>
        %dma_start3A = arith.constant 0 : i32
        %dma_start3A_20 = tpu.memref_slice %arg6[%run_scoped3A_16, %dma_start3A] : memref<8x128xi32, #tpu.memory_space<vmem>> -> memref<1x128xi32, #tpu.memory_space<vmem>>
        %dma_start3A_21 = tpu.memref_squeeze %dma_start3A_20 : memref<1x128xi32, #tpu.memory_space<vmem>> -> memref<128xi32, #tpu.memory_space<vmem>>
        %dma_start3A_22 = arith.constant 0 : i32
        %dma_start3A_23 = arith.constant 0 : i32
        %dma_start3A_24 = tpu.memref_slice %arg8[%dma_start3A_22, %dma_start3A_23] : memref<10240x128xf32, #tpu.memory_space<vmem_shared>> -> memref<10240x128xf32, #tpu.memory_space<vmem_shared>>
        tpu.enqueue_indirect_dma source(%arg7 : memref<128x128xf32, #tpu.memory_space<vmem>>) target(%dma_start3A_24 : memref<10240x128xf32, #tpu.memory_space<vmem_shared>>) offsets(%dma_start3A_21 : memref<128xi32, #tpu.memory_space<vmem>>) semaphore(%run_scoped3A_19 : memref<!tpu.dma_semaphore, #tpu.memory_space<semaphore_mem>>) {add = true}
        %dma_wait3A = arith.constant 0 : i32
        %dma_wait3A_25 = tpu.memref_slice %arg6[%run_scoped3A_16, %dma_wait3A] : memref<8x128xi32, #tpu.memory_space<vmem>> -> memref<1x128xi32, #tpu.memory_space<vmem>>
        %dma_wait3A_26 = tpu.memref_squeeze %dma_wait3A_25 : memref<1x128xi32, #tpu.memory_space<vmem>> -> memref<128xi32, #tpu.memory_space<vmem>>
        %dma_wait3A_27 = arith.constant 0 : i32
        %dma_wait3A_28 = arith.constant 0 : i32
        %dma_wait3A_29 = tpu.memref_slice %arg8[%dma_wait3A_27, %dma_wait3A_28] : memref<10240x128xf32, #tpu.memory_space<vmem_shared>> -> memref<10240x128xf32, #tpu.memory_space<vmem_shared>>
        tpu.wait_indirect_dma semaphore(%run_scoped3A_19 : memref<!tpu.dma_semaphore, #tpu.memory_space<semaphore_mem>>) src(%arg7 : memref<128x128xf32, #tpu.memory_space<vmem>>) dst(%dma_wait3A_29 : memref<10240x128xf32, #tpu.memory_space<vmem_shared>>)
        tpu.yield
      }) : () -> ()
      %run_scoped3A_17 = arith.constant 6 : i32
      "tpu.region"() ({
        %run_scoped3A_19 = tpu.sem_alloc : memref<!tpu.dma_semaphore, #tpu.memory_space<semaphore_mem>>
        %dma_start3A = arith.constant 0 : i32
        %dma_start3A_20 = tpu.memref_slice %arg6[%run_scoped3A_17, %dma_start3A] : memref<8x128xi32, #tpu.memory_space<vmem>> -> memref<1x128xi32, #tpu.memory_space<vmem>>
        %dma_start3A_21 = tpu.memref_squeeze %dma_start3A_20 : memref<1x128xi32, #tpu.memory_space<vmem>> -> memref<128xi32, #tpu.memory_space<vmem>>
        %dma_start3A_22 = arith.constant 0 : i32
        %dma_start3A_23 = arith.constant 0 : i32
        %dma_start3A_24 = tpu.memref_slice %arg8[%dma_start3A_22, %dma_start3A_23] : memref<10240x128xf32, #tpu.memory_space<vmem_shared>> -> memref<10240x128xf32, #tpu.memory_space<vmem_shared>>
        tpu.enqueue_indirect_dma source(%arg7 : memref<128x128xf32, #tpu.memory_space<vmem>>) target(%dma_start3A_24 : memref<10240x128xf32, #tpu.memory_space<vmem_shared>>) offsets(%dma_start3A_21 : memref<128xi32, #tpu.memory_space<vmem>>) semaphore(%run_scoped3A_19 : memref<!tpu.dma_semaphore, #tpu.memory_space<semaphore_mem>>) {add = true}
        %dma_wait3A = arith.constant 0 : i32
        %dma_wait3A_25 = tpu.memref_slice %arg6[%run_scoped3A_17, %dma_wait3A] : memref<8x128xi32, #tpu.memory_space<vmem>> -> memref<1x128xi32, #tpu.memory_space<vmem>>
        %dma_wait3A_26 = tpu.memref_squeeze %dma_wait3A_25 : memref<1x128xi32, #tpu.memory_space<vmem>> -> memref<128xi32, #tpu.memory_space<vmem>>
        %dma_wait3A_27 = arith.constant 0 : i32
        %dma_wait3A_28 = arith.constant 0 : i32
        %dma_wait3A_29 = tpu.memref_slice %arg8[%dma_wait3A_27, %dma_wait3A_28] : memref<10240x128xf32, #tpu.memory_space<vmem_shared>> -> memref<10240x128xf32, #tpu.memory_space<vmem_shared>>
        tpu.wait_indirect_dma semaphore(%run_scoped3A_19 : memref<!tpu.dma_semaphore, #tpu.memory_space<semaphore_mem>>) src(%arg7 : memref<128x128xf32, #tpu.memory_space<vmem>>) dst(%dma_wait3A_29 : memref<10240x128xf32, #tpu.memory_space<vmem_shared>>)
        tpu.yield
      }) : () -> ()
      %run_scoped3A_18 = arith.constant 7 : i32
      "tpu.region"() ({
        %run_scoped3A_19 = tpu.sem_alloc : memref<!tpu.dma_semaphore, #tpu.memory_space<semaphore_mem>>
        %dma_start3A = arith.constant 0 : i32
        %dma_start3A_20 = tpu.memref_slice %arg6[%run_scoped3A_18, %dma_start3A] : memref<8x128xi32, #tpu.memory_space<vmem>> -> memref<1x128xi32, #tpu.memory_space<vmem>>
        %dma_start3A_21 = tpu.memref_squeeze %dma_start3A_20 : memref<1x128xi32, #tpu.memory_space<vmem>> -> memref<128xi32, #tpu.memory_space<vmem>>
        %dma_start3A_22 = arith.constant 0 : i32
        %dma_start3A_23 = arith.constant 0 : i32
        %dma_start3A_24 = tpu.memref_slice %arg8[%dma_start3A_22, %dma_start3A_23] : memref<10240x128xf32, #tpu.memory_space<vmem_shared>> -> memref<10240x128xf32, #tpu.memory_space<vmem_shared>>
        tpu.enqueue_indirect_dma source(%arg7 : memref<128x128xf32, #tpu.memory_space<vmem>>) target(%dma_start3A_24 : memref<10240x128xf32, #tpu.memory_space<vmem_shared>>) offsets(%dma_start3A_21 : memref<128xi32, #tpu.memory_space<vmem>>) semaphore(%run_scoped3A_19 : memref<!tpu.dma_semaphore, #tpu.memory_space<semaphore_mem>>) {add = true}
        %dma_wait3A = arith.constant 0 : i32
        %dma_wait3A_25 = tpu.memref_slice %arg6[%run_scoped3A_18, %dma_wait3A] : memref<8x128xi32, #tpu.memory_space<vmem>> -> memref<1x128xi32, #tpu.memory_space<vmem>>
        %dma_wait3A_26 = tpu.memref_squeeze %dma_wait3A_25 : memref<1x128xi32, #tpu.memory_space<vmem>> -> memref<128xi32, #tpu.memory_space<vmem>>
        %dma_wait3A_27 = arith.constant 0 : i32
        %dma_wait3A_28 = arith.constant 0 : i32
        %dma_wait3A_29 = tpu.memref_slice %arg8[%dma_wait3A_27, %dma_wait3A_28] : memref<10240x128xf32, #tpu.memory_space<vmem_shared>> -> memref<10240x128xf32, #tpu.memory_space<vmem_shared>>
        tpu.wait_indirect_dma semaphore(%run_scoped3A_19 : memref<!tpu.dma_semaphore, #tpu.memory_space<semaphore_mem>>) src(%arg7 : memref<128x128xf32, #tpu.memory_space<vmem>>) dst(%dma_wait3A_29 : memref<10240x128xf32, #tpu.memory_space<vmem_shared>>)
        tpu.yield
      }) : () -> ()
    }
    %scan3A_7 = arith.constant 10 : i32
    %barrier3A_8 = arith.constant 0 : index
    tpu.barrier barrier_id(%barrier3A_8)
    "tpu.region"() ({
      %run_scoped3A = tpu.sem_alloc : memref<!tpu.dma_semaphore, #tpu.memory_space<semaphore_mem>>
      %dma_start3A = arith.constant 0 : i32
      %dma_start3A_9 = tpu.memref_slice %arg5[%arg0, %mul3A_2, %dma_start3A] : memref<2x10240x128xf32, #tpu.memory_space<hbm>> -> memref<1x640x128xf32, #tpu.memory_space<hbm>>
      %dma_start3A_10 = tpu.memref_squeeze %dma_start3A_9 : memref<1x640x128xf32, #tpu.memory_space<hbm>> -> memref<640x128xf32, #tpu.memory_space<hbm>>
      %dma_start3A_11 = arith.constant 0 : i32
      %dma_start3A_12 = tpu.memref_slice %arg8[%mul3A_2, %dma_start3A_11] : memref<10240x128xf32, #tpu.memory_space<vmem_shared>> -> memref<640x128xf32, #tpu.memory_space<vmem_shared>>
      tpu.enqueue_dma source(%dma_start3A_12 : memref<640x128xf32, #tpu.memory_space<vmem_shared>>) target(%dma_start3A_10 : memref<640x128xf32, #tpu.memory_space<hbm>>) target_semaphore(%run_scoped3A : memref<!tpu.dma_semaphore, #tpu.memory_space<semaphore_mem>>)
      %dma_wait3A = arith.constant 0 : i32
      %dma_wait3A_13 = tpu.memref_slice %arg5[%arg0, %mul3A_2, %dma_wait3A] : memref<2x10240x128xf32, #tpu.memory_space<hbm>> -> memref<1x640x128xf32, #tpu.memory_space<hbm>>
      %dma_wait3A_14 = tpu.memref_squeeze %dma_wait3A_13 : memref<1x640x128xf32, #tpu.memory_space<hbm>> -> memref<640x128xf32, #tpu.memory_space<hbm>>
      %dma_wait3A_15 = arith.constant 0 : i32
      %dma_wait3A_16 = tpu.memref_slice %arg8[%mul3A_2, %dma_wait3A_15] : memref<10240x128xf32, #tpu.memory_space<vmem_shared>> -> memref<640x128xf32, #tpu.memory_space<vmem_shared>>
      tpu.wait_dma2 semaphore(%run_scoped3A : memref<!tpu.dma_semaphore, #tpu.memory_space<semaphore_mem>>) src(%dma_wait3A_16 : memref<640x128xf32, #tpu.memory_space<vmem_shared>>) dst(%dma_wait3A_14 : memref<640x128xf32, #tpu.memory_space<hbm>>)
      tpu.yield
    }) : () -> ()
    return
  }
}

#map = affine_map<(d0, d1) -> (0, 0, 0)>
#map1 = affine_map<(d0, d1) -> (0, 0)>
module attributes {stable_mosaic.version = 14 : i64} {
  func.func @_edge_body(%arg0: i32, %arg1: i32, %arg2: memref<32x112x128xi32, #tpu.memory_space<hbm>>, %arg3: memref<32x112x128xi32, #tpu.memory_space<hbm>>, %arg4: memref<10240x128xf32, #tpu.memory_space<hbm>>, %arg5: memref<10240x128xf32, #tpu.memory_space<hbm>>, %arg6: memref<2x10240x128xf32, #tpu.memory_space<hbm>>, %arg7: memref<8x128xi32, #tpu.memory_space<vmem>>, %arg8: memref<8x128xi32, #tpu.memory_space<vmem>>, %arg9: memref<128x128xf32, #tpu.memory_space<vmem>>, %arg10: memref<10240x128xf32, #tpu.memory_space<vmem_shared>>, %arg11: memref<!tpu.dma_semaphore, #tpu.memory_space<semaphore_mem>>) attributes {dimension_semantics = [#tpu.dimension_semantics<core_parallel>, #tpu.dimension_semantics<subcore_parallel>], iteration_bounds = array<i64: 2, 16>, scalar_prefetch = 0 : i64, scratch_operands = 5 : i64, tpu.core_type = #tpu.core_type<sc_vector_subcore>, window_params = [{transform_indices = #map}, {transform_indices = #map}, {transform_indices = #map1}, {transform_indices = #map1}, {transform_indices = #map}]} {
    %mul3A = arith.constant 2 : i32
    %mul3A_0 = arith.muli %arg1, %mul3A : i32
    %add3A = arith.addi %mul3A_0, %arg0 : i32
    %mul3A_1 = arith.constant 640 : i32
    %mul3A_2 = arith.muli %arg1, %mul3A_1 : i32
    %eq3A = arith.constant 0 : i32
    %eq3A_3 = arith.cmpi eq, %arg0, %eq3A : i32
    %select_n3A = arith.constant 6 : i32
    %select_n3A_4 = arith.constant 14 : i32
    %select_n3A_5 = arith.select %eq3A_3, %select_n3A_4, %select_n3A : i32
    "tpu.region"() ({
      %run_scoped3A = tpu.sem_alloc : memref<!tpu.dma_semaphore, #tpu.memory_space<semaphore_mem>>
      %dma_start3A = arith.constant 0 : i32
      %dma_start3A_16 = tpu.memref_slice %arg10[%mul3A_2, %dma_start3A] : memref<10240x128xf32, #tpu.memory_space<vmem_shared>> -> memref<640x128xf32, #tpu.memory_space<vmem_shared>>
      %dma_start3A_17 = arith.constant 0 : i32
      %dma_start3A_18 = tpu.memref_slice %arg5[%mul3A_2, %dma_start3A_17] : memref<10240x128xf32, #tpu.memory_space<hbm>> -> memref<640x128xf32, #tpu.memory_space<hbm>>
      tpu.enqueue_dma source(%dma_start3A_18 : memref<640x128xf32, #tpu.memory_space<hbm>>) target(%dma_start3A_16 : memref<640x128xf32, #tpu.memory_space<vmem_shared>>) target_semaphore(%run_scoped3A : memref<!tpu.dma_semaphore, #tpu.memory_space<semaphore_mem>>)
      %dma_wait3A = arith.constant 0 : i32
      %dma_wait3A_19 = tpu.memref_slice %arg10[%mul3A_2, %dma_wait3A] : memref<10240x128xf32, #tpu.memory_space<vmem_shared>> -> memref<640x128xf32, #tpu.memory_space<vmem_shared>>
      %dma_wait3A_20 = arith.constant 0 : i32
      %dma_wait3A_21 = tpu.memref_slice %arg5[%mul3A_2, %dma_wait3A_20] : memref<10240x128xf32, #tpu.memory_space<hbm>> -> memref<640x128xf32, #tpu.memory_space<hbm>>
      tpu.wait_dma2 semaphore(%run_scoped3A : memref<!tpu.dma_semaphore, #tpu.memory_space<semaphore_mem>>) src(%dma_wait3A_21 : memref<640x128xf32, #tpu.memory_space<hbm>>) dst(%dma_wait3A_19 : memref<640x128xf32, #tpu.memory_space<vmem_shared>>)
      tpu.yield
    }) : () -> ()
    %barrier3A = arith.constant 0 : index
    tpu.barrier barrier_id(%barrier3A)
    %while3A = arith.constant 0 : i32
    %while3A_6 = arith.constant 0 : i32
    %while3A_7 = arith.subi %select_n3A_5, %while3A_6 : i32
    %while3A_8 = arith.addi %while3A_6, %while3A_7 : i32
    %while3A_9 = arith.constant 1 : i32
    %while3A_10 = arith.divsi %while3A_7, %while3A_9 : i32
    %while3A_11 = arith.muli %while3A_10, %while3A_9 : i32
    %while3A_12 = arith.addi %while3A_6, %while3A_11 : i32
    %while3A_13 = arith.constant 1 : i32
    scf.for %while3A_16 = %while3A_6 to %while3A_12 step %while3A_13  : i32 {
      %mul3A_17 = arith.constant 8 : i32
      %mul3A_18 = arith.muli %while3A_16, %mul3A_17 : i32
      "tpu.region"() ({
        %run_scoped3A_138 = tpu.sem_alloc : memref<!tpu.dma_semaphore, #tpu.memory_space<semaphore_mem>>
        %dma_start3A_139 = arith.constant 0 : i32
        %dma_start3A_140 = tpu.memref_slice %arg2[%add3A, %mul3A_18, %dma_start3A_139] : memref<32x112x128xi32, #tpu.memory_space<hbm>> -> memref<1x8x128xi32, #tpu.memory_space<hbm>>
        %dma_start3A_141 = tpu.memref_squeeze %dma_start3A_140 : memref<1x8x128xi32, #tpu.memory_space<hbm>> -> memref<8x128xi32, #tpu.memory_space<hbm>>
        %dma_start3A_142 = arith.constant 0 : i32
        %dma_start3A_143 = tpu.memref_slice %arg2[%add3A, %mul3A_18, %dma_start3A_142] : memref<32x112x128xi32, #tpu.memory_space<hbm>> -> memref<1x8x128xi32, #tpu.memory_space<hbm>>
        %dma_start3A_144 = tpu.memref_squeeze %dma_start3A_143 : memref<1x8x128xi32, #tpu.memory_space<hbm>> -> memref<8x128xi32, #tpu.memory_space<hbm>>
        tpu.enqueue_dma source(%dma_start3A_144 : memref<8x128xi32, #tpu.memory_space<hbm>>) target(%arg7 : memref<8x128xi32, #tpu.memory_space<vmem>>) target_semaphore(%run_scoped3A_138 : memref<!tpu.dma_semaphore, #tpu.memory_space<semaphore_mem>>)
        %dma_wait3A_145 = arith.constant 0 : i32
        %dma_wait3A_146 = tpu.memref_slice %arg2[%add3A, %mul3A_18, %dma_wait3A_145] : memref<32x112x128xi32, #tpu.memory_space<hbm>> -> memref<1x8x128xi32, #tpu.memory_space<hbm>>
        %dma_wait3A_147 = tpu.memref_squeeze %dma_wait3A_146 : memref<1x8x128xi32, #tpu.memory_space<hbm>> -> memref<8x128xi32, #tpu.memory_space<hbm>>
        %dma_wait3A_148 = arith.constant 0 : i32
        %dma_wait3A_149 = tpu.memref_slice %arg2[%add3A, %mul3A_18, %dma_wait3A_148] : memref<32x112x128xi32, #tpu.memory_space<hbm>> -> memref<1x8x128xi32, #tpu.memory_space<hbm>>
        %dma_wait3A_150 = tpu.memref_squeeze %dma_wait3A_149 : memref<1x8x128xi32, #tpu.memory_space<hbm>> -> memref<8x128xi32, #tpu.memory_space<hbm>>
        tpu.wait_dma2 semaphore(%run_scoped3A_138 : memref<!tpu.dma_semaphore, #tpu.memory_space<semaphore_mem>>) src(%dma_wait3A_150 : memref<8x128xi32, #tpu.memory_space<hbm>>) dst(%arg7 : memref<8x128xi32, #tpu.memory_space<vmem>>)
        tpu.yield
      }) : () -> ()
      %mul3A_19 = arith.constant 8 : i32
      %mul3A_20 = arith.muli %while3A_16, %mul3A_19 : i32
      "tpu.region"() ({
        %run_scoped3A_138 = tpu.sem_alloc : memref<!tpu.dma_semaphore, #tpu.memory_space<semaphore_mem>>
        %dma_start3A_139 = arith.constant 0 : i32
        %dma_start3A_140 = tpu.memref_slice %arg3[%add3A, %mul3A_20, %dma_start3A_139] : memref<32x112x128xi32, #tpu.memory_space<hbm>> -> memref<1x8x128xi32, #tpu.memory_space<hbm>>
        %dma_start3A_141 = tpu.memref_squeeze %dma_start3A_140 : memref<1x8x128xi32, #tpu.memory_space<hbm>> -> memref<8x128xi32, #tpu.memory_space<hbm>>
        %dma_start3A_142 = arith.constant 0 : i32
        %dma_start3A_143 = tpu.memref_slice %arg3[%add3A, %mul3A_20, %dma_start3A_142] : memref<32x112x128xi32, #tpu.memory_space<hbm>> -> memref<1x8x128xi32, #tpu.memory_space<hbm>>
        %dma_start3A_144 = tpu.memref_squeeze %dma_start3A_143 : memref<1x8x128xi32, #tpu.memory_space<hbm>> -> memref<8x128xi32, #tpu.memory_space<hbm>>
        tpu.enqueue_dma source(%dma_start3A_144 : memref<8x128xi32, #tpu.memory_space<hbm>>) target(%arg8 : memref<8x128xi32, #tpu.memory_space<vmem>>) target_semaphore(%run_scoped3A_138 : memref<!tpu.dma_semaphore, #tpu.memory_space<semaphore_mem>>)
        %dma_wait3A_145 = arith.constant 0 : i32
        %dma_wait3A_146 = tpu.memref_slice %arg3[%add3A, %mul3A_20, %dma_wait3A_145] : memref<32x112x128xi32, #tpu.memory_space<hbm>> -> memref<1x8x128xi32, #tpu.memory_space<hbm>>
        %dma_wait3A_147 = tpu.memref_squeeze %dma_wait3A_146 : memref<1x8x128xi32, #tpu.memory_space<hbm>> -> memref<8x128xi32, #tpu.memory_space<hbm>>
        %dma_wait3A_148 = arith.constant 0 : i32
        %dma_wait3A_149 = tpu.memref_slice %arg3[%add3A, %mul3A_20, %dma_wait3A_148] : memref<32x112x128xi32, #tpu.memory_space<hbm>> -> memref<1x8x128xi32, #tpu.memory_space<hbm>>
        %dma_wait3A_150 = tpu.memref_squeeze %dma_wait3A_149 : memref<1x8x128xi32, #tpu.memory_space<hbm>> -> memref<8x128xi32, #tpu.memory_space<hbm>>
        tpu.wait_dma2 semaphore(%run_scoped3A_138 : memref<!tpu.dma_semaphore, #tpu.memory_space<semaphore_mem>>) src(%dma_wait3A_150 : memref<8x128xi32, #tpu.memory_space<hbm>>) dst(%arg8 : memref<8x128xi32, #tpu.memory_space<vmem>>)
        tpu.yield
      }) : () -> ()
      %dma_start3A = arith.constant 0 : i32
      %dma_start3A_21 = arith.constant 0 : i32
      %dma_start3A_22 = tpu.memref_slice %arg7[%dma_start3A, %dma_start3A_21] : memref<8x128xi32, #tpu.memory_space<vmem>> -> memref<1x128xi32, #tpu.memory_space<vmem>>
      %dma_start3A_23 = tpu.memref_squeeze %dma_start3A_22 : memref<1x128xi32, #tpu.memory_space<vmem>> -> memref<128xi32, #tpu.memory_space<vmem>>
      %dma_start3A_24 = arith.constant 0 : i32
      %dma_start3A_25 = arith.constant 0 : i32
      %dma_start3A_26 = tpu.memref_slice %arg4[%dma_start3A_24, %dma_start3A_25] : memref<10240x128xf32, #tpu.memory_space<hbm>> -> memref<10240x128xf32, #tpu.memory_space<hbm>>
      tpu.enqueue_indirect_dma source(%dma_start3A_26 : memref<10240x128xf32, #tpu.memory_space<hbm>>) target(%arg9 : memref<128x128xf32, #tpu.memory_space<vmem>>) offsets(%dma_start3A_23 : memref<128xi32, #tpu.memory_space<vmem>>) semaphore(%arg11 : memref<!tpu.dma_semaphore, #tpu.memory_space<semaphore_mem>>)
      %dma_wait3A = arith.constant 0 : i32
      %dma_wait3A_27 = arith.constant 0 : i32
      %dma_wait3A_28 = tpu.memref_slice %arg7[%dma_wait3A, %dma_wait3A_27] : memref<8x128xi32, #tpu.memory_space<vmem>> -> memref<1x128xi32, #tpu.memory_space<vmem>>
      %dma_wait3A_29 = tpu.memref_squeeze %dma_wait3A_28 : memref<1x128xi32, #tpu.memory_space<vmem>> -> memref<128xi32, #tpu.memory_space<vmem>>
      %dma_wait3A_30 = arith.constant 0 : i32
      %dma_wait3A_31 = arith.constant 0 : i32
      %dma_wait3A_32 = tpu.memref_slice %arg4[%dma_wait3A_30, %dma_wait3A_31] : memref<10240x128xf32, #tpu.memory_space<hbm>> -> memref<10240x128xf32, #tpu.memory_space<hbm>>
      tpu.wait_indirect_dma semaphore(%arg11 : memref<!tpu.dma_semaphore, #tpu.memory_space<semaphore_mem>>) src(%dma_wait3A_32 : memref<10240x128xf32, #tpu.memory_space<hbm>>) dst(%arg9 : memref<128x128xf32, #tpu.memory_space<vmem>>)
      %run_scoped3A = arith.constant 0 : i32
      "tpu.region"() ({
        %run_scoped3A_138 = tpu.sem_alloc : memref<!tpu.dma_semaphore, #tpu.memory_space<semaphore_mem>>
        %dma_start3A_139 = arith.constant 0 : i32
        %dma_start3A_140 = tpu.memref_slice %arg8[%run_scoped3A, %dma_start3A_139] : memref<8x128xi32, #tpu.memory_space<vmem>> -> memref<1x128xi32, #tpu.memory_space<vmem>>
        %dma_start3A_141 = tpu.memref_squeeze %dma_start3A_140 : memref<1x128xi32, #tpu.memory_space<vmem>> -> memref<128xi32, #tpu.memory_space<vmem>>
        %dma_start3A_142 = arith.constant 0 : i32
        %dma_start3A_143 = arith.constant 0 : i32
        %dma_start3A_144 = tpu.memref_slice %arg10[%dma_start3A_142, %dma_start3A_143] : memref<10240x128xf32, #tpu.memory_space<vmem_shared>> -> memref<10240x128xf32, #tpu.memory_space<vmem_shared>>
        tpu.enqueue_indirect_dma source(%arg9 : memref<128x128xf32, #tpu.memory_space<vmem>>) target(%dma_start3A_144 : memref<10240x128xf32, #tpu.memory_space<vmem_shared>>) offsets(%dma_start3A_141 : memref<128xi32, #tpu.memory_space<vmem>>) semaphore(%run_scoped3A_138 : memref<!tpu.dma_semaphore, #tpu.memory_space<semaphore_mem>>) {add = true}
        %dma_wait3A_145 = arith.constant 0 : i32
        %dma_wait3A_146 = tpu.memref_slice %arg8[%run_scoped3A, %dma_wait3A_145] : memref<8x128xi32, #tpu.memory_space<vmem>> -> memref<1x128xi32, #tpu.memory_space<vmem>>
        %dma_wait3A_147 = tpu.memref_squeeze %dma_wait3A_146 : memref<1x128xi32, #tpu.memory_space<vmem>> -> memref<128xi32, #tpu.memory_space<vmem>>
        %dma_wait3A_148 = arith.constant 0 : i32
        %dma_wait3A_149 = arith.constant 0 : i32
        %dma_wait3A_150 = tpu.memref_slice %arg10[%dma_wait3A_148, %dma_wait3A_149] : memref<10240x128xf32, #tpu.memory_space<vmem_shared>> -> memref<10240x128xf32, #tpu.memory_space<vmem_shared>>
        tpu.wait_indirect_dma semaphore(%run_scoped3A_138 : memref<!tpu.dma_semaphore, #tpu.memory_space<semaphore_mem>>) src(%arg9 : memref<128x128xf32, #tpu.memory_space<vmem>>) dst(%dma_wait3A_150 : memref<10240x128xf32, #tpu.memory_space<vmem_shared>>)
        tpu.yield
      }) : () -> ()
      %dma_start3A_33 = arith.constant 1 : i32
      %dma_start3A_34 = arith.constant 0 : i32
      %dma_start3A_35 = tpu.memref_slice %arg7[%dma_start3A_33, %dma_start3A_34] : memref<8x128xi32, #tpu.memory_space<vmem>> -> memref<1x128xi32, #tpu.memory_space<vmem>>
      %dma_start3A_36 = tpu.memref_squeeze %dma_start3A_35 : memref<1x128xi32, #tpu.memory_space<vmem>> -> memref<128xi32, #tpu.memory_space<vmem>>
      %dma_start3A_37 = arith.constant 0 : i32
      %dma_start3A_38 = arith.constant 0 : i32
      %dma_start3A_39 = tpu.memref_slice %arg4[%dma_start3A_37, %dma_start3A_38] : memref<10240x128xf32, #tpu.memory_space<hbm>> -> memref<10240x128xf32, #tpu.memory_space<hbm>>
      tpu.enqueue_indirect_dma source(%dma_start3A_39 : memref<10240x128xf32, #tpu.memory_space<hbm>>) target(%arg9 : memref<128x128xf32, #tpu.memory_space<vmem>>) offsets(%dma_start3A_36 : memref<128xi32, #tpu.memory_space<vmem>>) semaphore(%arg11 : memref<!tpu.dma_semaphore, #tpu.memory_space<semaphore_mem>>)
      %dma_wait3A_40 = arith.constant 1 : i32
      %dma_wait3A_41 = arith.constant 0 : i32
      %dma_wait3A_42 = tpu.memref_slice %arg7[%dma_wait3A_40, %dma_wait3A_41] : memref<8x128xi32, #tpu.memory_space<vmem>> -> memref<1x128xi32, #tpu.memory_space<vmem>>
      %dma_wait3A_43 = tpu.memref_squeeze %dma_wait3A_42 : memref<1x128xi32, #tpu.memory_space<vmem>> -> memref<128xi32, #tpu.memory_space<vmem>>
      %dma_wait3A_44 = arith.constant 0 : i32
      %dma_wait3A_45 = arith.constant 0 : i32
      %dma_wait3A_46 = tpu.memref_slice %arg4[%dma_wait3A_44, %dma_wait3A_45] : memref<10240x128xf32, #tpu.memory_space<hbm>> -> memref<10240x128xf32, #tpu.memory_space<hbm>>
      tpu.wait_indirect_dma semaphore(%arg11 : memref<!tpu.dma_semaphore, #tpu.memory_space<semaphore_mem>>) src(%dma_wait3A_46 : memref<10240x128xf32, #tpu.memory_space<hbm>>) dst(%arg9 : memref<128x128xf32, #tpu.memory_space<vmem>>)
      %run_scoped3A_47 = arith.constant 1 : i32
      "tpu.region"() ({
        %run_scoped3A_138 = tpu.sem_alloc : memref<!tpu.dma_semaphore, #tpu.memory_space<semaphore_mem>>
        %dma_start3A_139 = arith.constant 0 : i32
        %dma_start3A_140 = tpu.memref_slice %arg8[%run_scoped3A_47, %dma_start3A_139] : memref<8x128xi32, #tpu.memory_space<vmem>> -> memref<1x128xi32, #tpu.memory_space<vmem>>
        %dma_start3A_141 = tpu.memref_squeeze %dma_start3A_140 : memref<1x128xi32, #tpu.memory_space<vmem>> -> memref<128xi32, #tpu.memory_space<vmem>>
        %dma_start3A_142 = arith.constant 0 : i32
        %dma_start3A_143 = arith.constant 0 : i32
        %dma_start3A_144 = tpu.memref_slice %arg10[%dma_start3A_142, %dma_start3A_143] : memref<10240x128xf32, #tpu.memory_space<vmem_shared>> -> memref<10240x128xf32, #tpu.memory_space<vmem_shared>>
        tpu.enqueue_indirect_dma source(%arg9 : memref<128x128xf32, #tpu.memory_space<vmem>>) target(%dma_start3A_144 : memref<10240x128xf32, #tpu.memory_space<vmem_shared>>) offsets(%dma_start3A_141 : memref<128xi32, #tpu.memory_space<vmem>>) semaphore(%run_scoped3A_138 : memref<!tpu.dma_semaphore, #tpu.memory_space<semaphore_mem>>) {add = true}
        %dma_wait3A_145 = arith.constant 0 : i32
        %dma_wait3A_146 = tpu.memref_slice %arg8[%run_scoped3A_47, %dma_wait3A_145] : memref<8x128xi32, #tpu.memory_space<vmem>> -> memref<1x128xi32, #tpu.memory_space<vmem>>
        %dma_wait3A_147 = tpu.memref_squeeze %dma_wait3A_146 : memref<1x128xi32, #tpu.memory_space<vmem>> -> memref<128xi32, #tpu.memory_space<vmem>>
        %dma_wait3A_148 = arith.constant 0 : i32
        %dma_wait3A_149 = arith.constant 0 : i32
        %dma_wait3A_150 = tpu.memref_slice %arg10[%dma_wait3A_148, %dma_wait3A_149] : memref<10240x128xf32, #tpu.memory_space<vmem_shared>> -> memref<10240x128xf32, #tpu.memory_space<vmem_shared>>
        tpu.wait_indirect_dma semaphore(%run_scoped3A_138 : memref<!tpu.dma_semaphore, #tpu.memory_space<semaphore_mem>>) src(%arg9 : memref<128x128xf32, #tpu.memory_space<vmem>>) dst(%dma_wait3A_150 : memref<10240x128xf32, #tpu.memory_space<vmem_shared>>)
        tpu.yield
      }) : () -> ()
      %dma_start3A_48 = arith.constant 2 : i32
      %dma_start3A_49 = arith.constant 0 : i32
      %dma_start3A_50 = tpu.memref_slice %arg7[%dma_start3A_48, %dma_start3A_49] : memref<8x128xi32, #tpu.memory_space<vmem>> -> memref<1x128xi32, #tpu.memory_space<vmem>>
      %dma_start3A_51 = tpu.memref_squeeze %dma_start3A_50 : memref<1x128xi32, #tpu.memory_space<vmem>> -> memref<128xi32, #tpu.memory_space<vmem>>
      %dma_start3A_52 = arith.constant 0 : i32
      %dma_start3A_53 = arith.constant 0 : i32
      %dma_start3A_54 = tpu.memref_slice %arg4[%dma_start3A_52, %dma_start3A_53] : memref<10240x128xf32, #tpu.memory_space<hbm>> -> memref<10240x128xf32, #tpu.memory_space<hbm>>
      tpu.enqueue_indirect_dma source(%dma_start3A_54 : memref<10240x128xf32, #tpu.memory_space<hbm>>) target(%arg9 : memref<128x128xf32, #tpu.memory_space<vmem>>) offsets(%dma_start3A_51 : memref<128xi32, #tpu.memory_space<vmem>>) semaphore(%arg11 : memref<!tpu.dma_semaphore, #tpu.memory_space<semaphore_mem>>)
      %dma_wait3A_55 = arith.constant 2 : i32
      %dma_wait3A_56 = arith.constant 0 : i32
      %dma_wait3A_57 = tpu.memref_slice %arg7[%dma_wait3A_55, %dma_wait3A_56] : memref<8x128xi32, #tpu.memory_space<vmem>> -> memref<1x128xi32, #tpu.memory_space<vmem>>
      %dma_wait3A_58 = tpu.memref_squeeze %dma_wait3A_57 : memref<1x128xi32, #tpu.memory_space<vmem>> -> memref<128xi32, #tpu.memory_space<vmem>>
      %dma_wait3A_59 = arith.constant 0 : i32
      %dma_wait3A_60 = arith.constant 0 : i32
      %dma_wait3A_61 = tpu.memref_slice %arg4[%dma_wait3A_59, %dma_wait3A_60] : memref<10240x128xf32, #tpu.memory_space<hbm>> -> memref<10240x128xf32, #tpu.memory_space<hbm>>
      tpu.wait_indirect_dma semaphore(%arg11 : memref<!tpu.dma_semaphore, #tpu.memory_space<semaphore_mem>>) src(%dma_wait3A_61 : memref<10240x128xf32, #tpu.memory_space<hbm>>) dst(%arg9 : memref<128x128xf32, #tpu.memory_space<vmem>>)
      %run_scoped3A_62 = arith.constant 2 : i32
      "tpu.region"() ({
        %run_scoped3A_138 = tpu.sem_alloc : memref<!tpu.dma_semaphore, #tpu.memory_space<semaphore_mem>>
        %dma_start3A_139 = arith.constant 0 : i32
        %dma_start3A_140 = tpu.memref_slice %arg8[%run_scoped3A_62, %dma_start3A_139] : memref<8x128xi32, #tpu.memory_space<vmem>> -> memref<1x128xi32, #tpu.memory_space<vmem>>
        %dma_start3A_141 = tpu.memref_squeeze %dma_start3A_140 : memref<1x128xi32, #tpu.memory_space<vmem>> -> memref<128xi32, #tpu.memory_space<vmem>>
        %dma_start3A_142 = arith.constant 0 : i32
        %dma_start3A_143 = arith.constant 0 : i32
        %dma_start3A_144 = tpu.memref_slice %arg10[%dma_start3A_142, %dma_start3A_143] : memref<10240x128xf32, #tpu.memory_space<vmem_shared>> -> memref<10240x128xf32, #tpu.memory_space<vmem_shared>>
        tpu.enqueue_indirect_dma source(%arg9 : memref<128x128xf32, #tpu.memory_space<vmem>>) target(%dma_start3A_144 : memref<10240x128xf32, #tpu.memory_space<vmem_shared>>) offsets(%dma_start3A_141 : memref<128xi32, #tpu.memory_space<vmem>>) semaphore(%run_scoped3A_138 : memref<!tpu.dma_semaphore, #tpu.memory_space<semaphore_mem>>) {add = true}
        %dma_wait3A_145 = arith.constant 0 : i32
        %dma_wait3A_146 = tpu.memref_slice %arg8[%run_scoped3A_62, %dma_wait3A_145] : memref<8x128xi32, #tpu.memory_space<vmem>> -> memref<1x128xi32, #tpu.memory_space<vmem>>
        %dma_wait3A_147 = tpu.memref_squeeze %dma_wait3A_146 : memref<1x128xi32, #tpu.memory_space<vmem>> -> memref<128xi32, #tpu.memory_space<vmem>>
        %dma_wait3A_148 = arith.constant 0 : i32
        %dma_wait3A_149 = arith.constant 0 : i32
        %dma_wait3A_150 = tpu.memref_slice %arg10[%dma_wait3A_148, %dma_wait3A_149] : memref<10240x128xf32, #tpu.memory_space<vmem_shared>> -> memref<10240x128xf32, #tpu.memory_space<vmem_shared>>
        tpu.wait_indirect_dma semaphore(%run_scoped3A_138 : memref<!tpu.dma_semaphore, #tpu.memory_space<semaphore_mem>>) src(%arg9 : memref<128x128xf32, #tpu.memory_space<vmem>>) dst(%dma_wait3A_150 : memref<10240x128xf32, #tpu.memory_space<vmem_shared>>)
        tpu.yield
      }) : () -> ()
      %dma_start3A_63 = arith.constant 3 : i32
      %dma_start3A_64 = arith.constant 0 : i32
      %dma_start3A_65 = tpu.memref_slice %arg7[%dma_start3A_63, %dma_start3A_64] : memref<8x128xi32, #tpu.memory_space<vmem>> -> memref<1x128xi32, #tpu.memory_space<vmem>>
      %dma_start3A_66 = tpu.memref_squeeze %dma_start3A_65 : memref<1x128xi32, #tpu.memory_space<vmem>> -> memref<128xi32, #tpu.memory_space<vmem>>
      %dma_start3A_67 = arith.constant 0 : i32
      %dma_start3A_68 = arith.constant 0 : i32
      %dma_start3A_69 = tpu.memref_slice %arg4[%dma_start3A_67, %dma_start3A_68] : memref<10240x128xf32, #tpu.memory_space<hbm>> -> memref<10240x128xf32, #tpu.memory_space<hbm>>
      tpu.enqueue_indirect_dma source(%dma_start3A_69 : memref<10240x128xf32, #tpu.memory_space<hbm>>) target(%arg9 : memref<128x128xf32, #tpu.memory_space<vmem>>) offsets(%dma_start3A_66 : memref<128xi32, #tpu.memory_space<vmem>>) semaphore(%arg11 : memref<!tpu.dma_semaphore, #tpu.memory_space<semaphore_mem>>)
      %dma_wait3A_70 = arith.constant 3 : i32
      %dma_wait3A_71 = arith.constant 0 : i32
      %dma_wait3A_72 = tpu.memref_slice %arg7[%dma_wait3A_70, %dma_wait3A_71] : memref<8x128xi32, #tpu.memory_space<vmem>> -> memref<1x128xi32, #tpu.memory_space<vmem>>
      %dma_wait3A_73 = tpu.memref_squeeze %dma_wait3A_72 : memref<1x128xi32, #tpu.memory_space<vmem>> -> memref<128xi32, #tpu.memory_space<vmem>>
      %dma_wait3A_74 = arith.constant 0 : i32
      %dma_wait3A_75 = arith.constant 0 : i32
      %dma_wait3A_76 = tpu.memref_slice %arg4[%dma_wait3A_74, %dma_wait3A_75] : memref<10240x128xf32, #tpu.memory_space<hbm>> -> memref<10240x128xf32, #tpu.memory_space<hbm>>
      tpu.wait_indirect_dma semaphore(%arg11 : memref<!tpu.dma_semaphore, #tpu.memory_space<semaphore_mem>>) src(%dma_wait3A_76 : memref<10240x128xf32, #tpu.memory_space<hbm>>) dst(%arg9 : memref<128x128xf32, #tpu.memory_space<vmem>>)
      %run_scoped3A_77 = arith.constant 3 : i32
      "tpu.region"() ({
        %run_scoped3A_138 = tpu.sem_alloc : memref<!tpu.dma_semaphore, #tpu.memory_space<semaphore_mem>>
        %dma_start3A_139 = arith.constant 0 : i32
        %dma_start3A_140 = tpu.memref_slice %arg8[%run_scoped3A_77, %dma_start3A_139] : memref<8x128xi32, #tpu.memory_space<vmem>> -> memref<1x128xi32, #tpu.memory_space<vmem>>
        %dma_start3A_141 = tpu.memref_squeeze %dma_start3A_140 : memref<1x128xi32, #tpu.memory_space<vmem>> -> memref<128xi32, #tpu.memory_space<vmem>>
        %dma_start3A_142 = arith.constant 0 : i32
        %dma_start3A_143 = arith.constant 0 : i32
        %dma_start3A_144 = tpu.memref_slice %arg10[%dma_start3A_142, %dma_start3A_143] : memref<10240x128xf32, #tpu.memory_space<vmem_shared>> -> memref<10240x128xf32, #tpu.memory_space<vmem_shared>>
        tpu.enqueue_indirect_dma source(%arg9 : memref<128x128xf32, #tpu.memory_space<vmem>>) target(%dma_start3A_144 : memref<10240x128xf32, #tpu.memory_space<vmem_shared>>) offsets(%dma_start3A_141 : memref<128xi32, #tpu.memory_space<vmem>>) semaphore(%run_scoped3A_138 : memref<!tpu.dma_semaphore, #tpu.memory_space<semaphore_mem>>) {add = true}
        %dma_wait3A_145 = arith.constant 0 : i32
        %dma_wait3A_146 = tpu.memref_slice %arg8[%run_scoped3A_77, %dma_wait3A_145] : memref<8x128xi32, #tpu.memory_space<vmem>> -> memref<1x128xi32, #tpu.memory_space<vmem>>
        %dma_wait3A_147 = tpu.memref_squeeze %dma_wait3A_146 : memref<1x128xi32, #tpu.memory_space<vmem>> -> memref<128xi32, #tpu.memory_space<vmem>>
        %dma_wait3A_148 = arith.constant 0 : i32
        %dma_wait3A_149 = arith.constant 0 : i32
        %dma_wait3A_150 = tpu.memref_slice %arg10[%dma_wait3A_148, %dma_wait3A_149] : memref<10240x128xf32, #tpu.memory_space<vmem_shared>> -> memref<10240x128xf32, #tpu.memory_space<vmem_shared>>
        tpu.wait_indirect_dma semaphore(%run_scoped3A_138 : memref<!tpu.dma_semaphore, #tpu.memory_space<semaphore_mem>>) src(%arg9 : memref<128x128xf32, #tpu.memory_space<vmem>>) dst(%dma_wait3A_150 : memref<10240x128xf32, #tpu.memory_space<vmem_shared>>)
        tpu.yield
      }) : () -> ()
      %dma_start3A_78 = arith.constant 4 : i32
      %dma_start3A_79 = arith.constant 0 : i32
      %dma_start3A_80 = tpu.memref_slice %arg7[%dma_start3A_78, %dma_start3A_79] : memref<8x128xi32, #tpu.memory_space<vmem>> -> memref<1x128xi32, #tpu.memory_space<vmem>>
      %dma_start3A_81 = tpu.memref_squeeze %dma_start3A_80 : memref<1x128xi32, #tpu.memory_space<vmem>> -> memref<128xi32, #tpu.memory_space<vmem>>
      %dma_start3A_82 = arith.constant 0 : i32
      %dma_start3A_83 = arith.constant 0 : i32
      %dma_start3A_84 = tpu.memref_slice %arg4[%dma_start3A_82, %dma_start3A_83] : memref<10240x128xf32, #tpu.memory_space<hbm>> -> memref<10240x128xf32, #tpu.memory_space<hbm>>
      tpu.enqueue_indirect_dma source(%dma_start3A_84 : memref<10240x128xf32, #tpu.memory_space<hbm>>) target(%arg9 : memref<128x128xf32, #tpu.memory_space<vmem>>) offsets(%dma_start3A_81 : memref<128xi32, #tpu.memory_space<vmem>>) semaphore(%arg11 : memref<!tpu.dma_semaphore, #tpu.memory_space<semaphore_mem>>)
      %dma_wait3A_85 = arith.constant 4 : i32
      %dma_wait3A_86 = arith.constant 0 : i32
      %dma_wait3A_87 = tpu.memref_slice %arg7[%dma_wait3A_85, %dma_wait3A_86] : memref<8x128xi32, #tpu.memory_space<vmem>> -> memref<1x128xi32, #tpu.memory_space<vmem>>
      %dma_wait3A_88 = tpu.memref_squeeze %dma_wait3A_87 : memref<1x128xi32, #tpu.memory_space<vmem>> -> memref<128xi32, #tpu.memory_space<vmem>>
      %dma_wait3A_89 = arith.constant 0 : i32
      %dma_wait3A_90 = arith.constant 0 : i32
      %dma_wait3A_91 = tpu.memref_slice %arg4[%dma_wait3A_89, %dma_wait3A_90] : memref<10240x128xf32, #tpu.memory_space<hbm>> -> memref<10240x128xf32, #tpu.memory_space<hbm>>
      tpu.wait_indirect_dma semaphore(%arg11 : memref<!tpu.dma_semaphore, #tpu.memory_space<semaphore_mem>>) src(%dma_wait3A_91 : memref<10240x128xf32, #tpu.memory_space<hbm>>) dst(%arg9 : memref<128x128xf32, #tpu.memory_space<vmem>>)
      %run_scoped3A_92 = arith.constant 4 : i32
      "tpu.region"() ({
        %run_scoped3A_138 = tpu.sem_alloc : memref<!tpu.dma_semaphore, #tpu.memory_space<semaphore_mem>>
        %dma_start3A_139 = arith.constant 0 : i32
        %dma_start3A_140 = tpu.memref_slice %arg8[%run_scoped3A_92, %dma_start3A_139] : memref<8x128xi32, #tpu.memory_space<vmem>> -> memref<1x128xi32, #tpu.memory_space<vmem>>
        %dma_start3A_141 = tpu.memref_squeeze %dma_start3A_140 : memref<1x128xi32, #tpu.memory_space<vmem>> -> memref<128xi32, #tpu.memory_space<vmem>>
        %dma_start3A_142 = arith.constant 0 : i32
        %dma_start3A_143 = arith.constant 0 : i32
        %dma_start3A_144 = tpu.memref_slice %arg10[%dma_start3A_142, %dma_start3A_143] : memref<10240x128xf32, #tpu.memory_space<vmem_shared>> -> memref<10240x128xf32, #tpu.memory_space<vmem_shared>>
        tpu.enqueue_indirect_dma source(%arg9 : memref<128x128xf32, #tpu.memory_space<vmem>>) target(%dma_start3A_144 : memref<10240x128xf32, #tpu.memory_space<vmem_shared>>) offsets(%dma_start3A_141 : memref<128xi32, #tpu.memory_space<vmem>>) semaphore(%run_scoped3A_138 : memref<!tpu.dma_semaphore, #tpu.memory_space<semaphore_mem>>) {add = true}
        %dma_wait3A_145 = arith.constant 0 : i32
        %dma_wait3A_146 = tpu.memref_slice %arg8[%run_scoped3A_92, %dma_wait3A_145] : memref<8x128xi32, #tpu.memory_space<vmem>> -> memref<1x128xi32, #tpu.memory_space<vmem>>
        %dma_wait3A_147 = tpu.memref_squeeze %dma_wait3A_146 : memref<1x128xi32, #tpu.memory_space<vmem>> -> memref<128xi32, #tpu.memory_space<vmem>>
        %dma_wait3A_148 = arith.constant 0 : i32
        %dma_wait3A_149 = arith.constant 0 : i32
        %dma_wait3A_150 = tpu.memref_slice %arg10[%dma_wait3A_148, %dma_wait3A_149] : memref<10240x128xf32, #tpu.memory_space<vmem_shared>> -> memref<10240x128xf32, #tpu.memory_space<vmem_shared>>
        tpu.wait_indirect_dma semaphore(%run_scoped3A_138 : memref<!tpu.dma_semaphore, #tpu.memory_space<semaphore_mem>>) src(%arg9 : memref<128x128xf32, #tpu.memory_space<vmem>>) dst(%dma_wait3A_150 : memref<10240x128xf32, #tpu.memory_space<vmem_shared>>)
        tpu.yield
      }) : () -> ()
      %dma_start3A_93 = arith.constant 5 : i32
      %dma_start3A_94 = arith.constant 0 : i32
      %dma_start3A_95 = tpu.memref_slice %arg7[%dma_start3A_93, %dma_start3A_94] : memref<8x128xi32, #tpu.memory_space<vmem>> -> memref<1x128xi32, #tpu.memory_space<vmem>>
      %dma_start3A_96 = tpu.memref_squeeze %dma_start3A_95 : memref<1x128xi32, #tpu.memory_space<vmem>> -> memref<128xi32, #tpu.memory_space<vmem>>
      %dma_start3A_97 = arith.constant 0 : i32
      %dma_start3A_98 = arith.constant 0 : i32
      %dma_start3A_99 = tpu.memref_slice %arg4[%dma_start3A_97, %dma_start3A_98] : memref<10240x128xf32, #tpu.memory_space<hbm>> -> memref<10240x128xf32, #tpu.memory_space<hbm>>
      tpu.enqueue_indirect_dma source(%dma_start3A_99 : memref<10240x128xf32, #tpu.memory_space<hbm>>) target(%arg9 : memref<128x128xf32, #tpu.memory_space<vmem>>) offsets(%dma_start3A_96 : memref<128xi32, #tpu.memory_space<vmem>>) semaphore(%arg11 : memref<!tpu.dma_semaphore, #tpu.memory_space<semaphore_mem>>)
      %dma_wait3A_100 = arith.constant 5 : i32
      %dma_wait3A_101 = arith.constant 0 : i32
      %dma_wait3A_102 = tpu.memref_slice %arg7[%dma_wait3A_100, %dma_wait3A_101] : memref<8x128xi32, #tpu.memory_space<vmem>> -> memref<1x128xi32, #tpu.memory_space<vmem>>
      %dma_wait3A_103 = tpu.memref_squeeze %dma_wait3A_102 : memref<1x128xi32, #tpu.memory_space<vmem>> -> memref<128xi32, #tpu.memory_space<vmem>>
      %dma_wait3A_104 = arith.constant 0 : i32
      %dma_wait3A_105 = arith.constant 0 : i32
      %dma_wait3A_106 = tpu.memref_slice %arg4[%dma_wait3A_104, %dma_wait3A_105] : memref<10240x128xf32, #tpu.memory_space<hbm>> -> memref<10240x128xf32, #tpu.memory_space<hbm>>
      tpu.wait_indirect_dma semaphore(%arg11 : memref<!tpu.dma_semaphore, #tpu.memory_space<semaphore_mem>>) src(%dma_wait3A_106 : memref<10240x128xf32, #tpu.memory_space<hbm>>) dst(%arg9 : memref<128x128xf32, #tpu.memory_space<vmem>>)
      %run_scoped3A_107 = arith.constant 5 : i32
      "tpu.region"() ({
        %run_scoped3A_138 = tpu.sem_alloc : memref<!tpu.dma_semaphore, #tpu.memory_space<semaphore_mem>>
        %dma_start3A_139 = arith.constant 0 : i32
        %dma_start3A_140 = tpu.memref_slice %arg8[%run_scoped3A_107, %dma_start3A_139] : memref<8x128xi32, #tpu.memory_space<vmem>> -> memref<1x128xi32, #tpu.memory_space<vmem>>
        %dma_start3A_141 = tpu.memref_squeeze %dma_start3A_140 : memref<1x128xi32, #tpu.memory_space<vmem>> -> memref<128xi32, #tpu.memory_space<vmem>>
        %dma_start3A_142 = arith.constant 0 : i32
        %dma_start3A_143 = arith.constant 0 : i32
        %dma_start3A_144 = tpu.memref_slice %arg10[%dma_start3A_142, %dma_start3A_143] : memref<10240x128xf32, #tpu.memory_space<vmem_shared>> -> memref<10240x128xf32, #tpu.memory_space<vmem_shared>>
        tpu.enqueue_indirect_dma source(%arg9 : memref<128x128xf32, #tpu.memory_space<vmem>>) target(%dma_start3A_144 : memref<10240x128xf32, #tpu.memory_space<vmem_shared>>) offsets(%dma_start3A_141 : memref<128xi32, #tpu.memory_space<vmem>>) semaphore(%run_scoped3A_138 : memref<!tpu.dma_semaphore, #tpu.memory_space<semaphore_mem>>) {add = true}
        %dma_wait3A_145 = arith.constant 0 : i32
        %dma_wait3A_146 = tpu.memref_slice %arg8[%run_scoped3A_107, %dma_wait3A_145] : memref<8x128xi32, #tpu.memory_space<vmem>> -> memref<1x128xi32, #tpu.memory_space<vmem>>
        %dma_wait3A_147 = tpu.memref_squeeze %dma_wait3A_146 : memref<1x128xi32, #tpu.memory_space<vmem>> -> memref<128xi32, #tpu.memory_space<vmem>>
        %dma_wait3A_148 = arith.constant 0 : i32
        %dma_wait3A_149 = arith.constant 0 : i32
        %dma_wait3A_150 = tpu.memref_slice %arg10[%dma_wait3A_148, %dma_wait3A_149] : memref<10240x128xf32, #tpu.memory_space<vmem_shared>> -> memref<10240x128xf32, #tpu.memory_space<vmem_shared>>
        tpu.wait_indirect_dma semaphore(%run_scoped3A_138 : memref<!tpu.dma_semaphore, #tpu.memory_space<semaphore_mem>>) src(%arg9 : memref<128x128xf32, #tpu.memory_space<vmem>>) dst(%dma_wait3A_150 : memref<10240x128xf32, #tpu.memory_space<vmem_shared>>)
        tpu.yield
      }) : () -> ()
      %dma_start3A_108 = arith.constant 6 : i32
      %dma_start3A_109 = arith.constant 0 : i32
      %dma_start3A_110 = tpu.memref_slice %arg7[%dma_start3A_108, %dma_start3A_109] : memref<8x128xi32, #tpu.memory_space<vmem>> -> memref<1x128xi32, #tpu.memory_space<vmem>>
      %dma_start3A_111 = tpu.memref_squeeze %dma_start3A_110 : memref<1x128xi32, #tpu.memory_space<vmem>> -> memref<128xi32, #tpu.memory_space<vmem>>
      %dma_start3A_112 = arith.constant 0 : i32
      %dma_start3A_113 = arith.constant 0 : i32
      %dma_start3A_114 = tpu.memref_slice %arg4[%dma_start3A_112, %dma_start3A_113] : memref<10240x128xf32, #tpu.memory_space<hbm>> -> memref<10240x128xf32, #tpu.memory_space<hbm>>
      tpu.enqueue_indirect_dma source(%dma_start3A_114 : memref<10240x128xf32, #tpu.memory_space<hbm>>) target(%arg9 : memref<128x128xf32, #tpu.memory_space<vmem>>) offsets(%dma_start3A_111 : memref<128xi32, #tpu.memory_space<vmem>>) semaphore(%arg11 : memref<!tpu.dma_semaphore, #tpu.memory_space<semaphore_mem>>)
      %dma_wait3A_115 = arith.constant 6 : i32
      %dma_wait3A_116 = arith.constant 0 : i32
      %dma_wait3A_117 = tpu.memref_slice %arg7[%dma_wait3A_115, %dma_wait3A_116] : memref<8x128xi32, #tpu.memory_space<vmem>> -> memref<1x128xi32, #tpu.memory_space<vmem>>
      %dma_wait3A_118 = tpu.memref_squeeze %dma_wait3A_117 : memref<1x128xi32, #tpu.memory_space<vmem>> -> memref<128xi32, #tpu.memory_space<vmem>>
      %dma_wait3A_119 = arith.constant 0 : i32
      %dma_wait3A_120 = arith.constant 0 : i32
      %dma_wait3A_121 = tpu.memref_slice %arg4[%dma_wait3A_119, %dma_wait3A_120] : memref<10240x128xf32, #tpu.memory_space<hbm>> -> memref<10240x128xf32, #tpu.memory_space<hbm>>
      tpu.wait_indirect_dma semaphore(%arg11 : memref<!tpu.dma_semaphore, #tpu.memory_space<semaphore_mem>>) src(%dma_wait3A_121 : memref<10240x128xf32, #tpu.memory_space<hbm>>) dst(%arg9 : memref<128x128xf32, #tpu.memory_space<vmem>>)
      %run_scoped3A_122 = arith.constant 6 : i32
      "tpu.region"() ({
        %run_scoped3A_138 = tpu.sem_alloc : memref<!tpu.dma_semaphore, #tpu.memory_space<semaphore_mem>>
        %dma_start3A_139 = arith.constant 0 : i32
        %dma_start3A_140 = tpu.memref_slice %arg8[%run_scoped3A_122, %dma_start3A_139] : memref<8x128xi32, #tpu.memory_space<vmem>> -> memref<1x128xi32, #tpu.memory_space<vmem>>
        %dma_start3A_141 = tpu.memref_squeeze %dma_start3A_140 : memref<1x128xi32, #tpu.memory_space<vmem>> -> memref<128xi32, #tpu.memory_space<vmem>>
        %dma_start3A_142 = arith.constant 0 : i32
        %dma_start3A_143 = arith.constant 0 : i32
        %dma_start3A_144 = tpu.memref_slice %arg10[%dma_start3A_142, %dma_start3A_143] : memref<10240x128xf32, #tpu.memory_space<vmem_shared>> -> memref<10240x128xf32, #tpu.memory_space<vmem_shared>>
        tpu.enqueue_indirect_dma source(%arg9 : memref<128x128xf32, #tpu.memory_space<vmem>>) target(%dma_start3A_144 : memref<10240x128xf32, #tpu.memory_space<vmem_shared>>) offsets(%dma_start3A_141 : memref<128xi32, #tpu.memory_space<vmem>>) semaphore(%run_scoped3A_138 : memref<!tpu.dma_semaphore, #tpu.memory_space<semaphore_mem>>) {add = true}
        %dma_wait3A_145 = arith.constant 0 : i32
        %dma_wait3A_146 = tpu.memref_slice %arg8[%run_scoped3A_122, %dma_wait3A_145] : memref<8x128xi32, #tpu.memory_space<vmem>> -> memref<1x128xi32, #tpu.memory_space<vmem>>
        %dma_wait3A_147 = tpu.memref_squeeze %dma_wait3A_146 : memref<1x128xi32, #tpu.memory_space<vmem>> -> memref<128xi32, #tpu.memory_space<vmem>>
        %dma_wait3A_148 = arith.constant 0 : i32
        %dma_wait3A_149 = arith.constant 0 : i32
        %dma_wait3A_150 = tpu.memref_slice %arg10[%dma_wait3A_148, %dma_wait3A_149] : memref<10240x128xf32, #tpu.memory_space<vmem_shared>> -> memref<10240x128xf32, #tpu.memory_space<vmem_shared>>
        tpu.wait_indirect_dma semaphore(%run_scoped3A_138 : memref<!tpu.dma_semaphore, #tpu.memory_space<semaphore_mem>>) src(%arg9 : memref<128x128xf32, #tpu.memory_space<vmem>>) dst(%dma_wait3A_150 : memref<10240x128xf32, #tpu.memory_space<vmem_shared>>)
        tpu.yield
      }) : () -> ()
      %dma_start3A_123 = arith.constant 7 : i32
      %dma_start3A_124 = arith.constant 0 : i32
      %dma_start3A_125 = tpu.memref_slice %arg7[%dma_start3A_123, %dma_start3A_124] : memref<8x128xi32, #tpu.memory_space<vmem>> -> memref<1x128xi32, #tpu.memory_space<vmem>>
      %dma_start3A_126 = tpu.memref_squeeze %dma_start3A_125 : memref<1x128xi32, #tpu.memory_space<vmem>> -> memref<128xi32, #tpu.memory_space<vmem>>
      %dma_start3A_127 = arith.constant 0 : i32
      %dma_start3A_128 = arith.constant 0 : i32
      %dma_start3A_129 = tpu.memref_slice %arg4[%dma_start3A_127, %dma_start3A_128] : memref<10240x128xf32, #tpu.memory_space<hbm>> -> memref<10240x128xf32, #tpu.memory_space<hbm>>
      tpu.enqueue_indirect_dma source(%dma_start3A_129 : memref<10240x128xf32, #tpu.memory_space<hbm>>) target(%arg9 : memref<128x128xf32, #tpu.memory_space<vmem>>) offsets(%dma_start3A_126 : memref<128xi32, #tpu.memory_space<vmem>>) semaphore(%arg11 : memref<!tpu.dma_semaphore, #tpu.memory_space<semaphore_mem>>)
      %dma_wait3A_130 = arith.constant 7 : i32
      %dma_wait3A_131 = arith.constant 0 : i32
      %dma_wait3A_132 = tpu.memref_slice %arg7[%dma_wait3A_130, %dma_wait3A_131] : memref<8x128xi32, #tpu.memory_space<vmem>> -> memref<1x128xi32, #tpu.memory_space<vmem>>
      %dma_wait3A_133 = tpu.memref_squeeze %dma_wait3A_132 : memref<1x128xi32, #tpu.memory_space<vmem>> -> memref<128xi32, #tpu.memory_space<vmem>>
      %dma_wait3A_134 = arith.constant 0 : i32
      %dma_wait3A_135 = arith.constant 0 : i32
      %dma_wait3A_136 = tpu.memref_slice %arg4[%dma_wait3A_134, %dma_wait3A_135] : memref<10240x128xf32, #tpu.memory_space<hbm>> -> memref<10240x128xf32, #tpu.memory_space<hbm>>
      tpu.wait_indirect_dma semaphore(%arg11 : memref<!tpu.dma_semaphore, #tpu.memory_space<semaphore_mem>>) src(%dma_wait3A_136 : memref<10240x128xf32, #tpu.memory_space<hbm>>) dst(%arg9 : memref<128x128xf32, #tpu.memory_space<vmem>>)
      %run_scoped3A_137 = arith.constant 7 : i32
      "tpu.region"() ({
        %run_scoped3A_138 = tpu.sem_alloc : memref<!tpu.dma_semaphore, #tpu.memory_space<semaphore_mem>>
        %dma_start3A_139 = arith.constant 0 : i32
        %dma_start3A_140 = tpu.memref_slice %arg8[%run_scoped3A_137, %dma_start3A_139] : memref<8x128xi32, #tpu.memory_space<vmem>> -> memref<1x128xi32, #tpu.memory_space<vmem>>
        %dma_start3A_141 = tpu.memref_squeeze %dma_start3A_140 : memref<1x128xi32, #tpu.memory_space<vmem>> -> memref<128xi32, #tpu.memory_space<vmem>>
        %dma_start3A_142 = arith.constant 0 : i32
        %dma_start3A_143 = arith.constant 0 : i32
        %dma_start3A_144 = tpu.memref_slice %arg10[%dma_start3A_142, %dma_start3A_143] : memref<10240x128xf32, #tpu.memory_space<vmem_shared>> -> memref<10240x128xf32, #tpu.memory_space<vmem_shared>>
        tpu.enqueue_indirect_dma source(%arg9 : memref<128x128xf32, #tpu.memory_space<vmem>>) target(%dma_start3A_144 : memref<10240x128xf32, #tpu.memory_space<vmem_shared>>) offsets(%dma_start3A_141 : memref<128xi32, #tpu.memory_space<vmem>>) semaphore(%run_scoped3A_138 : memref<!tpu.dma_semaphore, #tpu.memory_space<semaphore_mem>>) {add = true}
        %dma_wait3A_145 = arith.constant 0 : i32
        %dma_wait3A_146 = tpu.memref_slice %arg8[%run_scoped3A_137, %dma_wait3A_145] : memref<8x128xi32, #tpu.memory_space<vmem>> -> memref<1x128xi32, #tpu.memory_space<vmem>>
        %dma_wait3A_147 = tpu.memref_squeeze %dma_wait3A_146 : memref<1x128xi32, #tpu.memory_space<vmem>> -> memref<128xi32, #tpu.memory_space<vmem>>
        %dma_wait3A_148 = arith.constant 0 : i32
        %dma_wait3A_149 = arith.constant 0 : i32
        %dma_wait3A_150 = tpu.memref_slice %arg10[%dma_wait3A_148, %dma_wait3A_149] : memref<10240x128xf32, #tpu.memory_space<vmem_shared>> -> memref<10240x128xf32, #tpu.memory_space<vmem_shared>>
        tpu.wait_indirect_dma semaphore(%run_scoped3A_138 : memref<!tpu.dma_semaphore, #tpu.memory_space<semaphore_mem>>) src(%arg9 : memref<128x128xf32, #tpu.memory_space<vmem>>) dst(%dma_wait3A_150 : memref<10240x128xf32, #tpu.memory_space<vmem_shared>>)
        tpu.yield
      }) : () -> ()
    }
    %while3A_14 = arith.constant 1 : i32
    scf.for %while3A_16 = %while3A_12 to %while3A_8 step %while3A_14  : i32 {
      %mul3A_17 = arith.constant 8 : i32
      %mul3A_18 = arith.muli %while3A_16, %mul3A_17 : i32
      "tpu.region"() ({
        %run_scoped3A_138 = tpu.sem_alloc : memref<!tpu.dma_semaphore, #tpu.memory_space<semaphore_mem>>
        %dma_start3A_139 = arith.constant 0 : i32
        %dma_start3A_140 = tpu.memref_slice %arg2[%add3A, %mul3A_18, %dma_start3A_139] : memref<32x112x128xi32, #tpu.memory_space<hbm>> -> memref<1x8x128xi32, #tpu.memory_space<hbm>>
        %dma_start3A_141 = tpu.memref_squeeze %dma_start3A_140 : memref<1x8x128xi32, #tpu.memory_space<hbm>> -> memref<8x128xi32, #tpu.memory_space<hbm>>
        %dma_start3A_142 = arith.constant 0 : i32
        %dma_start3A_143 = tpu.memref_slice %arg2[%add3A, %mul3A_18, %dma_start3A_142] : memref<32x112x128xi32, #tpu.memory_space<hbm>> -> memref<1x8x128xi32, #tpu.memory_space<hbm>>
        %dma_start3A_144 = tpu.memref_squeeze %dma_start3A_143 : memref<1x8x128xi32, #tpu.memory_space<hbm>> -> memref<8x128xi32, #tpu.memory_space<hbm>>
        tpu.enqueue_dma source(%dma_start3A_144 : memref<8x128xi32, #tpu.memory_space<hbm>>) target(%arg7 : memref<8x128xi32, #tpu.memory_space<vmem>>) target_semaphore(%run_scoped3A_138 : memref<!tpu.dma_semaphore, #tpu.memory_space<semaphore_mem>>)
        %dma_wait3A_145 = arith.constant 0 : i32
        %dma_wait3A_146 = tpu.memref_slice %arg2[%add3A, %mul3A_18, %dma_wait3A_145] : memref<32x112x128xi32, #tpu.memory_space<hbm>> -> memref<1x8x128xi32, #tpu.memory_space<hbm>>
        %dma_wait3A_147 = tpu.memref_squeeze %dma_wait3A_146 : memref<1x8x128xi32, #tpu.memory_space<hbm>> -> memref<8x128xi32, #tpu.memory_space<hbm>>
        %dma_wait3A_148 = arith.constant 0 : i32
        %dma_wait3A_149 = tpu.memref_slice %arg2[%add3A, %mul3A_18, %dma_wait3A_148] : memref<32x112x128xi32, #tpu.memory_space<hbm>> -> memref<1x8x128xi32, #tpu.memory_space<hbm>>
        %dma_wait3A_150 = tpu.memref_squeeze %dma_wait3A_149 : memref<1x8x128xi32, #tpu.memory_space<hbm>> -> memref<8x128xi32, #tpu.memory_space<hbm>>
        tpu.wait_dma2 semaphore(%run_scoped3A_138 : memref<!tpu.dma_semaphore, #tpu.memory_space<semaphore_mem>>) src(%dma_wait3A_150 : memref<8x128xi32, #tpu.memory_space<hbm>>) dst(%arg7 : memref<8x128xi32, #tpu.memory_space<vmem>>)
        tpu.yield
      }) : () -> ()
      %mul3A_19 = arith.constant 8 : i32
      %mul3A_20 = arith.muli %while3A_16, %mul3A_19 : i32
      "tpu.region"() ({
        %run_scoped3A_138 = tpu.sem_alloc : memref<!tpu.dma_semaphore, #tpu.memory_space<semaphore_mem>>
        %dma_start3A_139 = arith.constant 0 : i32
        %dma_start3A_140 = tpu.memref_slice %arg3[%add3A, %mul3A_20, %dma_start3A_139] : memref<32x112x128xi32, #tpu.memory_space<hbm>> -> memref<1x8x128xi32, #tpu.memory_space<hbm>>
        %dma_start3A_141 = tpu.memref_squeeze %dma_start3A_140 : memref<1x8x128xi32, #tpu.memory_space<hbm>> -> memref<8x128xi32, #tpu.memory_space<hbm>>
        %dma_start3A_142 = arith.constant 0 : i32
        %dma_start3A_143 = tpu.memref_slice %arg3[%add3A, %mul3A_20, %dma_start3A_142] : memref<32x112x128xi32, #tpu.memory_space<hbm>> -> memref<1x8x128xi32, #tpu.memory_space<hbm>>
        %dma_start3A_144 = tpu.memref_squeeze %dma_start3A_143 : memref<1x8x128xi32, #tpu.memory_space<hbm>> -> memref<8x128xi32, #tpu.memory_space<hbm>>
        tpu.enqueue_dma source(%dma_start3A_144 : memref<8x128xi32, #tpu.memory_space<hbm>>) target(%arg8 : memref<8x128xi32, #tpu.memory_space<vmem>>) target_semaphore(%run_scoped3A_138 : memref<!tpu.dma_semaphore, #tpu.memory_space<semaphore_mem>>)
        %dma_wait3A_145 = arith.constant 0 : i32
        %dma_wait3A_146 = tpu.memref_slice %arg3[%add3A, %mul3A_20, %dma_wait3A_145] : memref<32x112x128xi32, #tpu.memory_space<hbm>> -> memref<1x8x128xi32, #tpu.memory_space<hbm>>
        %dma_wait3A_147 = tpu.memref_squeeze %dma_wait3A_146 : memref<1x8x128xi32, #tpu.memory_space<hbm>> -> memref<8x128xi32, #tpu.memory_space<hbm>>
        %dma_wait3A_148 = arith.constant 0 : i32
        %dma_wait3A_149 = tpu.memref_slice %arg3[%add3A, %mul3A_20, %dma_wait3A_148] : memref<32x112x128xi32, #tpu.memory_space<hbm>> -> memref<1x8x128xi32, #tpu.memory_space<hbm>>
        %dma_wait3A_150 = tpu.memref_squeeze %dma_wait3A_149 : memref<1x8x128xi32, #tpu.memory_space<hbm>> -> memref<8x128xi32, #tpu.memory_space<hbm>>
        tpu.wait_dma2 semaphore(%run_scoped3A_138 : memref<!tpu.dma_semaphore, #tpu.memory_space<semaphore_mem>>) src(%dma_wait3A_150 : memref<8x128xi32, #tpu.memory_space<hbm>>) dst(%arg8 : memref<8x128xi32, #tpu.memory_space<vmem>>)
        tpu.yield
      }) : () -> ()
      %dma_start3A = arith.constant 0 : i32
      %dma_start3A_21 = arith.constant 0 : i32
      %dma_start3A_22 = tpu.memref_slice %arg7[%dma_start3A, %dma_start3A_21] : memref<8x128xi32, #tpu.memory_space<vmem>> -> memref<1x128xi32, #tpu.memory_space<vmem>>
      %dma_start3A_23 = tpu.memref_squeeze %dma_start3A_22 : memref<1x128xi32, #tpu.memory_space<vmem>> -> memref<128xi32, #tpu.memory_space<vmem>>
      %dma_start3A_24 = arith.constant 0 : i32
      %dma_start3A_25 = arith.constant 0 : i32
      %dma_start3A_26 = tpu.memref_slice %arg4[%dma_start3A_24, %dma_start3A_25] : memref<10240x128xf32, #tpu.memory_space<hbm>> -> memref<10240x128xf32, #tpu.memory_space<hbm>>
      tpu.enqueue_indirect_dma source(%dma_start3A_26 : memref<10240x128xf32, #tpu.memory_space<hbm>>) target(%arg9 : memref<128x128xf32, #tpu.memory_space<vmem>>) offsets(%dma_start3A_23 : memref<128xi32, #tpu.memory_space<vmem>>) semaphore(%arg11 : memref<!tpu.dma_semaphore, #tpu.memory_space<semaphore_mem>>)
      %dma_wait3A = arith.constant 0 : i32
      %dma_wait3A_27 = arith.constant 0 : i32
      %dma_wait3A_28 = tpu.memref_slice %arg7[%dma_wait3A, %dma_wait3A_27] : memref<8x128xi32, #tpu.memory_space<vmem>> -> memref<1x128xi32, #tpu.memory_space<vmem>>
      %dma_wait3A_29 = tpu.memref_squeeze %dma_wait3A_28 : memref<1x128xi32, #tpu.memory_space<vmem>> -> memref<128xi32, #tpu.memory_space<vmem>>
      %dma_wait3A_30 = arith.constant 0 : i32
      %dma_wait3A_31 = arith.constant 0 : i32
      %dma_wait3A_32 = tpu.memref_slice %arg4[%dma_wait3A_30, %dma_wait3A_31] : memref<10240x128xf32, #tpu.memory_space<hbm>> -> memref<10240x128xf32, #tpu.memory_space<hbm>>
      tpu.wait_indirect_dma semaphore(%arg11 : memref<!tpu.dma_semaphore, #tpu.memory_space<semaphore_mem>>) src(%dma_wait3A_32 : memref<10240x128xf32, #tpu.memory_space<hbm>>) dst(%arg9 : memref<128x128xf32, #tpu.memory_space<vmem>>)
      %run_scoped3A = arith.constant 0 : i32
      "tpu.region"() ({
        %run_scoped3A_138 = tpu.sem_alloc : memref<!tpu.dma_semaphore, #tpu.memory_space<semaphore_mem>>
        %dma_start3A_139 = arith.constant 0 : i32
        %dma_start3A_140 = tpu.memref_slice %arg8[%run_scoped3A, %dma_start3A_139] : memref<8x128xi32, #tpu.memory_space<vmem>> -> memref<1x128xi32, #tpu.memory_space<vmem>>
        %dma_start3A_141 = tpu.memref_squeeze %dma_start3A_140 : memref<1x128xi32, #tpu.memory_space<vmem>> -> memref<128xi32, #tpu.memory_space<vmem>>
        %dma_start3A_142 = arith.constant 0 : i32
        %dma_start3A_143 = arith.constant 0 : i32
        %dma_start3A_144 = tpu.memref_slice %arg10[%dma_start3A_142, %dma_start3A_143] : memref<10240x128xf32, #tpu.memory_space<vmem_shared>> -> memref<10240x128xf32, #tpu.memory_space<vmem_shared>>
        tpu.enqueue_indirect_dma source(%arg9 : memref<128x128xf32, #tpu.memory_space<vmem>>) target(%dma_start3A_144 : memref<10240x128xf32, #tpu.memory_space<vmem_shared>>) offsets(%dma_start3A_141 : memref<128xi32, #tpu.memory_space<vmem>>) semaphore(%run_scoped3A_138 : memref<!tpu.dma_semaphore, #tpu.memory_space<semaphore_mem>>) {add = true}
        %dma_wait3A_145 = arith.constant 0 : i32
        %dma_wait3A_146 = tpu.memref_slice %arg8[%run_scoped3A, %dma_wait3A_145] : memref<8x128xi32, #tpu.memory_space<vmem>> -> memref<1x128xi32, #tpu.memory_space<vmem>>
        %dma_wait3A_147 = tpu.memref_squeeze %dma_wait3A_146 : memref<1x128xi32, #tpu.memory_space<vmem>> -> memref<128xi32, #tpu.memory_space<vmem>>
        %dma_wait3A_148 = arith.constant 0 : i32
        %dma_wait3A_149 = arith.constant 0 : i32
        %dma_wait3A_150 = tpu.memref_slice %arg10[%dma_wait3A_148, %dma_wait3A_149] : memref<10240x128xf32, #tpu.memory_space<vmem_shared>> -> memref<10240x128xf32, #tpu.memory_space<vmem_shared>>
        tpu.wait_indirect_dma semaphore(%run_scoped3A_138 : memref<!tpu.dma_semaphore, #tpu.memory_space<semaphore_mem>>) src(%arg9 : memref<128x128xf32, #tpu.memory_space<vmem>>) dst(%dma_wait3A_150 : memref<10240x128xf32, #tpu.memory_space<vmem_shared>>)
        tpu.yield
      }) : () -> ()
      %dma_start3A_33 = arith.constant 1 : i32
      %dma_start3A_34 = arith.constant 0 : i32
      %dma_start3A_35 = tpu.memref_slice %arg7[%dma_start3A_33, %dma_start3A_34] : memref<8x128xi32, #tpu.memory_space<vmem>> -> memref<1x128xi32, #tpu.memory_space<vmem>>
      %dma_start3A_36 = tpu.memref_squeeze %dma_start3A_35 : memref<1x128xi32, #tpu.memory_space<vmem>> -> memref<128xi32, #tpu.memory_space<vmem>>
      %dma_start3A_37 = arith.constant 0 : i32
      %dma_start3A_38 = arith.constant 0 : i32
      %dma_start3A_39 = tpu.memref_slice %arg4[%dma_start3A_37, %dma_start3A_38] : memref<10240x128xf32, #tpu.memory_space<hbm>> -> memref<10240x128xf32, #tpu.memory_space<hbm>>
      tpu.enqueue_indirect_dma source(%dma_start3A_39 : memref<10240x128xf32, #tpu.memory_space<hbm>>) target(%arg9 : memref<128x128xf32, #tpu.memory_space<vmem>>) offsets(%dma_start3A_36 : memref<128xi32, #tpu.memory_space<vmem>>) semaphore(%arg11 : memref<!tpu.dma_semaphore, #tpu.memory_space<semaphore_mem>>)
      %dma_wait3A_40 = arith.constant 1 : i32
      %dma_wait3A_41 = arith.constant 0 : i32
      %dma_wait3A_42 = tpu.memref_slice %arg7[%dma_wait3A_40, %dma_wait3A_41] : memref<8x128xi32, #tpu.memory_space<vmem>> -> memref<1x128xi32, #tpu.memory_space<vmem>>
      %dma_wait3A_43 = tpu.memref_squeeze %dma_wait3A_42 : memref<1x128xi32, #tpu.memory_space<vmem>> -> memref<128xi32, #tpu.memory_space<vmem>>
      %dma_wait3A_44 = arith.constant 0 : i32
      %dma_wait3A_45 = arith.constant 0 : i32
      %dma_wait3A_46 = tpu.memref_slice %arg4[%dma_wait3A_44, %dma_wait3A_45] : memref<10240x128xf32, #tpu.memory_space<hbm>> -> memref<10240x128xf32, #tpu.memory_space<hbm>>
      tpu.wait_indirect_dma semaphore(%arg11 : memref<!tpu.dma_semaphore, #tpu.memory_space<semaphore_mem>>) src(%dma_wait3A_46 : memref<10240x128xf32, #tpu.memory_space<hbm>>) dst(%arg9 : memref<128x128xf32, #tpu.memory_space<vmem>>)
      %run_scoped3A_47 = arith.constant 1 : i32
      "tpu.region"() ({
        %run_scoped3A_138 = tpu.sem_alloc : memref<!tpu.dma_semaphore, #tpu.memory_space<semaphore_mem>>
        %dma_start3A_139 = arith.constant 0 : i32
        %dma_start3A_140 = tpu.memref_slice %arg8[%run_scoped3A_47, %dma_start3A_139] : memref<8x128xi32, #tpu.memory_space<vmem>> -> memref<1x128xi32, #tpu.memory_space<vmem>>
        %dma_start3A_141 = tpu.memref_squeeze %dma_start3A_140 : memref<1x128xi32, #tpu.memory_space<vmem>> -> memref<128xi32, #tpu.memory_space<vmem>>
        %dma_start3A_142 = arith.constant 0 : i32
        %dma_start3A_143 = arith.constant 0 : i32
        %dma_start3A_144 = tpu.memref_slice %arg10[%dma_start3A_142, %dma_start3A_143] : memref<10240x128xf32, #tpu.memory_space<vmem_shared>> -> memref<10240x128xf32, #tpu.memory_space<vmem_shared>>
        tpu.enqueue_indirect_dma source(%arg9 : memref<128x128xf32, #tpu.memory_space<vmem>>) target(%dma_start3A_144 : memref<10240x128xf32, #tpu.memory_space<vmem_shared>>) offsets(%dma_start3A_141 : memref<128xi32, #tpu.memory_space<vmem>>) semaphore(%run_scoped3A_138 : memref<!tpu.dma_semaphore, #tpu.memory_space<semaphore_mem>>) {add = true}
        %dma_wait3A_145 = arith.constant 0 : i32
        %dma_wait3A_146 = tpu.memref_slice %arg8[%run_scoped3A_47, %dma_wait3A_145] : memref<8x128xi32, #tpu.memory_space<vmem>> -> memref<1x128xi32, #tpu.memory_space<vmem>>
        %dma_wait3A_147 = tpu.memref_squeeze %dma_wait3A_146 : memref<1x128xi32, #tpu.memory_space<vmem>> -> memref<128xi32, #tpu.memory_space<vmem>>
        %dma_wait3A_148 = arith.constant 0 : i32
        %dma_wait3A_149 = arith.constant 0 : i32
        %dma_wait3A_150 = tpu.memref_slice %arg10[%dma_wait3A_148, %dma_wait3A_149] : memref<10240x128xf32, #tpu.memory_space<vmem_shared>> -> memref<10240x128xf32, #tpu.memory_space<vmem_shared>>
        tpu.wait_indirect_dma semaphore(%run_scoped3A_138 : memref<!tpu.dma_semaphore, #tpu.memory_space<semaphore_mem>>) src(%arg9 : memref<128x128xf32, #tpu.memory_space<vmem>>) dst(%dma_wait3A_150 : memref<10240x128xf32, #tpu.memory_space<vmem_shared>>)
        tpu.yield
      }) : () -> ()
      %dma_start3A_48 = arith.constant 2 : i32
      %dma_start3A_49 = arith.constant 0 : i32
      %dma_start3A_50 = tpu.memref_slice %arg7[%dma_start3A_48, %dma_start3A_49] : memref<8x128xi32, #tpu.memory_space<vmem>> -> memref<1x128xi32, #tpu.memory_space<vmem>>
      %dma_start3A_51 = tpu.memref_squeeze %dma_start3A_50 : memref<1x128xi32, #tpu.memory_space<vmem>> -> memref<128xi32, #tpu.memory_space<vmem>>
      %dma_start3A_52 = arith.constant 0 : i32
      %dma_start3A_53 = arith.constant 0 : i32
      %dma_start3A_54 = tpu.memref_slice %arg4[%dma_start3A_52, %dma_start3A_53] : memref<10240x128xf32, #tpu.memory_space<hbm>> -> memref<10240x128xf32, #tpu.memory_space<hbm>>
      tpu.enqueue_indirect_dma source(%dma_start3A_54 : memref<10240x128xf32, #tpu.memory_space<hbm>>) target(%arg9 : memref<128x128xf32, #tpu.memory_space<vmem>>) offsets(%dma_start3A_51 : memref<128xi32, #tpu.memory_space<vmem>>) semaphore(%arg11 : memref<!tpu.dma_semaphore, #tpu.memory_space<semaphore_mem>>)
      %dma_wait3A_55 = arith.constant 2 : i32
      %dma_wait3A_56 = arith.constant 0 : i32
      %dma_wait3A_57 = tpu.memref_slice %arg7[%dma_wait3A_55, %dma_wait3A_56] : memref<8x128xi32, #tpu.memory_space<vmem>> -> memref<1x128xi32, #tpu.memory_space<vmem>>
      %dma_wait3A_58 = tpu.memref_squeeze %dma_wait3A_57 : memref<1x128xi32, #tpu.memory_space<vmem>> -> memref<128xi32, #tpu.memory_space<vmem>>
      %dma_wait3A_59 = arith.constant 0 : i32
      %dma_wait3A_60 = arith.constant 0 : i32
      %dma_wait3A_61 = tpu.memref_slice %arg4[%dma_wait3A_59, %dma_wait3A_60] : memref<10240x128xf32, #tpu.memory_space<hbm>> -> memref<10240x128xf32, #tpu.memory_space<hbm>>
      tpu.wait_indirect_dma semaphore(%arg11 : memref<!tpu.dma_semaphore, #tpu.memory_space<semaphore_mem>>) src(%dma_wait3A_61 : memref<10240x128xf32, #tpu.memory_space<hbm>>) dst(%arg9 : memref<128x128xf32, #tpu.memory_space<vmem>>)
      %run_scoped3A_62 = arith.constant 2 : i32
      "tpu.region"() ({
        %run_scoped3A_138 = tpu.sem_alloc : memref<!tpu.dma_semaphore, #tpu.memory_space<semaphore_mem>>
        %dma_start3A_139 = arith.constant 0 : i32
        %dma_start3A_140 = tpu.memref_slice %arg8[%run_scoped3A_62, %dma_start3A_139] : memref<8x128xi32, #tpu.memory_space<vmem>> -> memref<1x128xi32, #tpu.memory_space<vmem>>
        %dma_start3A_141 = tpu.memref_squeeze %dma_start3A_140 : memref<1x128xi32, #tpu.memory_space<vmem>> -> memref<128xi32, #tpu.memory_space<vmem>>
        %dma_start3A_142 = arith.constant 0 : i32
        %dma_start3A_143 = arith.constant 0 : i32
        %dma_start3A_144 = tpu.memref_slice %arg10[%dma_start3A_142, %dma_start3A_143] : memref<10240x128xf32, #tpu.memory_space<vmem_shared>> -> memref<10240x128xf32, #tpu.memory_space<vmem_shared>>
        tpu.enqueue_indirect_dma source(%arg9 : memref<128x128xf32, #tpu.memory_space<vmem>>) target(%dma_start3A_144 : memref<10240x128xf32, #tpu.memory_space<vmem_shared>>) offsets(%dma_start3A_141 : memref<128xi32, #tpu.memory_space<vmem>>) semaphore(%run_scoped3A_138 : memref<!tpu.dma_semaphore, #tpu.memory_space<semaphore_mem>>) {add = true}
        %dma_wait3A_145 = arith.constant 0 : i32
        %dma_wait3A_146 = tpu.memref_slice %arg8[%run_scoped3A_62, %dma_wait3A_145] : memref<8x128xi32, #tpu.memory_space<vmem>> -> memref<1x128xi32, #tpu.memory_space<vmem>>
        %dma_wait3A_147 = tpu.memref_squeeze %dma_wait3A_146 : memref<1x128xi32, #tpu.memory_space<vmem>> -> memref<128xi32, #tpu.memory_space<vmem>>
        %dma_wait3A_148 = arith.constant 0 : i32
        %dma_wait3A_149 = arith.constant 0 : i32
        %dma_wait3A_150 = tpu.memref_slice %arg10[%dma_wait3A_148, %dma_wait3A_149] : memref<10240x128xf32, #tpu.memory_space<vmem_shared>> -> memref<10240x128xf32, #tpu.memory_space<vmem_shared>>
        tpu.wait_indirect_dma semaphore(%run_scoped3A_138 : memref<!tpu.dma_semaphore, #tpu.memory_space<semaphore_mem>>) src(%arg9 : memref<128x128xf32, #tpu.memory_space<vmem>>) dst(%dma_wait3A_150 : memref<10240x128xf32, #tpu.memory_space<vmem_shared>>)
        tpu.yield
      }) : () -> ()
      %dma_start3A_63 = arith.constant 3 : i32
      %dma_start3A_64 = arith.constant 0 : i32
      %dma_start3A_65 = tpu.memref_slice %arg7[%dma_start3A_63, %dma_start3A_64] : memref<8x128xi32, #tpu.memory_space<vmem>> -> memref<1x128xi32, #tpu.memory_space<vmem>>
      %dma_start3A_66 = tpu.memref_squeeze %dma_start3A_65 : memref<1x128xi32, #tpu.memory_space<vmem>> -> memref<128xi32, #tpu.memory_space<vmem>>
      %dma_start3A_67 = arith.constant 0 : i32
      %dma_start3A_68 = arith.constant 0 : i32
      %dma_start3A_69 = tpu.memref_slice %arg4[%dma_start3A_67, %dma_start3A_68] : memref<10240x128xf32, #tpu.memory_space<hbm>> -> memref<10240x128xf32, #tpu.memory_space<hbm>>
      tpu.enqueue_indirect_dma source(%dma_start3A_69 : memref<10240x128xf32, #tpu.memory_space<hbm>>) target(%arg9 : memref<128x128xf32, #tpu.memory_space<vmem>>) offsets(%dma_start3A_66 : memref<128xi32, #tpu.memory_space<vmem>>) semaphore(%arg11 : memref<!tpu.dma_semaphore, #tpu.memory_space<semaphore_mem>>)
      %dma_wait3A_70 = arith.constant 3 : i32
      %dma_wait3A_71 = arith.constant 0 : i32
      %dma_wait3A_72 = tpu.memref_slice %arg7[%dma_wait3A_70, %dma_wait3A_71] : memref<8x128xi32, #tpu.memory_space<vmem>> -> memref<1x128xi32, #tpu.memory_space<vmem>>
      %dma_wait3A_73 = tpu.memref_squeeze %dma_wait3A_72 : memref<1x128xi32, #tpu.memory_space<vmem>> -> memref<128xi32, #tpu.memory_space<vmem>>
      %dma_wait3A_74 = arith.constant 0 : i32
      %dma_wait3A_75 = arith.constant 0 : i32
      %dma_wait3A_76 = tpu.memref_slice %arg4[%dma_wait3A_74, %dma_wait3A_75] : memref<10240x128xf32, #tpu.memory_space<hbm>> -> memref<10240x128xf32, #tpu.memory_space<hbm>>
      tpu.wait_indirect_dma semaphore(%arg11 : memref<!tpu.dma_semaphore, #tpu.memory_space<semaphore_mem>>) src(%dma_wait3A_76 : memref<10240x128xf32, #tpu.memory_space<hbm>>) dst(%arg9 : memref<128x128xf32, #tpu.memory_space<vmem>>)
      %run_scoped3A_77 = arith.constant 3 : i32
      "tpu.region"() ({
        %run_scoped3A_138 = tpu.sem_alloc : memref<!tpu.dma_semaphore, #tpu.memory_space<semaphore_mem>>
        %dma_start3A_139 = arith.constant 0 : i32
        %dma_start3A_140 = tpu.memref_slice %arg8[%run_scoped3A_77, %dma_start3A_139] : memref<8x128xi32, #tpu.memory_space<vmem>> -> memref<1x128xi32, #tpu.memory_space<vmem>>
        %dma_start3A_141 = tpu.memref_squeeze %dma_start3A_140 : memref<1x128xi32, #tpu.memory_space<vmem>> -> memref<128xi32, #tpu.memory_space<vmem>>
        %dma_start3A_142 = arith.constant 0 : i32
        %dma_start3A_143 = arith.constant 0 : i32
        %dma_start3A_144 = tpu.memref_slice %arg10[%dma_start3A_142, %dma_start3A_143] : memref<10240x128xf32, #tpu.memory_space<vmem_shared>> -> memref<10240x128xf32, #tpu.memory_space<vmem_shared>>
        tpu.enqueue_indirect_dma source(%arg9 : memref<128x128xf32, #tpu.memory_space<vmem>>) target(%dma_start3A_144 : memref<10240x128xf32, #tpu.memory_space<vmem_shared>>) offsets(%dma_start3A_141 : memref<128xi32, #tpu.memory_space<vmem>>) semaphore(%run_scoped3A_138 : memref<!tpu.dma_semaphore, #tpu.memory_space<semaphore_mem>>) {add = true}
        %dma_wait3A_145 = arith.constant 0 : i32
        %dma_wait3A_146 = tpu.memref_slice %arg8[%run_scoped3A_77, %dma_wait3A_145] : memref<8x128xi32, #tpu.memory_space<vmem>> -> memref<1x128xi32, #tpu.memory_space<vmem>>
        %dma_wait3A_147 = tpu.memref_squeeze %dma_wait3A_146 : memref<1x128xi32, #tpu.memory_space<vmem>> -> memref<128xi32, #tpu.memory_space<vmem>>
        %dma_wait3A_148 = arith.constant 0 : i32
        %dma_wait3A_149 = arith.constant 0 : i32
        %dma_wait3A_150 = tpu.memref_slice %arg10[%dma_wait3A_148, %dma_wait3A_149] : memref<10240x128xf32, #tpu.memory_space<vmem_shared>> -> memref<10240x128xf32, #tpu.memory_space<vmem_shared>>
        tpu.wait_indirect_dma semaphore(%run_scoped3A_138 : memref<!tpu.dma_semaphore, #tpu.memory_space<semaphore_mem>>) src(%arg9 : memref<128x128xf32, #tpu.memory_space<vmem>>) dst(%dma_wait3A_150 : memref<10240x128xf32, #tpu.memory_space<vmem_shared>>)
        tpu.yield
      }) : () -> ()
      %dma_start3A_78 = arith.constant 4 : i32
      %dma_start3A_79 = arith.constant 0 : i32
      %dma_start3A_80 = tpu.memref_slice %arg7[%dma_start3A_78, %dma_start3A_79] : memref<8x128xi32, #tpu.memory_space<vmem>> -> memref<1x128xi32, #tpu.memory_space<vmem>>
      %dma_start3A_81 = tpu.memref_squeeze %dma_start3A_80 : memref<1x128xi32, #tpu.memory_space<vmem>> -> memref<128xi32, #tpu.memory_space<vmem>>
      %dma_start3A_82 = arith.constant 0 : i32
      %dma_start3A_83 = arith.constant 0 : i32
      %dma_start3A_84 = tpu.memref_slice %arg4[%dma_start3A_82, %dma_start3A_83] : memref<10240x128xf32, #tpu.memory_space<hbm>> -> memref<10240x128xf32, #tpu.memory_space<hbm>>
      tpu.enqueue_indirect_dma source(%dma_start3A_84 : memref<10240x128xf32, #tpu.memory_space<hbm>>) target(%arg9 : memref<128x128xf32, #tpu.memory_space<vmem>>) offsets(%dma_start3A_81 : memref<128xi32, #tpu.memory_space<vmem>>) semaphore(%arg11 : memref<!tpu.dma_semaphore, #tpu.memory_space<semaphore_mem>>)
      %dma_wait3A_85 = arith.constant 4 : i32
      %dma_wait3A_86 = arith.constant 0 : i32
      %dma_wait3A_87 = tpu.memref_slice %arg7[%dma_wait3A_85, %dma_wait3A_86] : memref<8x128xi32, #tpu.memory_space<vmem>> -> memref<1x128xi32, #tpu.memory_space<vmem>>
      %dma_wait3A_88 = tpu.memref_squeeze %dma_wait3A_87 : memref<1x128xi32, #tpu.memory_space<vmem>> -> memref<128xi32, #tpu.memory_space<vmem>>
      %dma_wait3A_89 = arith.constant 0 : i32
      %dma_wait3A_90 = arith.constant 0 : i32
      %dma_wait3A_91 = tpu.memref_slice %arg4[%dma_wait3A_89, %dma_wait3A_90] : memref<10240x128xf32, #tpu.memory_space<hbm>> -> memref<10240x128xf32, #tpu.memory_space<hbm>>
      tpu.wait_indirect_dma semaphore(%arg11 : memref<!tpu.dma_semaphore, #tpu.memory_space<semaphore_mem>>) src(%dma_wait3A_91 : memref<10240x128xf32, #tpu.memory_space<hbm>>) dst(%arg9 : memref<128x128xf32, #tpu.memory_space<vmem>>)
      %run_scoped3A_92 = arith.constant 4 : i32
      "tpu.region"() ({
        %run_scoped3A_138 = tpu.sem_alloc : memref<!tpu.dma_semaphore, #tpu.memory_space<semaphore_mem>>
        %dma_start3A_139 = arith.constant 0 : i32
        %dma_start3A_140 = tpu.memref_slice %arg8[%run_scoped3A_92, %dma_start3A_139] : memref<8x128xi32, #tpu.memory_space<vmem>> -> memref<1x128xi32, #tpu.memory_space<vmem>>
        %dma_start3A_141 = tpu.memref_squeeze %dma_start3A_140 : memref<1x128xi32, #tpu.memory_space<vmem>> -> memref<128xi32, #tpu.memory_space<vmem>>
        %dma_start3A_142 = arith.constant 0 : i32
        %dma_start3A_143 = arith.constant 0 : i32
        %dma_start3A_144 = tpu.memref_slice %arg10[%dma_start3A_142, %dma_start3A_143] : memref<10240x128xf32, #tpu.memory_space<vmem_shared>> -> memref<10240x128xf32, #tpu.memory_space<vmem_shared>>
        tpu.enqueue_indirect_dma source(%arg9 : memref<128x128xf32, #tpu.memory_space<vmem>>) target(%dma_start3A_144 : memref<10240x128xf32, #tpu.memory_space<vmem_shared>>) offsets(%dma_start3A_141 : memref<128xi32, #tpu.memory_space<vmem>>) semaphore(%run_scoped3A_138 : memref<!tpu.dma_semaphore, #tpu.memory_space<semaphore_mem>>) {add = true}
        %dma_wait3A_145 = arith.constant 0 : i32
        %dma_wait3A_146 = tpu.memref_slice %arg8[%run_scoped3A_92, %dma_wait3A_145] : memref<8x128xi32, #tpu.memory_space<vmem>> -> memref<1x128xi32, #tpu.memory_space<vmem>>
        %dma_wait3A_147 = tpu.memref_squeeze %dma_wait3A_146 : memref<1x128xi32, #tpu.memory_space<vmem>> -> memref<128xi32, #tpu.memory_space<vmem>>
        %dma_wait3A_148 = arith.constant 0 : i32
        %dma_wait3A_149 = arith.constant 0 : i32
        %dma_wait3A_150 = tpu.memref_slice %arg10[%dma_wait3A_148, %dma_wait3A_149] : memref<10240x128xf32, #tpu.memory_space<vmem_shared>> -> memref<10240x128xf32, #tpu.memory_space<vmem_shared>>
        tpu.wait_indirect_dma semaphore(%run_scoped3A_138 : memref<!tpu.dma_semaphore, #tpu.memory_space<semaphore_mem>>) src(%arg9 : memref<128x128xf32, #tpu.memory_space<vmem>>) dst(%dma_wait3A_150 : memref<10240x128xf32, #tpu.memory_space<vmem_shared>>)
        tpu.yield
      }) : () -> ()
      %dma_start3A_93 = arith.constant 5 : i32
      %dma_start3A_94 = arith.constant 0 : i32
      %dma_start3A_95 = tpu.memref_slice %arg7[%dma_start3A_93, %dma_start3A_94] : memref<8x128xi32, #tpu.memory_space<vmem>> -> memref<1x128xi32, #tpu.memory_space<vmem>>
      %dma_start3A_96 = tpu.memref_squeeze %dma_start3A_95 : memref<1x128xi32, #tpu.memory_space<vmem>> -> memref<128xi32, #tpu.memory_space<vmem>>
      %dma_start3A_97 = arith.constant 0 : i32
      %dma_start3A_98 = arith.constant 0 : i32
      %dma_start3A_99 = tpu.memref_slice %arg4[%dma_start3A_97, %dma_start3A_98] : memref<10240x128xf32, #tpu.memory_space<hbm>> -> memref<10240x128xf32, #tpu.memory_space<hbm>>
      tpu.enqueue_indirect_dma source(%dma_start3A_99 : memref<10240x128xf32, #tpu.memory_space<hbm>>) target(%arg9 : memref<128x128xf32, #tpu.memory_space<vmem>>) offsets(%dma_start3A_96 : memref<128xi32, #tpu.memory_space<vmem>>) semaphore(%arg11 : memref<!tpu.dma_semaphore, #tpu.memory_space<semaphore_mem>>)
      %dma_wait3A_100 = arith.constant 5 : i32
      %dma_wait3A_101 = arith.constant 0 : i32
      %dma_wait3A_102 = tpu.memref_slice %arg7[%dma_wait3A_100, %dma_wait3A_101] : memref<8x128xi32, #tpu.memory_space<vmem>> -> memref<1x128xi32, #tpu.memory_space<vmem>>
      %dma_wait3A_103 = tpu.memref_squeeze %dma_wait3A_102 : memref<1x128xi32, #tpu.memory_space<vmem>> -> memref<128xi32, #tpu.memory_space<vmem>>
      %dma_wait3A_104 = arith.constant 0 : i32
      %dma_wait3A_105 = arith.constant 0 : i32
      %dma_wait3A_106 = tpu.memref_slice %arg4[%dma_wait3A_104, %dma_wait3A_105] : memref<10240x128xf32, #tpu.memory_space<hbm>> -> memref<10240x128xf32, #tpu.memory_space<hbm>>
      tpu.wait_indirect_dma semaphore(%arg11 : memref<!tpu.dma_semaphore, #tpu.memory_space<semaphore_mem>>) src(%dma_wait3A_106 : memref<10240x128xf32, #tpu.memory_space<hbm>>) dst(%arg9 : memref<128x128xf32, #tpu.memory_space<vmem>>)
      %run_scoped3A_107 = arith.constant 5 : i32
      "tpu.region"() ({
        %run_scoped3A_138 = tpu.sem_alloc : memref<!tpu.dma_semaphore, #tpu.memory_space<semaphore_mem>>
        %dma_start3A_139 = arith.constant 0 : i32
        %dma_start3A_140 = tpu.memref_slice %arg8[%run_scoped3A_107, %dma_start3A_139] : memref<8x128xi32, #tpu.memory_space<vmem>> -> memref<1x128xi32, #tpu.memory_space<vmem>>
        %dma_start3A_141 = tpu.memref_squeeze %dma_start3A_140 : memref<1x128xi32, #tpu.memory_space<vmem>> -> memref<128xi32, #tpu.memory_space<vmem>>
        %dma_start3A_142 = arith.constant 0 : i32
        %dma_start3A_143 = arith.constant 0 : i32
        %dma_start3A_144 = tpu.memref_slice %arg10[%dma_start3A_142, %dma_start3A_143] : memref<10240x128xf32, #tpu.memory_space<vmem_shared>> -> memref<10240x128xf32, #tpu.memory_space<vmem_shared>>
        tpu.enqueue_indirect_dma source(%arg9 : memref<128x128xf32, #tpu.memory_space<vmem>>) target(%dma_start3A_144 : memref<10240x128xf32, #tpu.memory_space<vmem_shared>>) offsets(%dma_start3A_141 : memref<128xi32, #tpu.memory_space<vmem>>) semaphore(%run_scoped3A_138 : memref<!tpu.dma_semaphore, #tpu.memory_space<semaphore_mem>>) {add = true}
        %dma_wait3A_145 = arith.constant 0 : i32
        %dma_wait3A_146 = tpu.memref_slice %arg8[%run_scoped3A_107, %dma_wait3A_145] : memref<8x128xi32, #tpu.memory_space<vmem>> -> memref<1x128xi32, #tpu.memory_space<vmem>>
        %dma_wait3A_147 = tpu.memref_squeeze %dma_wait3A_146 : memref<1x128xi32, #tpu.memory_space<vmem>> -> memref<128xi32, #tpu.memory_space<vmem>>
        %dma_wait3A_148 = arith.constant 0 : i32
        %dma_wait3A_149 = arith.constant 0 : i32
        %dma_wait3A_150 = tpu.memref_slice %arg10[%dma_wait3A_148, %dma_wait3A_149] : memref<10240x128xf32, #tpu.memory_space<vmem_shared>> -> memref<10240x128xf32, #tpu.memory_space<vmem_shared>>
        tpu.wait_indirect_dma semaphore(%run_scoped3A_138 : memref<!tpu.dma_semaphore, #tpu.memory_space<semaphore_mem>>) src(%arg9 : memref<128x128xf32, #tpu.memory_space<vmem>>) dst(%dma_wait3A_150 : memref<10240x128xf32, #tpu.memory_space<vmem_shared>>)
        tpu.yield
      }) : () -> ()
      %dma_start3A_108 = arith.constant 6 : i32
      %dma_start3A_109 = arith.constant 0 : i32
      %dma_start3A_110 = tpu.memref_slice %arg7[%dma_start3A_108, %dma_start3A_109] : memref<8x128xi32, #tpu.memory_space<vmem>> -> memref<1x128xi32, #tpu.memory_space<vmem>>
      %dma_start3A_111 = tpu.memref_squeeze %dma_start3A_110 : memref<1x128xi32, #tpu.memory_space<vmem>> -> memref<128xi32, #tpu.memory_space<vmem>>
      %dma_start3A_112 = arith.constant 0 : i32
      %dma_start3A_113 = arith.constant 0 : i32
      %dma_start3A_114 = tpu.memref_slice %arg4[%dma_start3A_112, %dma_start3A_113] : memref<10240x128xf32, #tpu.memory_space<hbm>> -> memref<10240x128xf32, #tpu.memory_space<hbm>>
      tpu.enqueue_indirect_dma source(%dma_start3A_114 : memref<10240x128xf32, #tpu.memory_space<hbm>>) target(%arg9 : memref<128x128xf32, #tpu.memory_space<vmem>>) offsets(%dma_start3A_111 : memref<128xi32, #tpu.memory_space<vmem>>) semaphore(%arg11 : memref<!tpu.dma_semaphore, #tpu.memory_space<semaphore_mem>>)
      %dma_wait3A_115 = arith.constant 6 : i32
      %dma_wait3A_116 = arith.constant 0 : i32
      %dma_wait3A_117 = tpu.memref_slice %arg7[%dma_wait3A_115, %dma_wait3A_116] : memref<8x128xi32, #tpu.memory_space<vmem>> -> memref<1x128xi32, #tpu.memory_space<vmem>>
      %dma_wait3A_118 = tpu.memref_squeeze %dma_wait3A_117 : memref<1x128xi32, #tpu.memory_space<vmem>> -> memref<128xi32, #tpu.memory_space<vmem>>
      %dma_wait3A_119 = arith.constant 0 : i32
      %dma_wait3A_120 = arith.constant 0 : i32
      %dma_wait3A_121 = tpu.memref_slice %arg4[%dma_wait3A_119, %dma_wait3A_120] : memref<10240x128xf32, #tpu.memory_space<hbm>> -> memref<10240x128xf32, #tpu.memory_space<hbm>>
      tpu.wait_indirect_dma semaphore(%arg11 : memref<!tpu.dma_semaphore, #tpu.memory_space<semaphore_mem>>) src(%dma_wait3A_121 : memref<10240x128xf32, #tpu.memory_space<hbm>>) dst(%arg9 : memref<128x128xf32, #tpu.memory_space<vmem>>)
      %run_scoped3A_122 = arith.constant 6 : i32
      "tpu.region"() ({
        %run_scoped3A_138 = tpu.sem_alloc : memref<!tpu.dma_semaphore, #tpu.memory_space<semaphore_mem>>
        %dma_start3A_139 = arith.constant 0 : i32
        %dma_start3A_140 = tpu.memref_slice %arg8[%run_scoped3A_122, %dma_start3A_139] : memref<8x128xi32, #tpu.memory_space<vmem>> -> memref<1x128xi32, #tpu.memory_space<vmem>>
        %dma_start3A_141 = tpu.memref_squeeze %dma_start3A_140 : memref<1x128xi32, #tpu.memory_space<vmem>> -> memref<128xi32, #tpu.memory_space<vmem>>
        %dma_start3A_142 = arith.constant 0 : i32
        %dma_start3A_143 = arith.constant 0 : i32
        %dma_start3A_144 = tpu.memref_slice %arg10[%dma_start3A_142, %dma_start3A_143] : memref<10240x128xf32, #tpu.memory_space<vmem_shared>> -> memref<10240x128xf32, #tpu.memory_space<vmem_shared>>
        tpu.enqueue_indirect_dma source(%arg9 : memref<128x128xf32, #tpu.memory_space<vmem>>) target(%dma_start3A_144 : memref<10240x128xf32, #tpu.memory_space<vmem_shared>>) offsets(%dma_start3A_141 : memref<128xi32, #tpu.memory_space<vmem>>) semaphore(%run_scoped3A_138 : memref<!tpu.dma_semaphore, #tpu.memory_space<semaphore_mem>>) {add = true}
        %dma_wait3A_145 = arith.constant 0 : i32
        %dma_wait3A_146 = tpu.memref_slice %arg8[%run_scoped3A_122, %dma_wait3A_145] : memref<8x128xi32, #tpu.memory_space<vmem>> -> memref<1x128xi32, #tpu.memory_space<vmem>>
        %dma_wait3A_147 = tpu.memref_squeeze %dma_wait3A_146 : memref<1x128xi32, #tpu.memory_space<vmem>> -> memref<128xi32, #tpu.memory_space<vmem>>
        %dma_wait3A_148 = arith.constant 0 : i32
        %dma_wait3A_149 = arith.constant 0 : i32
        %dma_wait3A_150 = tpu.memref_slice %arg10[%dma_wait3A_148, %dma_wait3A_149] : memref<10240x128xf32, #tpu.memory_space<vmem_shared>> -> memref<10240x128xf32, #tpu.memory_space<vmem_shared>>
        tpu.wait_indirect_dma semaphore(%run_scoped3A_138 : memref<!tpu.dma_semaphore, #tpu.memory_space<semaphore_mem>>) src(%arg9 : memref<128x128xf32, #tpu.memory_space<vmem>>) dst(%dma_wait3A_150 : memref<10240x128xf32, #tpu.memory_space<vmem_shared>>)
        tpu.yield
      }) : () -> ()
      %dma_start3A_123 = arith.constant 7 : i32
      %dma_start3A_124 = arith.constant 0 : i32
      %dma_start3A_125 = tpu.memref_slice %arg7[%dma_start3A_123, %dma_start3A_124] : memref<8x128xi32, #tpu.memory_space<vmem>> -> memref<1x128xi32, #tpu.memory_space<vmem>>
      %dma_start3A_126 = tpu.memref_squeeze %dma_start3A_125 : memref<1x128xi32, #tpu.memory_space<vmem>> -> memref<128xi32, #tpu.memory_space<vmem>>
      %dma_start3A_127 = arith.constant 0 : i32
      %dma_start3A_128 = arith.constant 0 : i32
      %dma_start3A_129 = tpu.memref_slice %arg4[%dma_start3A_127, %dma_start3A_128] : memref<10240x128xf32, #tpu.memory_space<hbm>> -> memref<10240x128xf32, #tpu.memory_space<hbm>>
      tpu.enqueue_indirect_dma source(%dma_start3A_129 : memref<10240x128xf32, #tpu.memory_space<hbm>>) target(%arg9 : memref<128x128xf32, #tpu.memory_space<vmem>>) offsets(%dma_start3A_126 : memref<128xi32, #tpu.memory_space<vmem>>) semaphore(%arg11 : memref<!tpu.dma_semaphore, #tpu.memory_space<semaphore_mem>>)
      %dma_wait3A_130 = arith.constant 7 : i32
      %dma_wait3A_131 = arith.constant 0 : i32
      %dma_wait3A_132 = tpu.memref_slice %arg7[%dma_wait3A_130, %dma_wait3A_131] : memref<8x128xi32, #tpu.memory_space<vmem>> -> memref<1x128xi32, #tpu.memory_space<vmem>>
      %dma_wait3A_133 = tpu.memref_squeeze %dma_wait3A_132 : memref<1x128xi32, #tpu.memory_space<vmem>> -> memref<128xi32, #tpu.memory_space<vmem>>
      %dma_wait3A_134 = arith.constant 0 : i32
      %dma_wait3A_135 = arith.constant 0 : i32
      %dma_wait3A_136 = tpu.memref_slice %arg4[%dma_wait3A_134, %dma_wait3A_135] : memref<10240x128xf32, #tpu.memory_space<hbm>> -> memref<10240x128xf32, #tpu.memory_space<hbm>>
      tpu.wait_indirect_dma semaphore(%arg11 : memref<!tpu.dma_semaphore, #tpu.memory_space<semaphore_mem>>) src(%dma_wait3A_136 : memref<10240x128xf32, #tpu.memory_space<hbm>>) dst(%arg9 : memref<128x128xf32, #tpu.memory_space<vmem>>)
      %run_scoped3A_137 = arith.constant 7 : i32
      "tpu.region"() ({
        %run_scoped3A_138 = tpu.sem_alloc : memref<!tpu.dma_semaphore, #tpu.memory_space<semaphore_mem>>
        %dma_start3A_139 = arith.constant 0 : i32
        %dma_start3A_140 = tpu.memref_slice %arg8[%run_scoped3A_137, %dma_start3A_139] : memref<8x128xi32, #tpu.memory_space<vmem>> -> memref<1x128xi32, #tpu.memory_space<vmem>>
        %dma_start3A_141 = tpu.memref_squeeze %dma_start3A_140 : memref<1x128xi32, #tpu.memory_space<vmem>> -> memref<128xi32, #tpu.memory_space<vmem>>
        %dma_start3A_142 = arith.constant 0 : i32
        %dma_start3A_143 = arith.constant 0 : i32
        %dma_start3A_144 = tpu.memref_slice %arg10[%dma_start3A_142, %dma_start3A_143] : memref<10240x128xf32, #tpu.memory_space<vmem_shared>> -> memref<10240x128xf32, #tpu.memory_space<vmem_shared>>
        tpu.enqueue_indirect_dma source(%arg9 : memref<128x128xf32, #tpu.memory_space<vmem>>) target(%dma_start3A_144 : memref<10240x128xf32, #tpu.memory_space<vmem_shared>>) offsets(%dma_start3A_141 : memref<128xi32, #tpu.memory_space<vmem>>) semaphore(%run_scoped3A_138 : memref<!tpu.dma_semaphore, #tpu.memory_space<semaphore_mem>>) {add = true}
        %dma_wait3A_145 = arith.constant 0 : i32
        %dma_wait3A_146 = tpu.memref_slice %arg8[%run_scoped3A_137, %dma_wait3A_145] : memref<8x128xi32, #tpu.memory_space<vmem>> -> memref<1x128xi32, #tpu.memory_space<vmem>>
        %dma_wait3A_147 = tpu.memref_squeeze %dma_wait3A_146 : memref<1x128xi32, #tpu.memory_space<vmem>> -> memref<128xi32, #tpu.memory_space<vmem>>
        %dma_wait3A_148 = arith.constant 0 : i32
        %dma_wait3A_149 = arith.constant 0 : i32
        %dma_wait3A_150 = tpu.memref_slice %arg10[%dma_wait3A_148, %dma_wait3A_149] : memref<10240x128xf32, #tpu.memory_space<vmem_shared>> -> memref<10240x128xf32, #tpu.memory_space<vmem_shared>>
        tpu.wait_indirect_dma semaphore(%run_scoped3A_138 : memref<!tpu.dma_semaphore, #tpu.memory_space<semaphore_mem>>) src(%arg9 : memref<128x128xf32, #tpu.memory_space<vmem>>) dst(%dma_wait3A_150 : memref<10240x128xf32, #tpu.memory_space<vmem_shared>>)
        tpu.yield
      }) : () -> ()
    }
    %barrier3A_15 = arith.constant 0 : index
    tpu.barrier barrier_id(%barrier3A_15)
    "tpu.region"() ({
      %run_scoped3A = tpu.sem_alloc : memref<!tpu.dma_semaphore, #tpu.memory_space<semaphore_mem>>
      %dma_start3A = arith.constant 0 : i32
      %dma_start3A_16 = tpu.memref_slice %arg6[%arg0, %mul3A_2, %dma_start3A] : memref<2x10240x128xf32, #tpu.memory_space<hbm>> -> memref<1x640x128xf32, #tpu.memory_space<hbm>>
      %dma_start3A_17 = tpu.memref_squeeze %dma_start3A_16 : memref<1x640x128xf32, #tpu.memory_space<hbm>> -> memref<640x128xf32, #tpu.memory_space<hbm>>
      %dma_start3A_18 = arith.constant 0 : i32
      %dma_start3A_19 = tpu.memref_slice %arg10[%mul3A_2, %dma_start3A_18] : memref<10240x128xf32, #tpu.memory_space<vmem_shared>> -> memref<640x128xf32, #tpu.memory_space<vmem_shared>>
      tpu.enqueue_dma source(%dma_start3A_19 : memref<640x128xf32, #tpu.memory_space<vmem_shared>>) target(%dma_start3A_17 : memref<640x128xf32, #tpu.memory_space<hbm>>) target_semaphore(%run_scoped3A : memref<!tpu.dma_semaphore, #tpu.memory_space<semaphore_mem>>)
      %dma_wait3A = arith.constant 0 : i32
      %dma_wait3A_20 = tpu.memref_slice %arg6[%arg0, %mul3A_2, %dma_wait3A] : memref<2x10240x128xf32, #tpu.memory_space<hbm>> -> memref<1x640x128xf32, #tpu.memory_space<hbm>>
      %dma_wait3A_21 = tpu.memref_squeeze %dma_wait3A_20 : memref<1x640x128xf32, #tpu.memory_space<hbm>> -> memref<640x128xf32, #tpu.memory_space<hbm>>
      %dma_wait3A_22 = arith.constant 0 : i32
      %dma_wait3A_23 = tpu.memref_slice %arg10[%mul3A_2, %dma_wait3A_22] : memref<10240x128xf32, #tpu.memory_space<vmem_shared>> -> memref<640x128xf32, #tpu.memory_space<vmem_shared>>
      tpu.wait_dma2 semaphore(%run_scoped3A : memref<!tpu.dma_semaphore, #tpu.memory_space<semaphore_mem>>) src(%dma_wait3A_23 : memref<640x128xf32, #tpu.memory_space<vmem_shared>>) dst(%dma_wait3A_21 : memref<640x128xf32, #tpu.memory_space<hbm>>)
      tpu.yield
    }) : () -> ()
    return
  }
}

#map = affine_map<(d0, d1) -> (0, 0, 0)>
#map1 = affine_map<(d0, d1) -> (0, 0)>
module attributes {stable_mosaic.version = 14 : i64} {
  func.func @_edge_body(%arg0: i32, %arg1: i32, %arg2: memref<32x112x128xi32, #tpu.memory_space<hbm>>, %arg3: memref<32x112x128xi32, #tpu.memory_space<hbm>>, %arg4: memref<10240x128xf32, #tpu.memory_space<hbm>>, %arg5: memref<10240x128xf32, #tpu.memory_space<hbm>>, %arg6: memref<2x10240x128xf32, #tpu.memory_space<hbm>>, %arg7: memref<8x128xi32, #tpu.memory_space<vmem>>, %arg8: memref<8x128xi32, #tpu.memory_space<vmem>>, %arg9: memref<128x128xf32, #tpu.memory_space<vmem>>, %arg10: memref<10240x128xf32, #tpu.memory_space<vmem_shared>>, %arg11: memref<!tpu.dma_semaphore, #tpu.memory_space<semaphore_mem>>) attributes {dimension_semantics = [#tpu.dimension_semantics<core_parallel>, #tpu.dimension_semantics<subcore_parallel>], iteration_bounds = array<i64: 2, 16>, scalar_prefetch = 0 : i64, scratch_operands = 5 : i64, tpu.core_type = #tpu.core_type<sc_vector_subcore>, window_params = [{transform_indices = #map}, {transform_indices = #map}, {transform_indices = #map1}, {transform_indices = #map1}, {transform_indices = #map}]} {
    %mul3A = arith.constant 2 : i32
    %mul3A_0 = arith.muli %arg1, %mul3A : i32
    %add3A = arith.addi %mul3A_0, %arg0 : i32
    %mul3A_1 = arith.constant 640 : i32
    %mul3A_2 = arith.muli %arg1, %mul3A_1 : i32
    %eq3A = arith.constant 0 : i32
    %eq3A_3 = arith.cmpi eq, %arg0, %eq3A : i32
    %select_n3A = arith.constant 6 : i32
    %select_n3A_4 = arith.constant 14 : i32
    %select_n3A_5 = arith.select %eq3A_3, %select_n3A_4, %select_n3A : i32
    "tpu.region"() ({
      %run_scoped3A = tpu.sem_alloc : memref<!tpu.dma_semaphore, #tpu.memory_space<semaphore_mem>>
      %dma_start3A = arith.constant 0 : i32
      %dma_start3A_16 = tpu.memref_slice %arg10[%mul3A_2, %dma_start3A] : memref<10240x128xf32, #tpu.memory_space<vmem_shared>> -> memref<640x128xf32, #tpu.memory_space<vmem_shared>>
      %dma_start3A_17 = arith.constant 0 : i32
      %dma_start3A_18 = tpu.memref_slice %arg5[%mul3A_2, %dma_start3A_17] : memref<10240x128xf32, #tpu.memory_space<hbm>> -> memref<640x128xf32, #tpu.memory_space<hbm>>
      tpu.enqueue_dma source(%dma_start3A_18 : memref<640x128xf32, #tpu.memory_space<hbm>>) target(%dma_start3A_16 : memref<640x128xf32, #tpu.memory_space<vmem_shared>>) target_semaphore(%run_scoped3A : memref<!tpu.dma_semaphore, #tpu.memory_space<semaphore_mem>>)
      %dma_wait3A = arith.constant 0 : i32
      %dma_wait3A_19 = tpu.memref_slice %arg10[%mul3A_2, %dma_wait3A] : memref<10240x128xf32, #tpu.memory_space<vmem_shared>> -> memref<640x128xf32, #tpu.memory_space<vmem_shared>>
      %dma_wait3A_20 = arith.constant 0 : i32
      %dma_wait3A_21 = tpu.memref_slice %arg5[%mul3A_2, %dma_wait3A_20] : memref<10240x128xf32, #tpu.memory_space<hbm>> -> memref<640x128xf32, #tpu.memory_space<hbm>>
      tpu.wait_dma2 semaphore(%run_scoped3A : memref<!tpu.dma_semaphore, #tpu.memory_space<semaphore_mem>>) src(%dma_wait3A_21 : memref<640x128xf32, #tpu.memory_space<hbm>>) dst(%dma_wait3A_19 : memref<640x128xf32, #tpu.memory_space<vmem_shared>>)
      tpu.yield
    }) : () -> ()
    %barrier3A = arith.constant 0 : index
    tpu.barrier barrier_id(%barrier3A)
    %while3A = arith.constant 0 : i32
    %while3A_6 = arith.constant 0 : i32
    %while3A_7 = arith.subi %select_n3A_5, %while3A_6 : i32
    %while3A_8 = arith.addi %while3A_6, %while3A_7 : i32
    %while3A_9 = arith.constant 1 : i32
    %while3A_10 = arith.divsi %while3A_7, %while3A_9 : i32
    %while3A_11 = arith.muli %while3A_10, %while3A_9 : i32
    %while3A_12 = arith.addi %while3A_6, %while3A_11 : i32
    %while3A_13 = arith.constant 1 : i32
    scf.for %while3A_16 = %while3A_6 to %while3A_12 step %while3A_13  : i32 {
      %mul3A_17 = arith.constant 8 : i32
      %mul3A_18 = arith.muli %while3A_16, %mul3A_17 : i32
      "tpu.region"() ({
        %run_scoped3A_138 = tpu.sem_alloc : memref<!tpu.dma_semaphore, #tpu.memory_space<semaphore_mem>>
        %dma_start3A_139 = arith.constant 0 : i32
        %dma_start3A_140 = tpu.memref_slice %arg2[%add3A, %mul3A_18, %dma_start3A_139] : memref<32x112x128xi32, #tpu.memory_space<hbm>> -> memref<1x8x128xi32, #tpu.memory_space<hbm>>
        %dma_start3A_141 = tpu.memref_squeeze %dma_start3A_140 : memref<1x8x128xi32, #tpu.memory_space<hbm>> -> memref<8x128xi32, #tpu.memory_space<hbm>>
        %dma_start3A_142 = arith.constant 0 : i32
        %dma_start3A_143 = tpu.memref_slice %arg2[%add3A, %mul3A_18, %dma_start3A_142] : memref<32x112x128xi32, #tpu.memory_space<hbm>> -> memref<1x8x128xi32, #tpu.memory_space<hbm>>
        %dma_start3A_144 = tpu.memref_squeeze %dma_start3A_143 : memref<1x8x128xi32, #tpu.memory_space<hbm>> -> memref<8x128xi32, #tpu.memory_space<hbm>>
        tpu.enqueue_dma source(%dma_start3A_144 : memref<8x128xi32, #tpu.memory_space<hbm>>) target(%arg7 : memref<8x128xi32, #tpu.memory_space<vmem>>) target_semaphore(%run_scoped3A_138 : memref<!tpu.dma_semaphore, #tpu.memory_space<semaphore_mem>>)
        %dma_wait3A_145 = arith.constant 0 : i32
        %dma_wait3A_146 = tpu.memref_slice %arg2[%add3A, %mul3A_18, %dma_wait3A_145] : memref<32x112x128xi32, #tpu.memory_space<hbm>> -> memref<1x8x128xi32, #tpu.memory_space<hbm>>
        %dma_wait3A_147 = tpu.memref_squeeze %dma_wait3A_146 : memref<1x8x128xi32, #tpu.memory_space<hbm>> -> memref<8x128xi32, #tpu.memory_space<hbm>>
        %dma_wait3A_148 = arith.constant 0 : i32
        %dma_wait3A_149 = tpu.memref_slice %arg2[%add3A, %mul3A_18, %dma_wait3A_148] : memref<32x112x128xi32, #tpu.memory_space<hbm>> -> memref<1x8x128xi32, #tpu.memory_space<hbm>>
        %dma_wait3A_150 = tpu.memref_squeeze %dma_wait3A_149 : memref<1x8x128xi32, #tpu.memory_space<hbm>> -> memref<8x128xi32, #tpu.memory_space<hbm>>
        tpu.wait_dma2 semaphore(%run_scoped3A_138 : memref<!tpu.dma_semaphore, #tpu.memory_space<semaphore_mem>>) src(%dma_wait3A_150 : memref<8x128xi32, #tpu.memory_space<hbm>>) dst(%arg7 : memref<8x128xi32, #tpu.memory_space<vmem>>)
        tpu.yield
      }) : () -> ()
      %mul3A_19 = arith.constant 8 : i32
      %mul3A_20 = arith.muli %while3A_16, %mul3A_19 : i32
      "tpu.region"() ({
        %run_scoped3A_138 = tpu.sem_alloc : memref<!tpu.dma_semaphore, #tpu.memory_space<semaphore_mem>>
        %dma_start3A_139 = arith.constant 0 : i32
        %dma_start3A_140 = tpu.memref_slice %arg3[%add3A, %mul3A_20, %dma_start3A_139] : memref<32x112x128xi32, #tpu.memory_space<hbm>> -> memref<1x8x128xi32, #tpu.memory_space<hbm>>
        %dma_start3A_141 = tpu.memref_squeeze %dma_start3A_140 : memref<1x8x128xi32, #tpu.memory_space<hbm>> -> memref<8x128xi32, #tpu.memory_space<hbm>>
        %dma_start3A_142 = arith.constant 0 : i32
        %dma_start3A_143 = tpu.memref_slice %arg3[%add3A, %mul3A_20, %dma_start3A_142] : memref<32x112x128xi32, #tpu.memory_space<hbm>> -> memref<1x8x128xi32, #tpu.memory_space<hbm>>
        %dma_start3A_144 = tpu.memref_squeeze %dma_start3A_143 : memref<1x8x128xi32, #tpu.memory_space<hbm>> -> memref<8x128xi32, #tpu.memory_space<hbm>>
        tpu.enqueue_dma source(%dma_start3A_144 : memref<8x128xi32, #tpu.memory_space<hbm>>) target(%arg8 : memref<8x128xi32, #tpu.memory_space<vmem>>) target_semaphore(%run_scoped3A_138 : memref<!tpu.dma_semaphore, #tpu.memory_space<semaphore_mem>>)
        %dma_wait3A_145 = arith.constant 0 : i32
        %dma_wait3A_146 = tpu.memref_slice %arg3[%add3A, %mul3A_20, %dma_wait3A_145] : memref<32x112x128xi32, #tpu.memory_space<hbm>> -> memref<1x8x128xi32, #tpu.memory_space<hbm>>
        %dma_wait3A_147 = tpu.memref_squeeze %dma_wait3A_146 : memref<1x8x128xi32, #tpu.memory_space<hbm>> -> memref<8x128xi32, #tpu.memory_space<hbm>>
        %dma_wait3A_148 = arith.constant 0 : i32
        %dma_wait3A_149 = tpu.memref_slice %arg3[%add3A, %mul3A_20, %dma_wait3A_148] : memref<32x112x128xi32, #tpu.memory_space<hbm>> -> memref<1x8x128xi32, #tpu.memory_space<hbm>>
        %dma_wait3A_150 = tpu.memref_squeeze %dma_wait3A_149 : memref<1x8x128xi32, #tpu.memory_space<hbm>> -> memref<8x128xi32, #tpu.memory_space<hbm>>
        tpu.wait_dma2 semaphore(%run_scoped3A_138 : memref<!tpu.dma_semaphore, #tpu.memory_space<semaphore_mem>>) src(%dma_wait3A_150 : memref<8x128xi32, #tpu.memory_space<hbm>>) dst(%arg8 : memref<8x128xi32, #tpu.memory_space<vmem>>)
        tpu.yield
      }) : () -> ()
      %dma_start3A = arith.constant 0 : i32
      %dma_start3A_21 = arith.constant 0 : i32
      %dma_start3A_22 = tpu.memref_slice %arg7[%dma_start3A, %dma_start3A_21] : memref<8x128xi32, #tpu.memory_space<vmem>> -> memref<1x128xi32, #tpu.memory_space<vmem>>
      %dma_start3A_23 = tpu.memref_squeeze %dma_start3A_22 : memref<1x128xi32, #tpu.memory_space<vmem>> -> memref<128xi32, #tpu.memory_space<vmem>>
      %dma_start3A_24 = arith.constant 0 : i32
      %dma_start3A_25 = arith.constant 0 : i32
      %dma_start3A_26 = tpu.memref_slice %arg4[%dma_start3A_24, %dma_start3A_25] : memref<10240x128xf32, #tpu.memory_space<hbm>> -> memref<10240x128xf32, #tpu.memory_space<hbm>>
      tpu.enqueue_indirect_dma source(%dma_start3A_26 : memref<10240x128xf32, #tpu.memory_space<hbm>>) target(%arg9 : memref<128x128xf32, #tpu.memory_space<vmem>>) offsets(%dma_start3A_23 : memref<128xi32, #tpu.memory_space<vmem>>) semaphore(%arg11 : memref<!tpu.dma_semaphore, #tpu.memory_space<semaphore_mem>>)
      %dma_wait3A = arith.constant 0 : i32
      %dma_wait3A_27 = arith.constant 0 : i32
      %dma_wait3A_28 = tpu.memref_slice %arg7[%dma_wait3A, %dma_wait3A_27] : memref<8x128xi32, #tpu.memory_space<vmem>> -> memref<1x128xi32, #tpu.memory_space<vmem>>
      %dma_wait3A_29 = tpu.memref_squeeze %dma_wait3A_28 : memref<1x128xi32, #tpu.memory_space<vmem>> -> memref<128xi32, #tpu.memory_space<vmem>>
      %dma_wait3A_30 = arith.constant 0 : i32
      %dma_wait3A_31 = arith.constant 0 : i32
      %dma_wait3A_32 = tpu.memref_slice %arg4[%dma_wait3A_30, %dma_wait3A_31] : memref<10240x128xf32, #tpu.memory_space<hbm>> -> memref<10240x128xf32, #tpu.memory_space<hbm>>
      tpu.wait_indirect_dma semaphore(%arg11 : memref<!tpu.dma_semaphore, #tpu.memory_space<semaphore_mem>>) src(%dma_wait3A_32 : memref<10240x128xf32, #tpu.memory_space<hbm>>) dst(%arg9 : memref<128x128xf32, #tpu.memory_space<vmem>>)
      %run_scoped3A = arith.constant 0 : i32
      "tpu.region"() ({
        %run_scoped3A_138 = tpu.sem_alloc : memref<!tpu.dma_semaphore, #tpu.memory_space<semaphore_mem>>
        %dma_start3A_139 = arith.constant 0 : i32
        %dma_start3A_140 = tpu.memref_slice %arg8[%run_scoped3A, %dma_start3A_139] : memref<8x128xi32, #tpu.memory_space<vmem>> -> memref<1x128xi32, #tpu.memory_space<vmem>>
        %dma_start3A_141 = tpu.memref_squeeze %dma_start3A_140 : memref<1x128xi32, #tpu.memory_space<vmem>> -> memref<128xi32, #tpu.memory_space<vmem>>
        %dma_start3A_142 = arith.constant 0 : i32
        %dma_start3A_143 = arith.constant 0 : i32
        %dma_start3A_144 = tpu.memref_slice %arg10[%dma_start3A_142, %dma_start3A_143] : memref<10240x128xf32, #tpu.memory_space<vmem_shared>> -> memref<10240x128xf32, #tpu.memory_space<vmem_shared>>
        tpu.enqueue_indirect_dma source(%arg9 : memref<128x128xf32, #tpu.memory_space<vmem>>) target(%dma_start3A_144 : memref<10240x128xf32, #tpu.memory_space<vmem_shared>>) offsets(%dma_start3A_141 : memref<128xi32, #tpu.memory_space<vmem>>) semaphore(%run_scoped3A_138 : memref<!tpu.dma_semaphore, #tpu.memory_space<semaphore_mem>>) {add = true}
        %dma_wait3A_145 = arith.constant 0 : i32
        %dma_wait3A_146 = tpu.memref_slice %arg8[%run_scoped3A, %dma_wait3A_145] : memref<8x128xi32, #tpu.memory_space<vmem>> -> memref<1x128xi32, #tpu.memory_space<vmem>>
        %dma_wait3A_147 = tpu.memref_squeeze %dma_wait3A_146 : memref<1x128xi32, #tpu.memory_space<vmem>> -> memref<128xi32, #tpu.memory_space<vmem>>
        %dma_wait3A_148 = arith.constant 0 : i32
        %dma_wait3A_149 = arith.constant 0 : i32
        %dma_wait3A_150 = tpu.memref_slice %arg10[%dma_wait3A_148, %dma_wait3A_149] : memref<10240x128xf32, #tpu.memory_space<vmem_shared>> -> memref<10240x128xf32, #tpu.memory_space<vmem_shared>>
        tpu.wait_indirect_dma semaphore(%run_scoped3A_138 : memref<!tpu.dma_semaphore, #tpu.memory_space<semaphore_mem>>) src(%arg9 : memref<128x128xf32, #tpu.memory_space<vmem>>) dst(%dma_wait3A_150 : memref<10240x128xf32, #tpu.memory_space<vmem_shared>>)
        tpu.yield
      }) : () -> ()
      %dma_start3A_33 = arith.constant 1 : i32
      %dma_start3A_34 = arith.constant 0 : i32
      %dma_start3A_35 = tpu.memref_slice %arg7[%dma_start3A_33, %dma_start3A_34] : memref<8x128xi32, #tpu.memory_space<vmem>> -> memref<1x128xi32, #tpu.memory_space<vmem>>
      %dma_start3A_36 = tpu.memref_squeeze %dma_start3A_35 : memref<1x128xi32, #tpu.memory_space<vmem>> -> memref<128xi32, #tpu.memory_space<vmem>>
      %dma_start3A_37 = arith.constant 0 : i32
      %dma_start3A_38 = arith.constant 0 : i32
      %dma_start3A_39 = tpu.memref_slice %arg4[%dma_start3A_37, %dma_start3A_38] : memref<10240x128xf32, #tpu.memory_space<hbm>> -> memref<10240x128xf32, #tpu.memory_space<hbm>>
      tpu.enqueue_indirect_dma source(%dma_start3A_39 : memref<10240x128xf32, #tpu.memory_space<hbm>>) target(%arg9 : memref<128x128xf32, #tpu.memory_space<vmem>>) offsets(%dma_start3A_36 : memref<128xi32, #tpu.memory_space<vmem>>) semaphore(%arg11 : memref<!tpu.dma_semaphore, #tpu.memory_space<semaphore_mem>>)
      %dma_wait3A_40 = arith.constant 1 : i32
      %dma_wait3A_41 = arith.constant 0 : i32
      %dma_wait3A_42 = tpu.memref_slice %arg7[%dma_wait3A_40, %dma_wait3A_41] : memref<8x128xi32, #tpu.memory_space<vmem>> -> memref<1x128xi32, #tpu.memory_space<vmem>>
      %dma_wait3A_43 = tpu.memref_squeeze %dma_wait3A_42 : memref<1x128xi32, #tpu.memory_space<vmem>> -> memref<128xi32, #tpu.memory_space<vmem>>
      %dma_wait3A_44 = arith.constant 0 : i32
      %dma_wait3A_45 = arith.constant 0 : i32
      %dma_wait3A_46 = tpu.memref_slice %arg4[%dma_wait3A_44, %dma_wait3A_45] : memref<10240x128xf32, #tpu.memory_space<hbm>> -> memref<10240x128xf32, #tpu.memory_space<hbm>>
      tpu.wait_indirect_dma semaphore(%arg11 : memref<!tpu.dma_semaphore, #tpu.memory_space<semaphore_mem>>) src(%dma_wait3A_46 : memref<10240x128xf32, #tpu.memory_space<hbm>>) dst(%arg9 : memref<128x128xf32, #tpu.memory_space<vmem>>)
      %run_scoped3A_47 = arith.constant 1 : i32
      "tpu.region"() ({
        %run_scoped3A_138 = tpu.sem_alloc : memref<!tpu.dma_semaphore, #tpu.memory_space<semaphore_mem>>
        %dma_start3A_139 = arith.constant 0 : i32
        %dma_start3A_140 = tpu.memref_slice %arg8[%run_scoped3A_47, %dma_start3A_139] : memref<8x128xi32, #tpu.memory_space<vmem>> -> memref<1x128xi32, #tpu.memory_space<vmem>>
        %dma_start3A_141 = tpu.memref_squeeze %dma_start3A_140 : memref<1x128xi32, #tpu.memory_space<vmem>> -> memref<128xi32, #tpu.memory_space<vmem>>
        %dma_start3A_142 = arith.constant 0 : i32
        %dma_start3A_143 = arith.constant 0 : i32
        %dma_start3A_144 = tpu.memref_slice %arg10[%dma_start3A_142, %dma_start3A_143] : memref<10240x128xf32, #tpu.memory_space<vmem_shared>> -> memref<10240x128xf32, #tpu.memory_space<vmem_shared>>
        tpu.enqueue_indirect_dma source(%arg9 : memref<128x128xf32, #tpu.memory_space<vmem>>) target(%dma_start3A_144 : memref<10240x128xf32, #tpu.memory_space<vmem_shared>>) offsets(%dma_start3A_141 : memref<128xi32, #tpu.memory_space<vmem>>) semaphore(%run_scoped3A_138 : memref<!tpu.dma_semaphore, #tpu.memory_space<semaphore_mem>>) {add = true}
        %dma_wait3A_145 = arith.constant 0 : i32
        %dma_wait3A_146 = tpu.memref_slice %arg8[%run_scoped3A_47, %dma_wait3A_145] : memref<8x128xi32, #tpu.memory_space<vmem>> -> memref<1x128xi32, #tpu.memory_space<vmem>>
        %dma_wait3A_147 = tpu.memref_squeeze %dma_wait3A_146 : memref<1x128xi32, #tpu.memory_space<vmem>> -> memref<128xi32, #tpu.memory_space<vmem>>
        %dma_wait3A_148 = arith.constant 0 : i32
        %dma_wait3A_149 = arith.constant 0 : i32
        %dma_wait3A_150 = tpu.memref_slice %arg10[%dma_wait3A_148, %dma_wait3A_149] : memref<10240x128xf32, #tpu.memory_space<vmem_shared>> -> memref<10240x128xf32, #tpu.memory_space<vmem_shared>>
        tpu.wait_indirect_dma semaphore(%run_scoped3A_138 : memref<!tpu.dma_semaphore, #tpu.memory_space<semaphore_mem>>) src(%arg9 : memref<128x128xf32, #tpu.memory_space<vmem>>) dst(%dma_wait3A_150 : memref<10240x128xf32, #tpu.memory_space<vmem_shared>>)
        tpu.yield
      }) : () -> ()
      %dma_start3A_48 = arith.constant 2 : i32
      %dma_start3A_49 = arith.constant 0 : i32
      %dma_start3A_50 = tpu.memref_slice %arg7[%dma_start3A_48, %dma_start3A_49] : memref<8x128xi32, #tpu.memory_space<vmem>> -> memref<1x128xi32, #tpu.memory_space<vmem>>
      %dma_start3A_51 = tpu.memref_squeeze %dma_start3A_50 : memref<1x128xi32, #tpu.memory_space<vmem>> -> memref<128xi32, #tpu.memory_space<vmem>>
      %dma_start3A_52 = arith.constant 0 : i32
      %dma_start3A_53 = arith.constant 0 : i32
      %dma_start3A_54 = tpu.memref_slice %arg4[%dma_start3A_52, %dma_start3A_53] : memref<10240x128xf32, #tpu.memory_space<hbm>> -> memref<10240x128xf32, #tpu.memory_space<hbm>>
      tpu.enqueue_indirect_dma source(%dma_start3A_54 : memref<10240x128xf32, #tpu.memory_space<hbm>>) target(%arg9 : memref<128x128xf32, #tpu.memory_space<vmem>>) offsets(%dma_start3A_51 : memref<128xi32, #tpu.memory_space<vmem>>) semaphore(%arg11 : memref<!tpu.dma_semaphore, #tpu.memory_space<semaphore_mem>>)
      %dma_wait3A_55 = arith.constant 2 : i32
      %dma_wait3A_56 = arith.constant 0 : i32
      %dma_wait3A_57 = tpu.memref_slice %arg7[%dma_wait3A_55, %dma_wait3A_56] : memref<8x128xi32, #tpu.memory_space<vmem>> -> memref<1x128xi32, #tpu.memory_space<vmem>>
      %dma_wait3A_58 = tpu.memref_squeeze %dma_wait3A_57 : memref<1x128xi32, #tpu.memory_space<vmem>> -> memref<128xi32, #tpu.memory_space<vmem>>
      %dma_wait3A_59 = arith.constant 0 : i32
      %dma_wait3A_60 = arith.constant 0 : i32
      %dma_wait3A_61 = tpu.memref_slice %arg4[%dma_wait3A_59, %dma_wait3A_60] : memref<10240x128xf32, #tpu.memory_space<hbm>> -> memref<10240x128xf32, #tpu.memory_space<hbm>>
      tpu.wait_indirect_dma semaphore(%arg11 : memref<!tpu.dma_semaphore, #tpu.memory_space<semaphore_mem>>) src(%dma_wait3A_61 : memref<10240x128xf32, #tpu.memory_space<hbm>>) dst(%arg9 : memref<128x128xf32, #tpu.memory_space<vmem>>)
      %run_scoped3A_62 = arith.constant 2 : i32
      "tpu.region"() ({
        %run_scoped3A_138 = tpu.sem_alloc : memref<!tpu.dma_semaphore, #tpu.memory_space<semaphore_mem>>
        %dma_start3A_139 = arith.constant 0 : i32
        %dma_start3A_140 = tpu.memref_slice %arg8[%run_scoped3A_62, %dma_start3A_139] : memref<8x128xi32, #tpu.memory_space<vmem>> -> memref<1x128xi32, #tpu.memory_space<vmem>>
        %dma_start3A_141 = tpu.memref_squeeze %dma_start3A_140 : memref<1x128xi32, #tpu.memory_space<vmem>> -> memref<128xi32, #tpu.memory_space<vmem>>
        %dma_start3A_142 = arith.constant 0 : i32
        %dma_start3A_143 = arith.constant 0 : i32
        %dma_start3A_144 = tpu.memref_slice %arg10[%dma_start3A_142, %dma_start3A_143] : memref<10240x128xf32, #tpu.memory_space<vmem_shared>> -> memref<10240x128xf32, #tpu.memory_space<vmem_shared>>
        tpu.enqueue_indirect_dma source(%arg9 : memref<128x128xf32, #tpu.memory_space<vmem>>) target(%dma_start3A_144 : memref<10240x128xf32, #tpu.memory_space<vmem_shared>>) offsets(%dma_start3A_141 : memref<128xi32, #tpu.memory_space<vmem>>) semaphore(%run_scoped3A_138 : memref<!tpu.dma_semaphore, #tpu.memory_space<semaphore_mem>>) {add = true}
        %dma_wait3A_145 = arith.constant 0 : i32
        %dma_wait3A_146 = tpu.memref_slice %arg8[%run_scoped3A_62, %dma_wait3A_145] : memref<8x128xi32, #tpu.memory_space<vmem>> -> memref<1x128xi32, #tpu.memory_space<vmem>>
        %dma_wait3A_147 = tpu.memref_squeeze %dma_wait3A_146 : memref<1x128xi32, #tpu.memory_space<vmem>> -> memref<128xi32, #tpu.memory_space<vmem>>
        %dma_wait3A_148 = arith.constant 0 : i32
        %dma_wait3A_149 = arith.constant 0 : i32
        %dma_wait3A_150 = tpu.memref_slice %arg10[%dma_wait3A_148, %dma_wait3A_149] : memref<10240x128xf32, #tpu.memory_space<vmem_shared>> -> memref<10240x128xf32, #tpu.memory_space<vmem_shared>>
        tpu.wait_indirect_dma semaphore(%run_scoped3A_138 : memref<!tpu.dma_semaphore, #tpu.memory_space<semaphore_mem>>) src(%arg9 : memref<128x128xf32, #tpu.memory_space<vmem>>) dst(%dma_wait3A_150 : memref<10240x128xf32, #tpu.memory_space<vmem_shared>>)
        tpu.yield
      }) : () -> ()
      %dma_start3A_63 = arith.constant 3 : i32
      %dma_start3A_64 = arith.constant 0 : i32
      %dma_start3A_65 = tpu.memref_slice %arg7[%dma_start3A_63, %dma_start3A_64] : memref<8x128xi32, #tpu.memory_space<vmem>> -> memref<1x128xi32, #tpu.memory_space<vmem>>
      %dma_start3A_66 = tpu.memref_squeeze %dma_start3A_65 : memref<1x128xi32, #tpu.memory_space<vmem>> -> memref<128xi32, #tpu.memory_space<vmem>>
      %dma_start3A_67 = arith.constant 0 : i32
      %dma_start3A_68 = arith.constant 0 : i32
      %dma_start3A_69 = tpu.memref_slice %arg4[%dma_start3A_67, %dma_start3A_68] : memref<10240x128xf32, #tpu.memory_space<hbm>> -> memref<10240x128xf32, #tpu.memory_space<hbm>>
      tpu.enqueue_indirect_dma source(%dma_start3A_69 : memref<10240x128xf32, #tpu.memory_space<hbm>>) target(%arg9 : memref<128x128xf32, #tpu.memory_space<vmem>>) offsets(%dma_start3A_66 : memref<128xi32, #tpu.memory_space<vmem>>) semaphore(%arg11 : memref<!tpu.dma_semaphore, #tpu.memory_space<semaphore_mem>>)
      %dma_wait3A_70 = arith.constant 3 : i32
      %dma_wait3A_71 = arith.constant 0 : i32
      %dma_wait3A_72 = tpu.memref_slice %arg7[%dma_wait3A_70, %dma_wait3A_71] : memref<8x128xi32, #tpu.memory_space<vmem>> -> memref<1x128xi32, #tpu.memory_space<vmem>>
      %dma_wait3A_73 = tpu.memref_squeeze %dma_wait3A_72 : memref<1x128xi32, #tpu.memory_space<vmem>> -> memref<128xi32, #tpu.memory_space<vmem>>
      %dma_wait3A_74 = arith.constant 0 : i32
      %dma_wait3A_75 = arith.constant 0 : i32
      %dma_wait3A_76 = tpu.memref_slice %arg4[%dma_wait3A_74, %dma_wait3A_75] : memref<10240x128xf32, #tpu.memory_space<hbm>> -> memref<10240x128xf32, #tpu.memory_space<hbm>>
      tpu.wait_indirect_dma semaphore(%arg11 : memref<!tpu.dma_semaphore, #tpu.memory_space<semaphore_mem>>) src(%dma_wait3A_76 : memref<10240x128xf32, #tpu.memory_space<hbm>>) dst(%arg9 : memref<128x128xf32, #tpu.memory_space<vmem>>)
      %run_scoped3A_77 = arith.constant 3 : i32
      "tpu.region"() ({
        %run_scoped3A_138 = tpu.sem_alloc : memref<!tpu.dma_semaphore, #tpu.memory_space<semaphore_mem>>
        %dma_start3A_139 = arith.constant 0 : i32
        %dma_start3A_140 = tpu.memref_slice %arg8[%run_scoped3A_77, %dma_start3A_139] : memref<8x128xi32, #tpu.memory_space<vmem>> -> memref<1x128xi32, #tpu.memory_space<vmem>>
        %dma_start3A_141 = tpu.memref_squeeze %dma_start3A_140 : memref<1x128xi32, #tpu.memory_space<vmem>> -> memref<128xi32, #tpu.memory_space<vmem>>
        %dma_start3A_142 = arith.constant 0 : i32
        %dma_start3A_143 = arith.constant 0 : i32
        %dma_start3A_144 = tpu.memref_slice %arg10[%dma_start3A_142, %dma_start3A_143] : memref<10240x128xf32, #tpu.memory_space<vmem_shared>> -> memref<10240x128xf32, #tpu.memory_space<vmem_shared>>
        tpu.enqueue_indirect_dma source(%arg9 : memref<128x128xf32, #tpu.memory_space<vmem>>) target(%dma_start3A_144 : memref<10240x128xf32, #tpu.memory_space<vmem_shared>>) offsets(%dma_start3A_141 : memref<128xi32, #tpu.memory_space<vmem>>) semaphore(%run_scoped3A_138 : memref<!tpu.dma_semaphore, #tpu.memory_space<semaphore_mem>>) {add = true}
        %dma_wait3A_145 = arith.constant 0 : i32
        %dma_wait3A_146 = tpu.memref_slice %arg8[%run_scoped3A_77, %dma_wait3A_145] : memref<8x128xi32, #tpu.memory_space<vmem>> -> memref<1x128xi32, #tpu.memory_space<vmem>>
        %dma_wait3A_147 = tpu.memref_squeeze %dma_wait3A_146 : memref<1x128xi32, #tpu.memory_space<vmem>> -> memref<128xi32, #tpu.memory_space<vmem>>
        %dma_wait3A_148 = arith.constant 0 : i32
        %dma_wait3A_149 = arith.constant 0 : i32
        %dma_wait3A_150 = tpu.memref_slice %arg10[%dma_wait3A_148, %dma_wait3A_149] : memref<10240x128xf32, #tpu.memory_space<vmem_shared>> -> memref<10240x128xf32, #tpu.memory_space<vmem_shared>>
        tpu.wait_indirect_dma semaphore(%run_scoped3A_138 : memref<!tpu.dma_semaphore, #tpu.memory_space<semaphore_mem>>) src(%arg9 : memref<128x128xf32, #tpu.memory_space<vmem>>) dst(%dma_wait3A_150 : memref<10240x128xf32, #tpu.memory_space<vmem_shared>>)
        tpu.yield
      }) : () -> ()
      %dma_start3A_78 = arith.constant 4 : i32
      %dma_start3A_79 = arith.constant 0 : i32
      %dma_start3A_80 = tpu.memref_slice %arg7[%dma_start3A_78, %dma_start3A_79] : memref<8x128xi32, #tpu.memory_space<vmem>> -> memref<1x128xi32, #tpu.memory_space<vmem>>
      %dma_start3A_81 = tpu.memref_squeeze %dma_start3A_80 : memref<1x128xi32, #tpu.memory_space<vmem>> -> memref<128xi32, #tpu.memory_space<vmem>>
      %dma_start3A_82 = arith.constant 0 : i32
      %dma_start3A_83 = arith.constant 0 : i32
      %dma_start3A_84 = tpu.memref_slice %arg4[%dma_start3A_82, %dma_start3A_83] : memref<10240x128xf32, #tpu.memory_space<hbm>> -> memref<10240x128xf32, #tpu.memory_space<hbm>>
      tpu.enqueue_indirect_dma source(%dma_start3A_84 : memref<10240x128xf32, #tpu.memory_space<hbm>>) target(%arg9 : memref<128x128xf32, #tpu.memory_space<vmem>>) offsets(%dma_start3A_81 : memref<128xi32, #tpu.memory_space<vmem>>) semaphore(%arg11 : memref<!tpu.dma_semaphore, #tpu.memory_space<semaphore_mem>>)
      %dma_wait3A_85 = arith.constant 4 : i32
      %dma_wait3A_86 = arith.constant 0 : i32
      %dma_wait3A_87 = tpu.memref_slice %arg7[%dma_wait3A_85, %dma_wait3A_86] : memref<8x128xi32, #tpu.memory_space<vmem>> -> memref<1x128xi32, #tpu.memory_space<vmem>>
      %dma_wait3A_88 = tpu.memref_squeeze %dma_wait3A_87 : memref<1x128xi32, #tpu.memory_space<vmem>> -> memref<128xi32, #tpu.memory_space<vmem>>
      %dma_wait3A_89 = arith.constant 0 : i32
      %dma_wait3A_90 = arith.constant 0 : i32
      %dma_wait3A_91 = tpu.memref_slice %arg4[%dma_wait3A_89, %dma_wait3A_90] : memref<10240x128xf32, #tpu.memory_space<hbm>> -> memref<10240x128xf32, #tpu.memory_space<hbm>>
      tpu.wait_indirect_dma semaphore(%arg11 : memref<!tpu.dma_semaphore, #tpu.memory_space<semaphore_mem>>) src(%dma_wait3A_91 : memref<10240x128xf32, #tpu.memory_space<hbm>>) dst(%arg9 : memref<128x128xf32, #tpu.memory_space<vmem>>)
      %run_scoped3A_92 = arith.constant 4 : i32
      "tpu.region"() ({
        %run_scoped3A_138 = tpu.sem_alloc : memref<!tpu.dma_semaphore, #tpu.memory_space<semaphore_mem>>
        %dma_start3A_139 = arith.constant 0 : i32
        %dma_start3A_140 = tpu.memref_slice %arg8[%run_scoped3A_92, %dma_start3A_139] : memref<8x128xi32, #tpu.memory_space<vmem>> -> memref<1x128xi32, #tpu.memory_space<vmem>>
        %dma_start3A_141 = tpu.memref_squeeze %dma_start3A_140 : memref<1x128xi32, #tpu.memory_space<vmem>> -> memref<128xi32, #tpu.memory_space<vmem>>
        %dma_start3A_142 = arith.constant 0 : i32
        %dma_start3A_143 = arith.constant 0 : i32
        %dma_start3A_144 = tpu.memref_slice %arg10[%dma_start3A_142, %dma_start3A_143] : memref<10240x128xf32, #tpu.memory_space<vmem_shared>> -> memref<10240x128xf32, #tpu.memory_space<vmem_shared>>
        tpu.enqueue_indirect_dma source(%arg9 : memref<128x128xf32, #tpu.memory_space<vmem>>) target(%dma_start3A_144 : memref<10240x128xf32, #tpu.memory_space<vmem_shared>>) offsets(%dma_start3A_141 : memref<128xi32, #tpu.memory_space<vmem>>) semaphore(%run_scoped3A_138 : memref<!tpu.dma_semaphore, #tpu.memory_space<semaphore_mem>>) {add = true}
        %dma_wait3A_145 = arith.constant 0 : i32
        %dma_wait3A_146 = tpu.memref_slice %arg8[%run_scoped3A_92, %dma_wait3A_145] : memref<8x128xi32, #tpu.memory_space<vmem>> -> memref<1x128xi32, #tpu.memory_space<vmem>>
        %dma_wait3A_147 = tpu.memref_squeeze %dma_wait3A_146 : memref<1x128xi32, #tpu.memory_space<vmem>> -> memref<128xi32, #tpu.memory_space<vmem>>
        %dma_wait3A_148 = arith.constant 0 : i32
        %dma_wait3A_149 = arith.constant 0 : i32
        %dma_wait3A_150 = tpu.memref_slice %arg10[%dma_wait3A_148, %dma_wait3A_149] : memref<10240x128xf32, #tpu.memory_space<vmem_shared>> -> memref<10240x128xf32, #tpu.memory_space<vmem_shared>>
        tpu.wait_indirect_dma semaphore(%run_scoped3A_138 : memref<!tpu.dma_semaphore, #tpu.memory_space<semaphore_mem>>) src(%arg9 : memref<128x128xf32, #tpu.memory_space<vmem>>) dst(%dma_wait3A_150 : memref<10240x128xf32, #tpu.memory_space<vmem_shared>>)
        tpu.yield
      }) : () -> ()
      %dma_start3A_93 = arith.constant 5 : i32
      %dma_start3A_94 = arith.constant 0 : i32
      %dma_start3A_95 = tpu.memref_slice %arg7[%dma_start3A_93, %dma_start3A_94] : memref<8x128xi32, #tpu.memory_space<vmem>> -> memref<1x128xi32, #tpu.memory_space<vmem>>
      %dma_start3A_96 = tpu.memref_squeeze %dma_start3A_95 : memref<1x128xi32, #tpu.memory_space<vmem>> -> memref<128xi32, #tpu.memory_space<vmem>>
      %dma_start3A_97 = arith.constant 0 : i32
      %dma_start3A_98 = arith.constant 0 : i32
      %dma_start3A_99 = tpu.memref_slice %arg4[%dma_start3A_97, %dma_start3A_98] : memref<10240x128xf32, #tpu.memory_space<hbm>> -> memref<10240x128xf32, #tpu.memory_space<hbm>>
      tpu.enqueue_indirect_dma source(%dma_start3A_99 : memref<10240x128xf32, #tpu.memory_space<hbm>>) target(%arg9 : memref<128x128xf32, #tpu.memory_space<vmem>>) offsets(%dma_start3A_96 : memref<128xi32, #tpu.memory_space<vmem>>) semaphore(%arg11 : memref<!tpu.dma_semaphore, #tpu.memory_space<semaphore_mem>>)
      %dma_wait3A_100 = arith.constant 5 : i32
      %dma_wait3A_101 = arith.constant 0 : i32
      %dma_wait3A_102 = tpu.memref_slice %arg7[%dma_wait3A_100, %dma_wait3A_101] : memref<8x128xi32, #tpu.memory_space<vmem>> -> memref<1x128xi32, #tpu.memory_space<vmem>>
      %dma_wait3A_103 = tpu.memref_squeeze %dma_wait3A_102 : memref<1x128xi32, #tpu.memory_space<vmem>> -> memref<128xi32, #tpu.memory_space<vmem>>
      %dma_wait3A_104 = arith.constant 0 : i32
      %dma_wait3A_105 = arith.constant 0 : i32
      %dma_wait3A_106 = tpu.memref_slice %arg4[%dma_wait3A_104, %dma_wait3A_105] : memref<10240x128xf32, #tpu.memory_space<hbm>> -> memref<10240x128xf32, #tpu.memory_space<hbm>>
      tpu.wait_indirect_dma semaphore(%arg11 : memref<!tpu.dma_semaphore, #tpu.memory_space<semaphore_mem>>) src(%dma_wait3A_106 : memref<10240x128xf32, #tpu.memory_space<hbm>>) dst(%arg9 : memref<128x128xf32, #tpu.memory_space<vmem>>)
      %run_scoped3A_107 = arith.constant 5 : i32
      "tpu.region"() ({
        %run_scoped3A_138 = tpu.sem_alloc : memref<!tpu.dma_semaphore, #tpu.memory_space<semaphore_mem>>
        %dma_start3A_139 = arith.constant 0 : i32
        %dma_start3A_140 = tpu.memref_slice %arg8[%run_scoped3A_107, %dma_start3A_139] : memref<8x128xi32, #tpu.memory_space<vmem>> -> memref<1x128xi32, #tpu.memory_space<vmem>>
        %dma_start3A_141 = tpu.memref_squeeze %dma_start3A_140 : memref<1x128xi32, #tpu.memory_space<vmem>> -> memref<128xi32, #tpu.memory_space<vmem>>
        %dma_start3A_142 = arith.constant 0 : i32
        %dma_start3A_143 = arith.constant 0 : i32
        %dma_start3A_144 = tpu.memref_slice %arg10[%dma_start3A_142, %dma_start3A_143] : memref<10240x128xf32, #tpu.memory_space<vmem_shared>> -> memref<10240x128xf32, #tpu.memory_space<vmem_shared>>
        tpu.enqueue_indirect_dma source(%arg9 : memref<128x128xf32, #tpu.memory_space<vmem>>) target(%dma_start3A_144 : memref<10240x128xf32, #tpu.memory_space<vmem_shared>>) offsets(%dma_start3A_141 : memref<128xi32, #tpu.memory_space<vmem>>) semaphore(%run_scoped3A_138 : memref<!tpu.dma_semaphore, #tpu.memory_space<semaphore_mem>>) {add = true}
        %dma_wait3A_145 = arith.constant 0 : i32
        %dma_wait3A_146 = tpu.memref_slice %arg8[%run_scoped3A_107, %dma_wait3A_145] : memref<8x128xi32, #tpu.memory_space<vmem>> -> memref<1x128xi32, #tpu.memory_space<vmem>>
        %dma_wait3A_147 = tpu.memref_squeeze %dma_wait3A_146 : memref<1x128xi32, #tpu.memory_space<vmem>> -> memref<128xi32, #tpu.memory_space<vmem>>
        %dma_wait3A_148 = arith.constant 0 : i32
        %dma_wait3A_149 = arith.constant 0 : i32
        %dma_wait3A_150 = tpu.memref_slice %arg10[%dma_wait3A_148, %dma_wait3A_149] : memref<10240x128xf32, #tpu.memory_space<vmem_shared>> -> memref<10240x128xf32, #tpu.memory_space<vmem_shared>>
        tpu.wait_indirect_dma semaphore(%run_scoped3A_138 : memref<!tpu.dma_semaphore, #tpu.memory_space<semaphore_mem>>) src(%arg9 : memref<128x128xf32, #tpu.memory_space<vmem>>) dst(%dma_wait3A_150 : memref<10240x128xf32, #tpu.memory_space<vmem_shared>>)
        tpu.yield
      }) : () -> ()
      %dma_start3A_108 = arith.constant 6 : i32
      %dma_start3A_109 = arith.constant 0 : i32
      %dma_start3A_110 = tpu.memref_slice %arg7[%dma_start3A_108, %dma_start3A_109] : memref<8x128xi32, #tpu.memory_space<vmem>> -> memref<1x128xi32, #tpu.memory_space<vmem>>
      %dma_start3A_111 = tpu.memref_squeeze %dma_start3A_110 : memref<1x128xi32, #tpu.memory_space<vmem>> -> memref<128xi32, #tpu.memory_space<vmem>>
      %dma_start3A_112 = arith.constant 0 : i32
      %dma_start3A_113 = arith.constant 0 : i32
      %dma_start3A_114 = tpu.memref_slice %arg4[%dma_start3A_112, %dma_start3A_113] : memref<10240x128xf32, #tpu.memory_space<hbm>> -> memref<10240x128xf32, #tpu.memory_space<hbm>>
      tpu.enqueue_indirect_dma source(%dma_start3A_114 : memref<10240x128xf32, #tpu.memory_space<hbm>>) target(%arg9 : memref<128x128xf32, #tpu.memory_space<vmem>>) offsets(%dma_start3A_111 : memref<128xi32, #tpu.memory_space<vmem>>) semaphore(%arg11 : memref<!tpu.dma_semaphore, #tpu.memory_space<semaphore_mem>>)
      %dma_wait3A_115 = arith.constant 6 : i32
      %dma_wait3A_116 = arith.constant 0 : i32
      %dma_wait3A_117 = tpu.memref_slice %arg7[%dma_wait3A_115, %dma_wait3A_116] : memref<8x128xi32, #tpu.memory_space<vmem>> -> memref<1x128xi32, #tpu.memory_space<vmem>>
      %dma_wait3A_118 = tpu.memref_squeeze %dma_wait3A_117 : memref<1x128xi32, #tpu.memory_space<vmem>> -> memref<128xi32, #tpu.memory_space<vmem>>
      %dma_wait3A_119 = arith.constant 0 : i32
      %dma_wait3A_120 = arith.constant 0 : i32
      %dma_wait3A_121 = tpu.memref_slice %arg4[%dma_wait3A_119, %dma_wait3A_120] : memref<10240x128xf32, #tpu.memory_space<hbm>> -> memref<10240x128xf32, #tpu.memory_space<hbm>>
      tpu.wait_indirect_dma semaphore(%arg11 : memref<!tpu.dma_semaphore, #tpu.memory_space<semaphore_mem>>) src(%dma_wait3A_121 : memref<10240x128xf32, #tpu.memory_space<hbm>>) dst(%arg9 : memref<128x128xf32, #tpu.memory_space<vmem>>)
      %run_scoped3A_122 = arith.constant 6 : i32
      "tpu.region"() ({
        %run_scoped3A_138 = tpu.sem_alloc : memref<!tpu.dma_semaphore, #tpu.memory_space<semaphore_mem>>
        %dma_start3A_139 = arith.constant 0 : i32
        %dma_start3A_140 = tpu.memref_slice %arg8[%run_scoped3A_122, %dma_start3A_139] : memref<8x128xi32, #tpu.memory_space<vmem>> -> memref<1x128xi32, #tpu.memory_space<vmem>>
        %dma_start3A_141 = tpu.memref_squeeze %dma_start3A_140 : memref<1x128xi32, #tpu.memory_space<vmem>> -> memref<128xi32, #tpu.memory_space<vmem>>
        %dma_start3A_142 = arith.constant 0 : i32
        %dma_start3A_143 = arith.constant 0 : i32
        %dma_start3A_144 = tpu.memref_slice %arg10[%dma_start3A_142, %dma_start3A_143] : memref<10240x128xf32, #tpu.memory_space<vmem_shared>> -> memref<10240x128xf32, #tpu.memory_space<vmem_shared>>
        tpu.enqueue_indirect_dma source(%arg9 : memref<128x128xf32, #tpu.memory_space<vmem>>) target(%dma_start3A_144 : memref<10240x128xf32, #tpu.memory_space<vmem_shared>>) offsets(%dma_start3A_141 : memref<128xi32, #tpu.memory_space<vmem>>) semaphore(%run_scoped3A_138 : memref<!tpu.dma_semaphore, #tpu.memory_space<semaphore_mem>>) {add = true}
        %dma_wait3A_145 = arith.constant 0 : i32
        %dma_wait3A_146 = tpu.memref_slice %arg8[%run_scoped3A_122, %dma_wait3A_145] : memref<8x128xi32, #tpu.memory_space<vmem>> -> memref<1x128xi32, #tpu.memory_space<vmem>>
        %dma_wait3A_147 = tpu.memref_squeeze %dma_wait3A_146 : memref<1x128xi32, #tpu.memory_space<vmem>> -> memref<128xi32, #tpu.memory_space<vmem>>
        %dma_wait3A_148 = arith.constant 0 : i32
        %dma_wait3A_149 = arith.constant 0 : i32
        %dma_wait3A_150 = tpu.memref_slice %arg10[%dma_wait3A_148, %dma_wait3A_149] : memref<10240x128xf32, #tpu.memory_space<vmem_shared>> -> memref<10240x128xf32, #tpu.memory_space<vmem_shared>>
        tpu.wait_indirect_dma semaphore(%run_scoped3A_138 : memref<!tpu.dma_semaphore, #tpu.memory_space<semaphore_mem>>) src(%arg9 : memref<128x128xf32, #tpu.memory_space<vmem>>) dst(%dma_wait3A_150 : memref<10240x128xf32, #tpu.memory_space<vmem_shared>>)
        tpu.yield
      }) : () -> ()
      %dma_start3A_123 = arith.constant 7 : i32
      %dma_start3A_124 = arith.constant 0 : i32
      %dma_start3A_125 = tpu.memref_slice %arg7[%dma_start3A_123, %dma_start3A_124] : memref<8x128xi32, #tpu.memory_space<vmem>> -> memref<1x128xi32, #tpu.memory_space<vmem>>
      %dma_start3A_126 = tpu.memref_squeeze %dma_start3A_125 : memref<1x128xi32, #tpu.memory_space<vmem>> -> memref<128xi32, #tpu.memory_space<vmem>>
      %dma_start3A_127 = arith.constant 0 : i32
      %dma_start3A_128 = arith.constant 0 : i32
      %dma_start3A_129 = tpu.memref_slice %arg4[%dma_start3A_127, %dma_start3A_128] : memref<10240x128xf32, #tpu.memory_space<hbm>> -> memref<10240x128xf32, #tpu.memory_space<hbm>>
      tpu.enqueue_indirect_dma source(%dma_start3A_129 : memref<10240x128xf32, #tpu.memory_space<hbm>>) target(%arg9 : memref<128x128xf32, #tpu.memory_space<vmem>>) offsets(%dma_start3A_126 : memref<128xi32, #tpu.memory_space<vmem>>) semaphore(%arg11 : memref<!tpu.dma_semaphore, #tpu.memory_space<semaphore_mem>>)
      %dma_wait3A_130 = arith.constant 7 : i32
      %dma_wait3A_131 = arith.constant 0 : i32
      %dma_wait3A_132 = tpu.memref_slice %arg7[%dma_wait3A_130, %dma_wait3A_131] : memref<8x128xi32, #tpu.memory_space<vmem>> -> memref<1x128xi32, #tpu.memory_space<vmem>>
      %dma_wait3A_133 = tpu.memref_squeeze %dma_wait3A_132 : memref<1x128xi32, #tpu.memory_space<vmem>> -> memref<128xi32, #tpu.memory_space<vmem>>
      %dma_wait3A_134 = arith.constant 0 : i32
      %dma_wait3A_135 = arith.constant 0 : i32
      %dma_wait3A_136 = tpu.memref_slice %arg4[%dma_wait3A_134, %dma_wait3A_135] : memref<10240x128xf32, #tpu.memory_space<hbm>> -> memref<10240x128xf32, #tpu.memory_space<hbm>>
      tpu.wait_indirect_dma semaphore(%arg11 : memref<!tpu.dma_semaphore, #tpu.memory_space<semaphore_mem>>) src(%dma_wait3A_136 : memref<10240x128xf32, #tpu.memory_space<hbm>>) dst(%arg9 : memref<128x128xf32, #tpu.memory_space<vmem>>)
      %run_scoped3A_137 = arith.constant 7 : i32
      "tpu.region"() ({
        %run_scoped3A_138 = tpu.sem_alloc : memref<!tpu.dma_semaphore, #tpu.memory_space<semaphore_mem>>
        %dma_start3A_139 = arith.constant 0 : i32
        %dma_start3A_140 = tpu.memref_slice %arg8[%run_scoped3A_137, %dma_start3A_139] : memref<8x128xi32, #tpu.memory_space<vmem>> -> memref<1x128xi32, #tpu.memory_space<vmem>>
        %dma_start3A_141 = tpu.memref_squeeze %dma_start3A_140 : memref<1x128xi32, #tpu.memory_space<vmem>> -> memref<128xi32, #tpu.memory_space<vmem>>
        %dma_start3A_142 = arith.constant 0 : i32
        %dma_start3A_143 = arith.constant 0 : i32
        %dma_start3A_144 = tpu.memref_slice %arg10[%dma_start3A_142, %dma_start3A_143] : memref<10240x128xf32, #tpu.memory_space<vmem_shared>> -> memref<10240x128xf32, #tpu.memory_space<vmem_shared>>
        tpu.enqueue_indirect_dma source(%arg9 : memref<128x128xf32, #tpu.memory_space<vmem>>) target(%dma_start3A_144 : memref<10240x128xf32, #tpu.memory_space<vmem_shared>>) offsets(%dma_start3A_141 : memref<128xi32, #tpu.memory_space<vmem>>) semaphore(%run_scoped3A_138 : memref<!tpu.dma_semaphore, #tpu.memory_space<semaphore_mem>>) {add = true}
        %dma_wait3A_145 = arith.constant 0 : i32
        %dma_wait3A_146 = tpu.memref_slice %arg8[%run_scoped3A_137, %dma_wait3A_145] : memref<8x128xi32, #tpu.memory_space<vmem>> -> memref<1x128xi32, #tpu.memory_space<vmem>>
        %dma_wait3A_147 = tpu.memref_squeeze %dma_wait3A_146 : memref<1x128xi32, #tpu.memory_space<vmem>> -> memref<128xi32, #tpu.memory_space<vmem>>
        %dma_wait3A_148 = arith.constant 0 : i32
        %dma_wait3A_149 = arith.constant 0 : i32
        %dma_wait3A_150 = tpu.memref_slice %arg10[%dma_wait3A_148, %dma_wait3A_149] : memref<10240x128xf32, #tpu.memory_space<vmem_shared>> -> memref<10240x128xf32, #tpu.memory_space<vmem_shared>>
        tpu.wait_indirect_dma semaphore(%run_scoped3A_138 : memref<!tpu.dma_semaphore, #tpu.memory_space<semaphore_mem>>) src(%arg9 : memref<128x128xf32, #tpu.memory_space<vmem>>) dst(%dma_wait3A_150 : memref<10240x128xf32, #tpu.memory_space<vmem_shared>>)
        tpu.yield
      }) : () -> ()
    }
    %while3A_14 = arith.constant 1 : i32
    scf.for %while3A_16 = %while3A_12 to %while3A_8 step %while3A_14  : i32 {
      %mul3A_17 = arith.constant 8 : i32
      %mul3A_18 = arith.muli %while3A_16, %mul3A_17 : i32
      "tpu.region"() ({
        %run_scoped3A_138 = tpu.sem_alloc : memref<!tpu.dma_semaphore, #tpu.memory_space<semaphore_mem>>
        %dma_start3A_139 = arith.constant 0 : i32
        %dma_start3A_140 = tpu.memref_slice %arg2[%add3A, %mul3A_18, %dma_start3A_139] : memref<32x112x128xi32, #tpu.memory_space<hbm>> -> memref<1x8x128xi32, #tpu.memory_space<hbm>>
        %dma_start3A_141 = tpu.memref_squeeze %dma_start3A_140 : memref<1x8x128xi32, #tpu.memory_space<hbm>> -> memref<8x128xi32, #tpu.memory_space<hbm>>
        %dma_start3A_142 = arith.constant 0 : i32
        %dma_start3A_143 = tpu.memref_slice %arg2[%add3A, %mul3A_18, %dma_start3A_142] : memref<32x112x128xi32, #tpu.memory_space<hbm>> -> memref<1x8x128xi32, #tpu.memory_space<hbm>>
        %dma_start3A_144 = tpu.memref_squeeze %dma_start3A_143 : memref<1x8x128xi32, #tpu.memory_space<hbm>> -> memref<8x128xi32, #tpu.memory_space<hbm>>
        tpu.enqueue_dma source(%dma_start3A_144 : memref<8x128xi32, #tpu.memory_space<hbm>>) target(%arg7 : memref<8x128xi32, #tpu.memory_space<vmem>>) target_semaphore(%run_scoped3A_138 : memref<!tpu.dma_semaphore, #tpu.memory_space<semaphore_mem>>)
        %dma_wait3A_145 = arith.constant 0 : i32
        %dma_wait3A_146 = tpu.memref_slice %arg2[%add3A, %mul3A_18, %dma_wait3A_145] : memref<32x112x128xi32, #tpu.memory_space<hbm>> -> memref<1x8x128xi32, #tpu.memory_space<hbm>>
        %dma_wait3A_147 = tpu.memref_squeeze %dma_wait3A_146 : memref<1x8x128xi32, #tpu.memory_space<hbm>> -> memref<8x128xi32, #tpu.memory_space<hbm>>
        %dma_wait3A_148 = arith.constant 0 : i32
        %dma_wait3A_149 = tpu.memref_slice %arg2[%add3A, %mul3A_18, %dma_wait3A_148] : memref<32x112x128xi32, #tpu.memory_space<hbm>> -> memref<1x8x128xi32, #tpu.memory_space<hbm>>
        %dma_wait3A_150 = tpu.memref_squeeze %dma_wait3A_149 : memref<1x8x128xi32, #tpu.memory_space<hbm>> -> memref<8x128xi32, #tpu.memory_space<hbm>>
        tpu.wait_dma2 semaphore(%run_scoped3A_138 : memref<!tpu.dma_semaphore, #tpu.memory_space<semaphore_mem>>) src(%dma_wait3A_150 : memref<8x128xi32, #tpu.memory_space<hbm>>) dst(%arg7 : memref<8x128xi32, #tpu.memory_space<vmem>>)
        tpu.yield
      }) : () -> ()
      %mul3A_19 = arith.constant 8 : i32
      %mul3A_20 = arith.muli %while3A_16, %mul3A_19 : i32
      "tpu.region"() ({
        %run_scoped3A_138 = tpu.sem_alloc : memref<!tpu.dma_semaphore, #tpu.memory_space<semaphore_mem>>
        %dma_start3A_139 = arith.constant 0 : i32
        %dma_start3A_140 = tpu.memref_slice %arg3[%add3A, %mul3A_20, %dma_start3A_139] : memref<32x112x128xi32, #tpu.memory_space<hbm>> -> memref<1x8x128xi32, #tpu.memory_space<hbm>>
        %dma_start3A_141 = tpu.memref_squeeze %dma_start3A_140 : memref<1x8x128xi32, #tpu.memory_space<hbm>> -> memref<8x128xi32, #tpu.memory_space<hbm>>
        %dma_start3A_142 = arith.constant 0 : i32
        %dma_start3A_143 = tpu.memref_slice %arg3[%add3A, %mul3A_20, %dma_start3A_142] : memref<32x112x128xi32, #tpu.memory_space<hbm>> -> memref<1x8x128xi32, #tpu.memory_space<hbm>>
        %dma_start3A_144 = tpu.memref_squeeze %dma_start3A_143 : memref<1x8x128xi32, #tpu.memory_space<hbm>> -> memref<8x128xi32, #tpu.memory_space<hbm>>
        tpu.enqueue_dma source(%dma_start3A_144 : memref<8x128xi32, #tpu.memory_space<hbm>>) target(%arg8 : memref<8x128xi32, #tpu.memory_space<vmem>>) target_semaphore(%run_scoped3A_138 : memref<!tpu.dma_semaphore, #tpu.memory_space<semaphore_mem>>)
        %dma_wait3A_145 = arith.constant 0 : i32
        %dma_wait3A_146 = tpu.memref_slice %arg3[%add3A, %mul3A_20, %dma_wait3A_145] : memref<32x112x128xi32, #tpu.memory_space<hbm>> -> memref<1x8x128xi32, #tpu.memory_space<hbm>>
        %dma_wait3A_147 = tpu.memref_squeeze %dma_wait3A_146 : memref<1x8x128xi32, #tpu.memory_space<hbm>> -> memref<8x128xi32, #tpu.memory_space<hbm>>
        %dma_wait3A_148 = arith.constant 0 : i32
        %dma_wait3A_149 = tpu.memref_slice %arg3[%add3A, %mul3A_20, %dma_wait3A_148] : memref<32x112x128xi32, #tpu.memory_space<hbm>> -> memref<1x8x128xi32, #tpu.memory_space<hbm>>
        %dma_wait3A_150 = tpu.memref_squeeze %dma_wait3A_149 : memref<1x8x128xi32, #tpu.memory_space<hbm>> -> memref<8x128xi32, #tpu.memory_space<hbm>>
        tpu.wait_dma2 semaphore(%run_scoped3A_138 : memref<!tpu.dma_semaphore, #tpu.memory_space<semaphore_mem>>) src(%dma_wait3A_150 : memref<8x128xi32, #tpu.memory_space<hbm>>) dst(%arg8 : memref<8x128xi32, #tpu.memory_space<vmem>>)
        tpu.yield
      }) : () -> ()
      %dma_start3A = arith.constant 0 : i32
      %dma_start3A_21 = arith.constant 0 : i32
      %dma_start3A_22 = tpu.memref_slice %arg7[%dma_start3A, %dma_start3A_21] : memref<8x128xi32, #tpu.memory_space<vmem>> -> memref<1x128xi32, #tpu.memory_space<vmem>>
      %dma_start3A_23 = tpu.memref_squeeze %dma_start3A_22 : memref<1x128xi32, #tpu.memory_space<vmem>> -> memref<128xi32, #tpu.memory_space<vmem>>
      %dma_start3A_24 = arith.constant 0 : i32
      %dma_start3A_25 = arith.constant 0 : i32
      %dma_start3A_26 = tpu.memref_slice %arg4[%dma_start3A_24, %dma_start3A_25] : memref<10240x128xf32, #tpu.memory_space<hbm>> -> memref<10240x128xf32, #tpu.memory_space<hbm>>
      tpu.enqueue_indirect_dma source(%dma_start3A_26 : memref<10240x128xf32, #tpu.memory_space<hbm>>) target(%arg9 : memref<128x128xf32, #tpu.memory_space<vmem>>) offsets(%dma_start3A_23 : memref<128xi32, #tpu.memory_space<vmem>>) semaphore(%arg11 : memref<!tpu.dma_semaphore, #tpu.memory_space<semaphore_mem>>)
      %dma_wait3A = arith.constant 0 : i32
      %dma_wait3A_27 = arith.constant 0 : i32
      %dma_wait3A_28 = tpu.memref_slice %arg7[%dma_wait3A, %dma_wait3A_27] : memref<8x128xi32, #tpu.memory_space<vmem>> -> memref<1x128xi32, #tpu.memory_space<vmem>>
      %dma_wait3A_29 = tpu.memref_squeeze %dma_wait3A_28 : memref<1x128xi32, #tpu.memory_space<vmem>> -> memref<128xi32, #tpu.memory_space<vmem>>
      %dma_wait3A_30 = arith.constant 0 : i32
      %dma_wait3A_31 = arith.constant 0 : i32
      %dma_wait3A_32 = tpu.memref_slice %arg4[%dma_wait3A_30, %dma_wait3A_31] : memref<10240x128xf32, #tpu.memory_space<hbm>> -> memref<10240x128xf32, #tpu.memory_space<hbm>>
      tpu.wait_indirect_dma semaphore(%arg11 : memref<!tpu.dma_semaphore, #tpu.memory_space<semaphore_mem>>) src(%dma_wait3A_32 : memref<10240x128xf32, #tpu.memory_space<hbm>>) dst(%arg9 : memref<128x128xf32, #tpu.memory_space<vmem>>)
      %run_scoped3A = arith.constant 0 : i32
      "tpu.region"() ({
        %run_scoped3A_138 = tpu.sem_alloc : memref<!tpu.dma_semaphore, #tpu.memory_space<semaphore_mem>>
        %dma_start3A_139 = arith.constant 0 : i32
        %dma_start3A_140 = tpu.memref_slice %arg8[%run_scoped3A, %dma_start3A_139] : memref<8x128xi32, #tpu.memory_space<vmem>> -> memref<1x128xi32, #tpu.memory_space<vmem>>
        %dma_start3A_141 = tpu.memref_squeeze %dma_start3A_140 : memref<1x128xi32, #tpu.memory_space<vmem>> -> memref<128xi32, #tpu.memory_space<vmem>>
        %dma_start3A_142 = arith.constant 0 : i32
        %dma_start3A_143 = arith.constant 0 : i32
        %dma_start3A_144 = tpu.memref_slice %arg10[%dma_start3A_142, %dma_start3A_143] : memref<10240x128xf32, #tpu.memory_space<vmem_shared>> -> memref<10240x128xf32, #tpu.memory_space<vmem_shared>>
        tpu.enqueue_indirect_dma source(%arg9 : memref<128x128xf32, #tpu.memory_space<vmem>>) target(%dma_start3A_144 : memref<10240x128xf32, #tpu.memory_space<vmem_shared>>) offsets(%dma_start3A_141 : memref<128xi32, #tpu.memory_space<vmem>>) semaphore(%run_scoped3A_138 : memref<!tpu.dma_semaphore, #tpu.memory_space<semaphore_mem>>) {add = true}
        %dma_wait3A_145 = arith.constant 0 : i32
        %dma_wait3A_146 = tpu.memref_slice %arg8[%run_scoped3A, %dma_wait3A_145] : memref<8x128xi32, #tpu.memory_space<vmem>> -> memref<1x128xi32, #tpu.memory_space<vmem>>
        %dma_wait3A_147 = tpu.memref_squeeze %dma_wait3A_146 : memref<1x128xi32, #tpu.memory_space<vmem>> -> memref<128xi32, #tpu.memory_space<vmem>>
        %dma_wait3A_148 = arith.constant 0 : i32
        %dma_wait3A_149 = arith.constant 0 : i32
        %dma_wait3A_150 = tpu.memref_slice %arg10[%dma_wait3A_148, %dma_wait3A_149] : memref<10240x128xf32, #tpu.memory_space<vmem_shared>> -> memref<10240x128xf32, #tpu.memory_space<vmem_shared>>
        tpu.wait_indirect_dma semaphore(%run_scoped3A_138 : memref<!tpu.dma_semaphore, #tpu.memory_space<semaphore_mem>>) src(%arg9 : memref<128x128xf32, #tpu.memory_space<vmem>>) dst(%dma_wait3A_150 : memref<10240x128xf32, #tpu.memory_space<vmem_shared>>)
        tpu.yield
      }) : () -> ()
      %dma_start3A_33 = arith.constant 1 : i32
      %dma_start3A_34 = arith.constant 0 : i32
      %dma_start3A_35 = tpu.memref_slice %arg7[%dma_start3A_33, %dma_start3A_34] : memref<8x128xi32, #tpu.memory_space<vmem>> -> memref<1x128xi32, #tpu.memory_space<vmem>>
      %dma_start3A_36 = tpu.memref_squeeze %dma_start3A_35 : memref<1x128xi32, #tpu.memory_space<vmem>> -> memref<128xi32, #tpu.memory_space<vmem>>
      %dma_start3A_37 = arith.constant 0 : i32
      %dma_start3A_38 = arith.constant 0 : i32
      %dma_start3A_39 = tpu.memref_slice %arg4[%dma_start3A_37, %dma_start3A_38] : memref<10240x128xf32, #tpu.memory_space<hbm>> -> memref<10240x128xf32, #tpu.memory_space<hbm>>
      tpu.enqueue_indirect_dma source(%dma_start3A_39 : memref<10240x128xf32, #tpu.memory_space<hbm>>) target(%arg9 : memref<128x128xf32, #tpu.memory_space<vmem>>) offsets(%dma_start3A_36 : memref<128xi32, #tpu.memory_space<vmem>>) semaphore(%arg11 : memref<!tpu.dma_semaphore, #tpu.memory_space<semaphore_mem>>)
      %dma_wait3A_40 = arith.constant 1 : i32
      %dma_wait3A_41 = arith.constant 0 : i32
      %dma_wait3A_42 = tpu.memref_slice %arg7[%dma_wait3A_40, %dma_wait3A_41] : memref<8x128xi32, #tpu.memory_space<vmem>> -> memref<1x128xi32, #tpu.memory_space<vmem>>
      %dma_wait3A_43 = tpu.memref_squeeze %dma_wait3A_42 : memref<1x128xi32, #tpu.memory_space<vmem>> -> memref<128xi32, #tpu.memory_space<vmem>>
      %dma_wait3A_44 = arith.constant 0 : i32
      %dma_wait3A_45 = arith.constant 0 : i32
      %dma_wait3A_46 = tpu.memref_slice %arg4[%dma_wait3A_44, %dma_wait3A_45] : memref<10240x128xf32, #tpu.memory_space<hbm>> -> memref<10240x128xf32, #tpu.memory_space<hbm>>
      tpu.wait_indirect_dma semaphore(%arg11 : memref<!tpu.dma_semaphore, #tpu.memory_space<semaphore_mem>>) src(%dma_wait3A_46 : memref<10240x128xf32, #tpu.memory_space<hbm>>) dst(%arg9 : memref<128x128xf32, #tpu.memory_space<vmem>>)
      %run_scoped3A_47 = arith.constant 1 : i32
      "tpu.region"() ({
        %run_scoped3A_138 = tpu.sem_alloc : memref<!tpu.dma_semaphore, #tpu.memory_space<semaphore_mem>>
        %dma_start3A_139 = arith.constant 0 : i32
        %dma_start3A_140 = tpu.memref_slice %arg8[%run_scoped3A_47, %dma_start3A_139] : memref<8x128xi32, #tpu.memory_space<vmem>> -> memref<1x128xi32, #tpu.memory_space<vmem>>
        %dma_start3A_141 = tpu.memref_squeeze %dma_start3A_140 : memref<1x128xi32, #tpu.memory_space<vmem>> -> memref<128xi32, #tpu.memory_space<vmem>>
        %dma_start3A_142 = arith.constant 0 : i32
        %dma_start3A_143 = arith.constant 0 : i32
        %dma_start3A_144 = tpu.memref_slice %arg10[%dma_start3A_142, %dma_start3A_143] : memref<10240x128xf32, #tpu.memory_space<vmem_shared>> -> memref<10240x128xf32, #tpu.memory_space<vmem_shared>>
        tpu.enqueue_indirect_dma source(%arg9 : memref<128x128xf32, #tpu.memory_space<vmem>>) target(%dma_start3A_144 : memref<10240x128xf32, #tpu.memory_space<vmem_shared>>) offsets(%dma_start3A_141 : memref<128xi32, #tpu.memory_space<vmem>>) semaphore(%run_scoped3A_138 : memref<!tpu.dma_semaphore, #tpu.memory_space<semaphore_mem>>) {add = true}
        %dma_wait3A_145 = arith.constant 0 : i32
        %dma_wait3A_146 = tpu.memref_slice %arg8[%run_scoped3A_47, %dma_wait3A_145] : memref<8x128xi32, #tpu.memory_space<vmem>> -> memref<1x128xi32, #tpu.memory_space<vmem>>
        %dma_wait3A_147 = tpu.memref_squeeze %dma_wait3A_146 : memref<1x128xi32, #tpu.memory_space<vmem>> -> memref<128xi32, #tpu.memory_space<vmem>>
        %dma_wait3A_148 = arith.constant 0 : i32
        %dma_wait3A_149 = arith.constant 0 : i32
        %dma_wait3A_150 = tpu.memref_slice %arg10[%dma_wait3A_148, %dma_wait3A_149] : memref<10240x128xf32, #tpu.memory_space<vmem_shared>> -> memref<10240x128xf32, #tpu.memory_space<vmem_shared>>
        tpu.wait_indirect_dma semaphore(%run_scoped3A_138 : memref<!tpu.dma_semaphore, #tpu.memory_space<semaphore_mem>>) src(%arg9 : memref<128x128xf32, #tpu.memory_space<vmem>>) dst(%dma_wait3A_150 : memref<10240x128xf32, #tpu.memory_space<vmem_shared>>)
        tpu.yield
      }) : () -> ()
      %dma_start3A_48 = arith.constant 2 : i32
      %dma_start3A_49 = arith.constant 0 : i32
      %dma_start3A_50 = tpu.memref_slice %arg7[%dma_start3A_48, %dma_start3A_49] : memref<8x128xi32, #tpu.memory_space<vmem>> -> memref<1x128xi32, #tpu.memory_space<vmem>>
      %dma_start3A_51 = tpu.memref_squeeze %dma_start3A_50 : memref<1x128xi32, #tpu.memory_space<vmem>> -> memref<128xi32, #tpu.memory_space<vmem>>
      %dma_start3A_52 = arith.constant 0 : i32
      %dma_start3A_53 = arith.constant 0 : i32
      %dma_start3A_54 = tpu.memref_slice %arg4[%dma_start3A_52, %dma_start3A_53] : memref<10240x128xf32, #tpu.memory_space<hbm>> -> memref<10240x128xf32, #tpu.memory_space<hbm>>
      tpu.enqueue_indirect_dma source(%dma_start3A_54 : memref<10240x128xf32, #tpu.memory_space<hbm>>) target(%arg9 : memref<128x128xf32, #tpu.memory_space<vmem>>) offsets(%dma_start3A_51 : memref<128xi32, #tpu.memory_space<vmem>>) semaphore(%arg11 : memref<!tpu.dma_semaphore, #tpu.memory_space<semaphore_mem>>)
      %dma_wait3A_55 = arith.constant 2 : i32
      %dma_wait3A_56 = arith.constant 0 : i32
      %dma_wait3A_57 = tpu.memref_slice %arg7[%dma_wait3A_55, %dma_wait3A_56] : memref<8x128xi32, #tpu.memory_space<vmem>> -> memref<1x128xi32, #tpu.memory_space<vmem>>
      %dma_wait3A_58 = tpu.memref_squeeze %dma_wait3A_57 : memref<1x128xi32, #tpu.memory_space<vmem>> -> memref<128xi32, #tpu.memory_space<vmem>>
      %dma_wait3A_59 = arith.constant 0 : i32
      %dma_wait3A_60 = arith.constant 0 : i32
      %dma_wait3A_61 = tpu.memref_slice %arg4[%dma_wait3A_59, %dma_wait3A_60] : memref<10240x128xf32, #tpu.memory_space<hbm>> -> memref<10240x128xf32, #tpu.memory_space<hbm>>
      tpu.wait_indirect_dma semaphore(%arg11 : memref<!tpu.dma_semaphore, #tpu.memory_space<semaphore_mem>>) src(%dma_wait3A_61 : memref<10240x128xf32, #tpu.memory_space<hbm>>) dst(%arg9 : memref<128x128xf32, #tpu.memory_space<vmem>>)
      %run_scoped3A_62 = arith.constant 2 : i32
      "tpu.region"() ({
        %run_scoped3A_138 = tpu.sem_alloc : memref<!tpu.dma_semaphore, #tpu.memory_space<semaphore_mem>>
        %dma_start3A_139 = arith.constant 0 : i32
        %dma_start3A_140 = tpu.memref_slice %arg8[%run_scoped3A_62, %dma_start3A_139] : memref<8x128xi32, #tpu.memory_space<vmem>> -> memref<1x128xi32, #tpu.memory_space<vmem>>
        %dma_start3A_141 = tpu.memref_squeeze %dma_start3A_140 : memref<1x128xi32, #tpu.memory_space<vmem>> -> memref<128xi32, #tpu.memory_space<vmem>>
        %dma_start3A_142 = arith.constant 0 : i32
        %dma_start3A_143 = arith.constant 0 : i32
        %dma_start3A_144 = tpu.memref_slice %arg10[%dma_start3A_142, %dma_start3A_143] : memref<10240x128xf32, #tpu.memory_space<vmem_shared>> -> memref<10240x128xf32, #tpu.memory_space<vmem_shared>>
        tpu.enqueue_indirect_dma source(%arg9 : memref<128x128xf32, #tpu.memory_space<vmem>>) target(%dma_start3A_144 : memref<10240x128xf32, #tpu.memory_space<vmem_shared>>) offsets(%dma_start3A_141 : memref<128xi32, #tpu.memory_space<vmem>>) semaphore(%run_scoped3A_138 : memref<!tpu.dma_semaphore, #tpu.memory_space<semaphore_mem>>) {add = true}
        %dma_wait3A_145 = arith.constant 0 : i32
        %dma_wait3A_146 = tpu.memref_slice %arg8[%run_scoped3A_62, %dma_wait3A_145] : memref<8x128xi32, #tpu.memory_space<vmem>> -> memref<1x128xi32, #tpu.memory_space<vmem>>
        %dma_wait3A_147 = tpu.memref_squeeze %dma_wait3A_146 : memref<1x128xi32, #tpu.memory_space<vmem>> -> memref<128xi32, #tpu.memory_space<vmem>>
        %dma_wait3A_148 = arith.constant 0 : i32
        %dma_wait3A_149 = arith.constant 0 : i32
        %dma_wait3A_150 = tpu.memref_slice %arg10[%dma_wait3A_148, %dma_wait3A_149] : memref<10240x128xf32, #tpu.memory_space<vmem_shared>> -> memref<10240x128xf32, #tpu.memory_space<vmem_shared>>
        tpu.wait_indirect_dma semaphore(%run_scoped3A_138 : memref<!tpu.dma_semaphore, #tpu.memory_space<semaphore_mem>>) src(%arg9 : memref<128x128xf32, #tpu.memory_space<vmem>>) dst(%dma_wait3A_150 : memref<10240x128xf32, #tpu.memory_space<vmem_shared>>)
        tpu.yield
      }) : () -> ()
      %dma_start3A_63 = arith.constant 3 : i32
      %dma_start3A_64 = arith.constant 0 : i32
      %dma_start3A_65 = tpu.memref_slice %arg7[%dma_start3A_63, %dma_start3A_64] : memref<8x128xi32, #tpu.memory_space<vmem>> -> memref<1x128xi32, #tpu.memory_space<vmem>>
      %dma_start3A_66 = tpu.memref_squeeze %dma_start3A_65 : memref<1x128xi32, #tpu.memory_space<vmem>> -> memref<128xi32, #tpu.memory_space<vmem>>
      %dma_start3A_67 = arith.constant 0 : i32
      %dma_start3A_68 = arith.constant 0 : i32
      %dma_start3A_69 = tpu.memref_slice %arg4[%dma_start3A_67, %dma_start3A_68] : memref<10240x128xf32, #tpu.memory_space<hbm>> -> memref<10240x128xf32, #tpu.memory_space<hbm>>
      tpu.enqueue_indirect_dma source(%dma_start3A_69 : memref<10240x128xf32, #tpu.memory_space<hbm>>) target(%arg9 : memref<128x128xf32, #tpu.memory_space<vmem>>) offsets(%dma_start3A_66 : memref<128xi32, #tpu.memory_space<vmem>>) semaphore(%arg11 : memref<!tpu.dma_semaphore, #tpu.memory_space<semaphore_mem>>)
      %dma_wait3A_70 = arith.constant 3 : i32
      %dma_wait3A_71 = arith.constant 0 : i32
      %dma_wait3A_72 = tpu.memref_slice %arg7[%dma_wait3A_70, %dma_wait3A_71] : memref<8x128xi32, #tpu.memory_space<vmem>> -> memref<1x128xi32, #tpu.memory_space<vmem>>
      %dma_wait3A_73 = tpu.memref_squeeze %dma_wait3A_72 : memref<1x128xi32, #tpu.memory_space<vmem>> -> memref<128xi32, #tpu.memory_space<vmem>>
      %dma_wait3A_74 = arith.constant 0 : i32
      %dma_wait3A_75 = arith.constant 0 : i32
      %dma_wait3A_76 = tpu.memref_slice %arg4[%dma_wait3A_74, %dma_wait3A_75] : memref<10240x128xf32, #tpu.memory_space<hbm>> -> memref<10240x128xf32, #tpu.memory_space<hbm>>
      tpu.wait_indirect_dma semaphore(%arg11 : memref<!tpu.dma_semaphore, #tpu.memory_space<semaphore_mem>>) src(%dma_wait3A_76 : memref<10240x128xf32, #tpu.memory_space<hbm>>) dst(%arg9 : memref<128x128xf32, #tpu.memory_space<vmem>>)
      %run_scoped3A_77 = arith.constant 3 : i32
      "tpu.region"() ({
        %run_scoped3A_138 = tpu.sem_alloc : memref<!tpu.dma_semaphore, #tpu.memory_space<semaphore_mem>>
        %dma_start3A_139 = arith.constant 0 : i32
        %dma_start3A_140 = tpu.memref_slice %arg8[%run_scoped3A_77, %dma_start3A_139] : memref<8x128xi32, #tpu.memory_space<vmem>> -> memref<1x128xi32, #tpu.memory_space<vmem>>
        %dma_start3A_141 = tpu.memref_squeeze %dma_start3A_140 : memref<1x128xi32, #tpu.memory_space<vmem>> -> memref<128xi32, #tpu.memory_space<vmem>>
        %dma_start3A_142 = arith.constant 0 : i32
        %dma_start3A_143 = arith.constant 0 : i32
        %dma_start3A_144 = tpu.memref_slice %arg10[%dma_start3A_142, %dma_start3A_143] : memref<10240x128xf32, #tpu.memory_space<vmem_shared>> -> memref<10240x128xf32, #tpu.memory_space<vmem_shared>>
        tpu.enqueue_indirect_dma source(%arg9 : memref<128x128xf32, #tpu.memory_space<vmem>>) target(%dma_start3A_144 : memref<10240x128xf32, #tpu.memory_space<vmem_shared>>) offsets(%dma_start3A_141 : memref<128xi32, #tpu.memory_space<vmem>>) semaphore(%run_scoped3A_138 : memref<!tpu.dma_semaphore, #tpu.memory_space<semaphore_mem>>) {add = true}
        %dma_wait3A_145 = arith.constant 0 : i32
        %dma_wait3A_146 = tpu.memref_slice %arg8[%run_scoped3A_77, %dma_wait3A_145] : memref<8x128xi32, #tpu.memory_space<vmem>> -> memref<1x128xi32, #tpu.memory_space<vmem>>
        %dma_wait3A_147 = tpu.memref_squeeze %dma_wait3A_146 : memref<1x128xi32, #tpu.memory_space<vmem>> -> memref<128xi32, #tpu.memory_space<vmem>>
        %dma_wait3A_148 = arith.constant 0 : i32
        %dma_wait3A_149 = arith.constant 0 : i32
        %dma_wait3A_150 = tpu.memref_slice %arg10[%dma_wait3A_148, %dma_wait3A_149] : memref<10240x128xf32, #tpu.memory_space<vmem_shared>> -> memref<10240x128xf32, #tpu.memory_space<vmem_shared>>
        tpu.wait_indirect_dma semaphore(%run_scoped3A_138 : memref<!tpu.dma_semaphore, #tpu.memory_space<semaphore_mem>>) src(%arg9 : memref<128x128xf32, #tpu.memory_space<vmem>>) dst(%dma_wait3A_150 : memref<10240x128xf32, #tpu.memory_space<vmem_shared>>)
        tpu.yield
      }) : () -> ()
      %dma_start3A_78 = arith.constant 4 : i32
      %dma_start3A_79 = arith.constant 0 : i32
      %dma_start3A_80 = tpu.memref_slice %arg7[%dma_start3A_78, %dma_start3A_79] : memref<8x128xi32, #tpu.memory_space<vmem>> -> memref<1x128xi32, #tpu.memory_space<vmem>>
      %dma_start3A_81 = tpu.memref_squeeze %dma_start3A_80 : memref<1x128xi32, #tpu.memory_space<vmem>> -> memref<128xi32, #tpu.memory_space<vmem>>
      %dma_start3A_82 = arith.constant 0 : i32
      %dma_start3A_83 = arith.constant 0 : i32
      %dma_start3A_84 = tpu.memref_slice %arg4[%dma_start3A_82, %dma_start3A_83] : memref<10240x128xf32, #tpu.memory_space<hbm>> -> memref<10240x128xf32, #tpu.memory_space<hbm>>
      tpu.enqueue_indirect_dma source(%dma_start3A_84 : memref<10240x128xf32, #tpu.memory_space<hbm>>) target(%arg9 : memref<128x128xf32, #tpu.memory_space<vmem>>) offsets(%dma_start3A_81 : memref<128xi32, #tpu.memory_space<vmem>>) semaphore(%arg11 : memref<!tpu.dma_semaphore, #tpu.memory_space<semaphore_mem>>)
      %dma_wait3A_85 = arith.constant 4 : i32
      %dma_wait3A_86 = arith.constant 0 : i32
      %dma_wait3A_87 = tpu.memref_slice %arg7[%dma_wait3A_85, %dma_wait3A_86] : memref<8x128xi32, #tpu.memory_space<vmem>> -> memref<1x128xi32, #tpu.memory_space<vmem>>
      %dma_wait3A_88 = tpu.memref_squeeze %dma_wait3A_87 : memref<1x128xi32, #tpu.memory_space<vmem>> -> memref<128xi32, #tpu.memory_space<vmem>>
      %dma_wait3A_89 = arith.constant 0 : i32
      %dma_wait3A_90 = arith.constant 0 : i32
      %dma_wait3A_91 = tpu.memref_slice %arg4[%dma_wait3A_89, %dma_wait3A_90] : memref<10240x128xf32, #tpu.memory_space<hbm>> -> memref<10240x128xf32, #tpu.memory_space<hbm>>
      tpu.wait_indirect_dma semaphore(%arg11 : memref<!tpu.dma_semaphore, #tpu.memory_space<semaphore_mem>>) src(%dma_wait3A_91 : memref<10240x128xf32, #tpu.memory_space<hbm>>) dst(%arg9 : memref<128x128xf32, #tpu.memory_space<vmem>>)
      %run_scoped3A_92 = arith.constant 4 : i32
      "tpu.region"() ({
        %run_scoped3A_138 = tpu.sem_alloc : memref<!tpu.dma_semaphore, #tpu.memory_space<semaphore_mem>>
        %dma_start3A_139 = arith.constant 0 : i32
        %dma_start3A_140 = tpu.memref_slice %arg8[%run_scoped3A_92, %dma_start3A_139] : memref<8x128xi32, #tpu.memory_space<vmem>> -> memref<1x128xi32, #tpu.memory_space<vmem>>
        %dma_start3A_141 = tpu.memref_squeeze %dma_start3A_140 : memref<1x128xi32, #tpu.memory_space<vmem>> -> memref<128xi32, #tpu.memory_space<vmem>>
        %dma_start3A_142 = arith.constant 0 : i32
        %dma_start3A_143 = arith.constant 0 : i32
        %dma_start3A_144 = tpu.memref_slice %arg10[%dma_start3A_142, %dma_start3A_143] : memref<10240x128xf32, #tpu.memory_space<vmem_shared>> -> memref<10240x128xf32, #tpu.memory_space<vmem_shared>>
        tpu.enqueue_indirect_dma source(%arg9 : memref<128x128xf32, #tpu.memory_space<vmem>>) target(%dma_start3A_144 : memref<10240x128xf32, #tpu.memory_space<vmem_shared>>) offsets(%dma_start3A_141 : memref<128xi32, #tpu.memory_space<vmem>>) semaphore(%run_scoped3A_138 : memref<!tpu.dma_semaphore, #tpu.memory_space<semaphore_mem>>) {add = true}
        %dma_wait3A_145 = arith.constant 0 : i32
        %dma_wait3A_146 = tpu.memref_slice %arg8[%run_scoped3A_92, %dma_wait3A_145] : memref<8x128xi32, #tpu.memory_space<vmem>> -> memref<1x128xi32, #tpu.memory_space<vmem>>
        %dma_wait3A_147 = tpu.memref_squeeze %dma_wait3A_146 : memref<1x128xi32, #tpu.memory_space<vmem>> -> memref<128xi32, #tpu.memory_space<vmem>>
        %dma_wait3A_148 = arith.constant 0 : i32
        %dma_wait3A_149 = arith.constant 0 : i32
        %dma_wait3A_150 = tpu.memref_slice %arg10[%dma_wait3A_148, %dma_wait3A_149] : memref<10240x128xf32, #tpu.memory_space<vmem_shared>> -> memref<10240x128xf32, #tpu.memory_space<vmem_shared>>
        tpu.wait_indirect_dma semaphore(%run_scoped3A_138 : memref<!tpu.dma_semaphore, #tpu.memory_space<semaphore_mem>>) src(%arg9 : memref<128x128xf32, #tpu.memory_space<vmem>>) dst(%dma_wait3A_150 : memref<10240x128xf32, #tpu.memory_space<vmem_shared>>)
        tpu.yield
      }) : () -> ()
      %dma_start3A_93 = arith.constant 5 : i32
      %dma_start3A_94 = arith.constant 0 : i32
      %dma_start3A_95 = tpu.memref_slice %arg7[%dma_start3A_93, %dma_start3A_94] : memref<8x128xi32, #tpu.memory_space<vmem>> -> memref<1x128xi32, #tpu.memory_space<vmem>>
      %dma_start3A_96 = tpu.memref_squeeze %dma_start3A_95 : memref<1x128xi32, #tpu.memory_space<vmem>> -> memref<128xi32, #tpu.memory_space<vmem>>
      %dma_start3A_97 = arith.constant 0 : i32
      %dma_start3A_98 = arith.constant 0 : i32
      %dma_start3A_99 = tpu.memref_slice %arg4[%dma_start3A_97, %dma_start3A_98] : memref<10240x128xf32, #tpu.memory_space<hbm>> -> memref<10240x128xf32, #tpu.memory_space<hbm>>
      tpu.enqueue_indirect_dma source(%dma_start3A_99 : memref<10240x128xf32, #tpu.memory_space<hbm>>) target(%arg9 : memref<128x128xf32, #tpu.memory_space<vmem>>) offsets(%dma_start3A_96 : memref<128xi32, #tpu.memory_space<vmem>>) semaphore(%arg11 : memref<!tpu.dma_semaphore, #tpu.memory_space<semaphore_mem>>)
      %dma_wait3A_100 = arith.constant 5 : i32
      %dma_wait3A_101 = arith.constant 0 : i32
      %dma_wait3A_102 = tpu.memref_slice %arg7[%dma_wait3A_100, %dma_wait3A_101] : memref<8x128xi32, #tpu.memory_space<vmem>> -> memref<1x128xi32, #tpu.memory_space<vmem>>
      %dma_wait3A_103 = tpu.memref_squeeze %dma_wait3A_102 : memref<1x128xi32, #tpu.memory_space<vmem>> -> memref<128xi32, #tpu.memory_space<vmem>>
      %dma_wait3A_104 = arith.constant 0 : i32
      %dma_wait3A_105 = arith.constant 0 : i32
      %dma_wait3A_106 = tpu.memref_slice %arg4[%dma_wait3A_104, %dma_wait3A_105] : memref<10240x128xf32, #tpu.memory_space<hbm>> -> memref<10240x128xf32, #tpu.memory_space<hbm>>
      tpu.wait_indirect_dma semaphore(%arg11 : memref<!tpu.dma_semaphore, #tpu.memory_space<semaphore_mem>>) src(%dma_wait3A_106 : memref<10240x128xf32, #tpu.memory_space<hbm>>) dst(%arg9 : memref<128x128xf32, #tpu.memory_space<vmem>>)
      %run_scoped3A_107 = arith.constant 5 : i32
      "tpu.region"() ({
        %run_scoped3A_138 = tpu.sem_alloc : memref<!tpu.dma_semaphore, #tpu.memory_space<semaphore_mem>>
        %dma_start3A_139 = arith.constant 0 : i32
        %dma_start3A_140 = tpu.memref_slice %arg8[%run_scoped3A_107, %dma_start3A_139] : memref<8x128xi32, #tpu.memory_space<vmem>> -> memref<1x128xi32, #tpu.memory_space<vmem>>
        %dma_start3A_141 = tpu.memref_squeeze %dma_start3A_140 : memref<1x128xi32, #tpu.memory_space<vmem>> -> memref<128xi32, #tpu.memory_space<vmem>>
        %dma_start3A_142 = arith.constant 0 : i32
        %dma_start3A_143 = arith.constant 0 : i32
        %dma_start3A_144 = tpu.memref_slice %arg10[%dma_start3A_142, %dma_start3A_143] : memref<10240x128xf32, #tpu.memory_space<vmem_shared>> -> memref<10240x128xf32, #tpu.memory_space<vmem_shared>>
        tpu.enqueue_indirect_dma source(%arg9 : memref<128x128xf32, #tpu.memory_space<vmem>>) target(%dma_start3A_144 : memref<10240x128xf32, #tpu.memory_space<vmem_shared>>) offsets(%dma_start3A_141 : memref<128xi32, #tpu.memory_space<vmem>>) semaphore(%run_scoped3A_138 : memref<!tpu.dma_semaphore, #tpu.memory_space<semaphore_mem>>) {add = true}
        %dma_wait3A_145 = arith.constant 0 : i32
        %dma_wait3A_146 = tpu.memref_slice %arg8[%run_scoped3A_107, %dma_wait3A_145] : memref<8x128xi32, #tpu.memory_space<vmem>> -> memref<1x128xi32, #tpu.memory_space<vmem>>
        %dma_wait3A_147 = tpu.memref_squeeze %dma_wait3A_146 : memref<1x128xi32, #tpu.memory_space<vmem>> -> memref<128xi32, #tpu.memory_space<vmem>>
        %dma_wait3A_148 = arith.constant 0 : i32
        %dma_wait3A_149 = arith.constant 0 : i32
        %dma_wait3A_150 = tpu.memref_slice %arg10[%dma_wait3A_148, %dma_wait3A_149] : memref<10240x128xf32, #tpu.memory_space<vmem_shared>> -> memref<10240x128xf32, #tpu.memory_space<vmem_shared>>
        tpu.wait_indirect_dma semaphore(%run_scoped3A_138 : memref<!tpu.dma_semaphore, #tpu.memory_space<semaphore_mem>>) src(%arg9 : memref<128x128xf32, #tpu.memory_space<vmem>>) dst(%dma_wait3A_150 : memref<10240x128xf32, #tpu.memory_space<vmem_shared>>)
        tpu.yield
      }) : () -> ()
      %dma_start3A_108 = arith.constant 6 : i32
      %dma_start3A_109 = arith.constant 0 : i32
      %dma_start3A_110 = tpu.memref_slice %arg7[%dma_start3A_108, %dma_start3A_109] : memref<8x128xi32, #tpu.memory_space<vmem>> -> memref<1x128xi32, #tpu.memory_space<vmem>>
      %dma_start3A_111 = tpu.memref_squeeze %dma_start3A_110 : memref<1x128xi32, #tpu.memory_space<vmem>> -> memref<128xi32, #tpu.memory_space<vmem>>
      %dma_start3A_112 = arith.constant 0 : i32
      %dma_start3A_113 = arith.constant 0 : i32
      %dma_start3A_114 = tpu.memref_slice %arg4[%dma_start3A_112, %dma_start3A_113] : memref<10240x128xf32, #tpu.memory_space<hbm>> -> memref<10240x128xf32, #tpu.memory_space<hbm>>
      tpu.enqueue_indirect_dma source(%dma_start3A_114 : memref<10240x128xf32, #tpu.memory_space<hbm>>) target(%arg9 : memref<128x128xf32, #tpu.memory_space<vmem>>) offsets(%dma_start3A_111 : memref<128xi32, #tpu.memory_space<vmem>>) semaphore(%arg11 : memref<!tpu.dma_semaphore, #tpu.memory_space<semaphore_mem>>)
      %dma_wait3A_115 = arith.constant 6 : i32
      %dma_wait3A_116 = arith.constant 0 : i32
      %dma_wait3A_117 = tpu.memref_slice %arg7[%dma_wait3A_115, %dma_wait3A_116] : memref<8x128xi32, #tpu.memory_space<vmem>> -> memref<1x128xi32, #tpu.memory_space<vmem>>
      %dma_wait3A_118 = tpu.memref_squeeze %dma_wait3A_117 : memref<1x128xi32, #tpu.memory_space<vmem>> -> memref<128xi32, #tpu.memory_space<vmem>>
      %dma_wait3A_119 = arith.constant 0 : i32
      %dma_wait3A_120 = arith.constant 0 : i32
      %dma_wait3A_121 = tpu.memref_slice %arg4[%dma_wait3A_119, %dma_wait3A_120] : memref<10240x128xf32, #tpu.memory_space<hbm>> -> memref<10240x128xf32, #tpu.memory_space<hbm>>
      tpu.wait_indirect_dma semaphore(%arg11 : memref<!tpu.dma_semaphore, #tpu.memory_space<semaphore_mem>>) src(%dma_wait3A_121 : memref<10240x128xf32, #tpu.memory_space<hbm>>) dst(%arg9 : memref<128x128xf32, #tpu.memory_space<vmem>>)
      %run_scoped3A_122 = arith.constant 6 : i32
      "tpu.region"() ({
        %run_scoped3A_138 = tpu.sem_alloc : memref<!tpu.dma_semaphore, #tpu.memory_space<semaphore_mem>>
        %dma_start3A_139 = arith.constant 0 : i32
        %dma_start3A_140 = tpu.memref_slice %arg8[%run_scoped3A_122, %dma_start3A_139] : memref<8x128xi32, #tpu.memory_space<vmem>> -> memref<1x128xi32, #tpu.memory_space<vmem>>
        %dma_start3A_141 = tpu.memref_squeeze %dma_start3A_140 : memref<1x128xi32, #tpu.memory_space<vmem>> -> memref<128xi32, #tpu.memory_space<vmem>>
        %dma_start3A_142 = arith.constant 0 : i32
        %dma_start3A_143 = arith.constant 0 : i32
        %dma_start3A_144 = tpu.memref_slice %arg10[%dma_start3A_142, %dma_start3A_143] : memref<10240x128xf32, #tpu.memory_space<vmem_shared>> -> memref<10240x128xf32, #tpu.memory_space<vmem_shared>>
        tpu.enqueue_indirect_dma source(%arg9 : memref<128x128xf32, #tpu.memory_space<vmem>>) target(%dma_start3A_144 : memref<10240x128xf32, #tpu.memory_space<vmem_shared>>) offsets(%dma_start3A_141 : memref<128xi32, #tpu.memory_space<vmem>>) semaphore(%run_scoped3A_138 : memref<!tpu.dma_semaphore, #tpu.memory_space<semaphore_mem>>) {add = true}
        %dma_wait3A_145 = arith.constant 0 : i32
        %dma_wait3A_146 = tpu.memref_slice %arg8[%run_scoped3A_122, %dma_wait3A_145] : memref<8x128xi32, #tpu.memory_space<vmem>> -> memref<1x128xi32, #tpu.memory_space<vmem>>
        %dma_wait3A_147 = tpu.memref_squeeze %dma_wait3A_146 : memref<1x128xi32, #tpu.memory_space<vmem>> -> memref<128xi32, #tpu.memory_space<vmem>>
        %dma_wait3A_148 = arith.constant 0 : i32
        %dma_wait3A_149 = arith.constant 0 : i32
        %dma_wait3A_150 = tpu.memref_slice %arg10[%dma_wait3A_148, %dma_wait3A_149] : memref<10240x128xf32, #tpu.memory_space<vmem_shared>> -> memref<10240x128xf32, #tpu.memory_space<vmem_shared>>
        tpu.wait_indirect_dma semaphore(%run_scoped3A_138 : memref<!tpu.dma_semaphore, #tpu.memory_space<semaphore_mem>>) src(%arg9 : memref<128x128xf32, #tpu.memory_space<vmem>>) dst(%dma_wait3A_150 : memref<10240x128xf32, #tpu.memory_space<vmem_shared>>)
        tpu.yield
      }) : () -> ()
      %dma_start3A_123 = arith.constant 7 : i32
      %dma_start3A_124 = arith.constant 0 : i32
      %dma_start3A_125 = tpu.memref_slice %arg7[%dma_start3A_123, %dma_start3A_124] : memref<8x128xi32, #tpu.memory_space<vmem>> -> memref<1x128xi32, #tpu.memory_space<vmem>>
      %dma_start3A_126 = tpu.memref_squeeze %dma_start3A_125 : memref<1x128xi32, #tpu.memory_space<vmem>> -> memref<128xi32, #tpu.memory_space<vmem>>
      %dma_start3A_127 = arith.constant 0 : i32
      %dma_start3A_128 = arith.constant 0 : i32
      %dma_start3A_129 = tpu.memref_slice %arg4[%dma_start3A_127, %dma_start3A_128] : memref<10240x128xf32, #tpu.memory_space<hbm>> -> memref<10240x128xf32, #tpu.memory_space<hbm>>
      tpu.enqueue_indirect_dma source(%dma_start3A_129 : memref<10240x128xf32, #tpu.memory_space<hbm>>) target(%arg9 : memref<128x128xf32, #tpu.memory_space<vmem>>) offsets(%dma_start3A_126 : memref<128xi32, #tpu.memory_space<vmem>>) semaphore(%arg11 : memref<!tpu.dma_semaphore, #tpu.memory_space<semaphore_mem>>)
      %dma_wait3A_130 = arith.constant 7 : i32
      %dma_wait3A_131 = arith.constant 0 : i32
      %dma_wait3A_132 = tpu.memref_slice %arg7[%dma_wait3A_130, %dma_wait3A_131] : memref<8x128xi32, #tpu.memory_space<vmem>> -> memref<1x128xi32, #tpu.memory_space<vmem>>
      %dma_wait3A_133 = tpu.memref_squeeze %dma_wait3A_132 : memref<1x128xi32, #tpu.memory_space<vmem>> -> memref<128xi32, #tpu.memory_space<vmem>>
      %dma_wait3A_134 = arith.constant 0 : i32
      %dma_wait3A_135 = arith.constant 0 : i32
      %dma_wait3A_136 = tpu.memref_slice %arg4[%dma_wait3A_134, %dma_wait3A_135] : memref<10240x128xf32, #tpu.memory_space<hbm>> -> memref<10240x128xf32, #tpu.memory_space<hbm>>
      tpu.wait_indirect_dma semaphore(%arg11 : memref<!tpu.dma_semaphore, #tpu.memory_space<semaphore_mem>>) src(%dma_wait3A_136 : memref<10240x128xf32, #tpu.memory_space<hbm>>) dst(%arg9 : memref<128x128xf32, #tpu.memory_space<vmem>>)
      %run_scoped3A_137 = arith.constant 7 : i32
      "tpu.region"() ({
        %run_scoped3A_138 = tpu.sem_alloc : memref<!tpu.dma_semaphore, #tpu.memory_space<semaphore_mem>>
        %dma_start3A_139 = arith.constant 0 : i32
        %dma_start3A_140 = tpu.memref_slice %arg8[%run_scoped3A_137, %dma_start3A_139] : memref<8x128xi32, #tpu.memory_space<vmem>> -> memref<1x128xi32, #tpu.memory_space<vmem>>
        %dma_start3A_141 = tpu.memref_squeeze %dma_start3A_140 : memref<1x128xi32, #tpu.memory_space<vmem>> -> memref<128xi32, #tpu.memory_space<vmem>>
        %dma_start3A_142 = arith.constant 0 : i32
        %dma_start3A_143 = arith.constant 0 : i32
        %dma_start3A_144 = tpu.memref_slice %arg10[%dma_start3A_142, %dma_start3A_143] : memref<10240x128xf32, #tpu.memory_space<vmem_shared>> -> memref<10240x128xf32, #tpu.memory_space<vmem_shared>>
        tpu.enqueue_indirect_dma source(%arg9 : memref<128x128xf32, #tpu.memory_space<vmem>>) target(%dma_start3A_144 : memref<10240x128xf32, #tpu.memory_space<vmem_shared>>) offsets(%dma_start3A_141 : memref<128xi32, #tpu.memory_space<vmem>>) semaphore(%run_scoped3A_138 : memref<!tpu.dma_semaphore, #tpu.memory_space<semaphore_mem>>) {add = true}
        %dma_wait3A_145 = arith.constant 0 : i32
        %dma_wait3A_146 = tpu.memref_slice %arg8[%run_scoped3A_137, %dma_wait3A_145] : memref<8x128xi32, #tpu.memory_space<vmem>> -> memref<1x128xi32, #tpu.memory_space<vmem>>
        %dma_wait3A_147 = tpu.memref_squeeze %dma_wait3A_146 : memref<1x128xi32, #tpu.memory_space<vmem>> -> memref<128xi32, #tpu.memory_space<vmem>>
        %dma_wait3A_148 = arith.constant 0 : i32
        %dma_wait3A_149 = arith.constant 0 : i32
        %dma_wait3A_150 = tpu.memref_slice %arg10[%dma_wait3A_148, %dma_wait3A_149] : memref<10240x128xf32, #tpu.memory_space<vmem_shared>> -> memref<10240x128xf32, #tpu.memory_space<vmem_shared>>
        tpu.wait_indirect_dma semaphore(%run_scoped3A_138 : memref<!tpu.dma_semaphore, #tpu.memory_space<semaphore_mem>>) src(%arg9 : memref<128x128xf32, #tpu.memory_space<vmem>>) dst(%dma_wait3A_150 : memref<10240x128xf32, #tpu.memory_space<vmem_shared>>)
        tpu.yield
      }) : () -> ()
    }
    %barrier3A_15 = arith.constant 0 : index
    tpu.barrier barrier_id(%barrier3A_15)
    "tpu.region"() ({
      %run_scoped3A = tpu.sem_alloc : memref<!tpu.dma_semaphore, #tpu.memory_space<semaphore_mem>>
      %dma_start3A = arith.constant 0 : i32
      %dma_start3A_16 = tpu.memref_slice %arg6[%arg0, %mul3A_2, %dma_start3A] : memref<2x10240x128xf32, #tpu.memory_space<hbm>> -> memref<1x640x128xf32, #tpu.memory_space<hbm>>
      %dma_start3A_17 = tpu.memref_squeeze %dma_start3A_16 : memref<1x640x128xf32, #tpu.memory_space<hbm>> -> memref<640x128xf32, #tpu.memory_space<hbm>>
      %dma_start3A_18 = arith.constant 0 : i32
      %dma_start3A_19 = tpu.memref_slice %arg10[%mul3A_2, %dma_start3A_18] : memref<10240x128xf32, #tpu.memory_space<vmem_shared>> -> memref<640x128xf32, #tpu.memory_space<vmem_shared>>
      tpu.enqueue_dma source(%dma_start3A_19 : memref<640x128xf32, #tpu.memory_space<vmem_shared>>) target(%dma_start3A_17 : memref<640x128xf32, #tpu.memory_space<hbm>>) target_semaphore(%run_scoped3A : memref<!tpu.dma_semaphore, #tpu.memory_space<semaphore_mem>>)
      %dma_wait3A = arith.constant 0 : i32
      %dma_wait3A_20 = tpu.memref_slice %arg6[%arg0, %mul3A_2, %dma_wait3A] : memref<2x10240x128xf32, #tpu.memory_space<hbm>> -> memref<1x640x128xf32, #tpu.memory_space<hbm>>
      %dma_wait3A_21 = tpu.memref_squeeze %dma_wait3A_20 : memref<1x640x128xf32, #tpu.memory_space<hbm>> -> memref<640x128xf32, #tpu.memory_space<hbm>>
      %dma_wait3A_22 = arith.constant 0 : i32
      %dma_wait3A_23 = tpu.memref_slice %arg10[%mul3A_2, %dma_wait3A_22] : memref<10240x128xf32, #tpu.memory_space<vmem_shared>> -> memref<640x128xf32, #tpu.memory_space<vmem_shared>>
      tpu.wait_dma2 semaphore(%run_scoped3A : memref<!tpu.dma_semaphore, #tpu.memory_space<semaphore_mem>>) src(%dma_wait3A_23 : memref<640x128xf32, #tpu.memory_space<vmem_shared>>) dst(%dma_wait3A_21 : memref<640x128xf32, #tpu.memory_space<hbm>>)
      tpu.yield
    }) : () -> ()
    return
  }
}

module attributes {stable_mosaic.version = 14 : i64} {
  func.func @_mm1_body(%arg0: i32, %arg1: memref<1024x128xf32, #tpu.memory_space<vmem>>, %arg2: memref<128x128xf32, #tpu.memory_space<vmem>>, %arg3: memref<1024x128xf32, #tpu.memory_space<vmem>>) attributes {dimension_semantics = [#tpu.dimension_semantics<arbitrary>], iteration_bounds = array<i64: 10>, scalar_prefetch = 0 : i64, scratch_operands = 0 : i64, tpu.core_type = #tpu.core_type<tc>, window_params = [{transform_indices = @transform_0, window_bounds = array<i64: 1024, 128>}, {pipeline_mode = #tpu.pipeline_mode<synchronous>, transform_indices = @transform_1, window_bounds = array<i64: 128, 128>}, {transform_indices = @transform_2, window_bounds = array<i64: 1024, 128>}]} {
    %get3A = arith.constant 0 : index
    %get3A_0 = arith.constant 0 : index
    %get3A_1 = vector.load %arg1[%get3A, %get3A_0] : memref<1024x128xf32, #tpu.memory_space<vmem>>, vector<1024x128xf32>
    %get3A_2 = arith.constant 0 : index
    %get3A_3 = arith.constant 0 : index
    %get3A_4 = vector.load %arg2[%get3A_2, %get3A_3] : memref<128x128xf32, #tpu.memory_space<vmem>>, vector<128x128xf32>
    %dot_general3A = arith.constant dense<0.000000e+00> : vector<1024x128xf32>
    %dot_general3A_5 = tpu.matmul %get3A_1, %get3A_4, %dot_general3A {dimension_numbers = #tpu.dot_dimension_numbers<[1], [0], [0], [1], [0, 0, 1, 1], [], []>, transpose_lhs_hint = false} : vector<1024x128xf32>, vector<128x128xf32>, vector<1024x128xf32> -> vector<1024x128xf32>
    %swap3A = arith.constant 0 : index
    %swap3A_6 = arith.constant 0 : index
    %swap3A_7 = vector.load %arg3[%swap3A, %swap3A_6] : memref<1024x128xf32, #tpu.memory_space<vmem>>, vector<1024x128xf32>
    tpu.vector_store %arg3[%swap3A, %swap3A_6], %dot_general3A_5 {strides = array<i32>} : memref<1024x128xf32, #tpu.memory_space<vmem>>, vector<1024x128xf32>,
    return
  }
  func.func @transform_0(%arg0: i32) -> (i32, i32) {
    %c0_i32 = arith.constant 0 : i32
    %c0_i32_0 = arith.constant 0 : i32
    return %arg0, %c0_i32 : i32, i32
  }
  func.func @transform_1(%arg0: i32) -> (i32, i32) {
    %c0_i32 = arith.constant 0 : i32
    %c0_i32_0 = arith.constant 0 : i32
    %c0_i32_1 = arith.constant 0 : i32
    return %c0_i32, %c0_i32_0 : i32, i32
  }
  func.func @transform_2(%arg0: i32) -> (i32, i32) {
    %c0_i32 = arith.constant 0 : i32
    %c0_i32_0 = arith.constant 0 : i32
    return %arg0, %c0_i32 : i32, i32
  }
}

module attributes {stable_mosaic.version = 14 : i64} {
  func.func @_mid_body(%arg0: i32, %arg1: memref<1024x128xf32, #tpu.memory_space<vmem>>, %arg2: memref<1024x128xf32, #tpu.memory_space<vmem>>, %arg3: memref<1024x128xf32, #tpu.memory_space<vmem>>, %arg4: memref<1024x128xf32, #tpu.memory_space<vmem>>, %arg5: memref<1024x128xf32, #tpu.memory_space<vmem>>, %arg6: memref<1x128xf32, #tpu.memory_space<vmem>>, %arg7: memref<128x128xf32, #tpu.memory_space<vmem>>, %arg8: memref<128x128xf32, #tpu.memory_space<vmem>>, %arg9: memref<1024x128xf32, #tpu.memory_space<vmem>>, %arg10: memref<1024x128xf32, #tpu.memory_space<vmem>>) attributes {dimension_semantics = [#tpu.dimension_semantics<arbitrary>], iteration_bounds = array<i64: 10>, scalar_prefetch = 0 : i64, scratch_operands = 0 : i64, tpu.core_type = #tpu.core_type<tc>, window_params = [{transform_indices = @transform_0, window_bounds = array<i64: 1024, 128>}, {transform_indices = @transform_1, window_bounds = array<i64: 1024, 128>}, {transform_indices = @transform_2, window_bounds = array<i64: 1024, 128>}, {transform_indices = @transform_3, window_bounds = array<i64: 1024, 128>}, {transform_indices = @transform_4, window_bounds = array<i64: 1024, 128>}, {pipeline_mode = #tpu.pipeline_mode<synchronous>, transform_indices = @transform_5, window_bounds = array<i64: 1, 128>}, {pipeline_mode = #tpu.pipeline_mode<synchronous>, transform_indices = @transform_6, window_bounds = array<i64: 128, 128>}, {pipeline_mode = #tpu.pipeline_mode<synchronous>, transform_indices = @transform_7, window_bounds = array<i64: 128, 128>}, {transform_indices = @transform_8, window_bounds = array<i64: 1024, 128>}, {transform_indices = @transform_9, window_bounds = array<i64: 1024, 128>}]} {
    %get3A = arith.constant 0 : index
    %get3A_0 = arith.constant 0 : index
    %get3A_1 = vector.load %arg4[%get3A, %get3A_0] : memref<1024x128xf32, #tpu.memory_space<vmem>>, vector<1024x1xf32>
    %get3A_2 = arith.constant 0 : index
    %get3A_3 = arith.constant 0 : index
    %get3A_4 = vector.load %arg5[%get3A_2, %get3A_3] : memref<1024x128xf32, #tpu.memory_space<vmem>>, vector<1024x1xf32>
    %add3A = arith.addf %get3A_1, %get3A_4 : vector<1024x1xf32>
    %get3A_5 = arith.constant 0 : index
    %get3A_6 = arith.constant 0 : index
    %get3A_7 = vector.load %arg1[%get3A_5, %get3A_6] : memref<1024x128xf32, #tpu.memory_space<vmem>>, vector<1024x128xf32>
    %get3A_8 = arith.constant 0 : index
    %get3A_9 = arith.constant 0 : index
    %get3A_10 = vector.load %arg2[%get3A_8, %get3A_9] : memref<1024x128xf32, #tpu.memory_space<vmem>>, vector<1024x128xf32>
    %add3A_11 = arith.addf %get3A_7, %get3A_10 : vector<1024x128xf32>
    %get3A_12 = arith.constant 0 : index
    %get3A_13 = arith.constant 0 : index
    %get3A_14 = vector.load %arg3[%get3A_12, %get3A_13] : memref<1024x128xf32, #tpu.memory_space<vmem>>, vector<1024x128xf32>
    %add3A_15 = arith.addf %add3A_11, %get3A_14 : vector<1024x128xf32>
    %add3A_16 = arith.constant 1.000000e+00 : f32
    %add3A_17 = vector.broadcast %add3A_16 : f32 to vector<1024x1xf32>
    %add3A_18 = arith.addf %add3A, %add3A_17 : vector<1024x1xf32>
    %div3A = vector.broadcast %add3A_18 : vector<1024x1xf32> to vector<1024x128xf32>
    %div3A_19 = arith.divf %add3A_15, %div3A : vector<1024x128xf32>
    %get3A_20 = arith.constant 0 : index
    %get3A_21 = arith.constant 0 : index
    %get3A_22 = vector.load %arg6[%get3A_20, %get3A_21] : memref<1x128xf32, #tpu.memory_space<vmem>>, vector<1x128xf32>
    %add3A_23 = vector.broadcast %get3A_22 : vector<1x128xf32> to vector<1024x128xf32>
    %add3A_24 = arith.addf %div3A_19, %add3A_23 : vector<1024x128xf32>
    %max3A = arith.constant 0.000000e+00 : f32
    %max3A_25 = vector.broadcast %max3A : f32 to vector<1024x128xf32>
    %max3A_26 = arith.maximumf %add3A_24, %max3A_25 : vector<1024x128xf32>
    %get3A_27 = arith.constant 0 : index
    %get3A_28 = arith.constant 0 : index
    %get3A_29 = vector.load %arg7[%get3A_27, %get3A_28] : memref<128x128xf32, #tpu.memory_space<vmem>>, vector<128x128xf32>
    %dot_general3A = arith.constant dense<0.000000e+00> : vector<1024x128xf32>
    %dot_general3A_30 = tpu.matmul %max3A_26, %get3A_29, %dot_general3A {dimension_numbers = #tpu.dot_dimension_numbers<[1], [0], [0], [1], [0, 0, 1, 1], [], []>, transpose_lhs_hint = false} : vector<1024x128xf32>, vector<128x128xf32>, vector<1024x128xf32> -> vector<1024x128xf32>
    %swap3A = arith.constant 0 : index
    %swap3A_31 = arith.constant 0 : index
    %swap3A_32 = vector.load %arg9[%swap3A, %swap3A_31] : memref<1024x128xf32, #tpu.memory_space<vmem>>, vector<1024x128xf32>
    tpu.vector_store %arg9[%swap3A, %swap3A_31], %dot_general3A_30 {strides = array<i32>} : memref<1024x128xf32, #tpu.memory_space<vmem>>, vector<1024x128xf32>,
    %get3A_33 = arith.constant 0 : index
    %get3A_34 = arith.constant 0 : index
    %get3A_35 = vector.load %arg8[%get3A_33, %get3A_34] : memref<128x128xf32, #tpu.memory_space<vmem>>, vector<128x128xf32>
    %dot_general3A_36 = arith.constant dense<0.000000e+00> : vector<1024x128xf32>
    %dot_general3A_37 = tpu.matmul %max3A_26, %get3A_35, %dot_general3A_36 {dimension_numbers = #tpu.dot_dimension_numbers<[1], [0], [0], [1], [0, 0, 1, 1], [], []>, transpose_lhs_hint = false} : vector<1024x128xf32>, vector<128x128xf32>, vector<1024x128xf32> -> vector<1024x128xf32>
    %swap3A_38 = arith.constant 0 : index
    %swap3A_39 = arith.constant 0 : index
    %swap3A_40 = vector.load %arg10[%swap3A_38, %swap3A_39] : memref<1024x128xf32, #tpu.memory_space<vmem>>, vector<1024x128xf32>
    tpu.vector_store %arg10[%swap3A_38, %swap3A_39], %dot_general3A_37 {strides = array<i32>} : memref<1024x128xf32, #tpu.memory_space<vmem>>, vector<1024x128xf32>,
    return
  }
  func.func @transform_0(%arg0: i32) -> (i32, i32) {
    %c0_i32 = arith.constant 0 : i32
    %c0_i32_0 = arith.constant 0 : i32
    return %arg0, %c0_i32 : i32, i32
  }
  func.func @transform_1(%arg0: i32) -> (i32, i32) {
    %c0_i32 = arith.constant 0 : i32
    %c0_i32_0 = arith.constant 0 : i32
    return %arg0, %c0_i32 : i32, i32
  }
  func.func @transform_2(%arg0: i32) -> (i32, i32) {
    %c0_i32 = arith.constant 0 : i32
    %c0_i32_0 = arith.constant 0 : i32
    return %arg0, %c0_i32 : i32, i32
  }
  func.func @transform_3(%arg0: i32) -> (i32, i32) {
    %c0_i32 = arith.constant 0 : i32
    %c0_i32_0 = arith.constant 0 : i32
    return %arg0, %c0_i32 : i32, i32
  }
  func.func @transform_4(%arg0: i32) -> (i32, i32) {
    %c0_i32 = arith.constant 0 : i32
    %c0_i32_0 = arith.constant 0 : i32
    return %arg0, %c0_i32 : i32, i32
  }
  func.func @transform_5(%arg0: i32) -> (i32, i32) {
    %c0_i32 = arith.constant 0 : i32
    %c0_i32_0 = arith.constant 0 : i32
    %c0_i32_1 = arith.constant 0 : i32
    return %c0_i32, %c0_i32_0 : i32, i32
  }
  func.func @transform_6(%arg0: i32) -> (i32, i32) {
    %c0_i32 = arith.constant 0 : i32
    %c0_i32_0 = arith.constant 0 : i32
    %c0_i32_1 = arith.constant 0 : i32
    return %c0_i32, %c0_i32_0 : i32, i32
  }
  func.func @transform_7(%arg0: i32) -> (i32, i32) {
    %c0_i32 = arith.constant 0 : i32
    %c0_i32_0 = arith.constant 0 : i32
    %c0_i32_1 = arith.constant 0 : i32
    return %c0_i32, %c0_i32_0 : i32, i32
  }
  func.func @transform_8(%arg0: i32) -> (i32, i32) {
    %c0_i32 = arith.constant 0 : i32
    %c0_i32_0 = arith.constant 0 : i32
    return %arg0, %c0_i32 : i32, i32
  }
  func.func @transform_9(%arg0: i32) -> (i32, i32) {
    %c0_i32 = arith.constant 0 : i32
    %c0_i32_0 = arith.constant 0 : i32
    return %arg0, %c0_i32 : i32, i32
  }
}

module attributes {stable_mosaic.version = 14 : i64} {
  func.func @_fin_body(%arg0: i32, %arg1: memref<1024x128xf32, #tpu.memory_space<vmem>>, %arg2: memref<1024x128xf32, #tpu.memory_space<vmem>>, %arg3: memref<1024x128xf32, #tpu.memory_space<vmem>>, %arg4: memref<1024x128xf32, #tpu.memory_space<vmem>>, %arg5: memref<1024x128xf32, #tpu.memory_space<vmem>>, %arg6: memref<1x128xf32, #tpu.memory_space<vmem>>, %arg7: memref<1024x128xf32, #tpu.memory_space<vmem>>) attributes {dimension_semantics = [#tpu.dimension_semantics<arbitrary>], iteration_bounds = array<i64: 10>, scalar_prefetch = 0 : i64, scratch_operands = 0 : i64, tpu.core_type = #tpu.core_type<tc>, window_params = [{transform_indices = @transform_0, window_bounds = array<i64: 1024, 128>}, {transform_indices = @transform_1, window_bounds = array<i64: 1024, 128>}, {transform_indices = @transform_2, window_bounds = array<i64: 1024, 128>}, {transform_indices = @transform_3, window_bounds = array<i64: 1024, 128>}, {transform_indices = @transform_4, window_bounds = array<i64: 1024, 128>}, {pipeline_mode = #tpu.pipeline_mode<synchronous>, transform_indices = @transform_5, window_bounds = array<i64: 1, 128>}, {transform_indices = @transform_6, window_bounds = array<i64: 1024, 128>}]} {
    %get3A = arith.constant 0 : index
    %get3A_0 = arith.constant 0 : index
    %get3A_1 = vector.load %arg4[%get3A, %get3A_0] : memref<1024x128xf32, #tpu.memory_space<vmem>>, vector<1024x1xf32>
    %get3A_2 = arith.constant 0 : index
    %get3A_3 = arith.constant 0 : index
    %get3A_4 = vector.load %arg5[%get3A_2, %get3A_3] : memref<1024x128xf32, #tpu.memory_space<vmem>>, vector<1024x1xf32>
    %add3A = arith.addf %get3A_1, %get3A_4 : vector<1024x1xf32>
    %get3A_5 = arith.constant 0 : index
    %get3A_6 = arith.constant 0 : index
    %get3A_7 = vector.load %arg2[%get3A_5, %get3A_6] : memref<1024x128xf32, #tpu.memory_space<vmem>>, vector<1024x128xf32>
    %get3A_8 = arith.constant 0 : index
    %get3A_9 = arith.constant 0 : index
    %get3A_10 = vector.load %arg3[%get3A_8, %get3A_9] : memref<1024x128xf32, #tpu.memory_space<vmem>>, vector<1024x128xf32>
    %add3A_11 = arith.addf %get3A_7, %get3A_10 : vector<1024x128xf32>
    %max3A = arith.constant 1.000000e+00 : f32
    %max3A_12 = vector.broadcast %max3A : f32 to vector<1024x1xf32>
    %max3A_13 = arith.maximumf %add3A, %max3A_12 : vector<1024x1xf32>
    %div3A = vector.broadcast %max3A_13 : vector<1024x1xf32> to vector<1024x128xf32>
    %div3A_14 = arith.divf %add3A_11, %div3A : vector<1024x128xf32>
    %get3A_15 = arith.constant 0 : index
    %get3A_16 = arith.constant 0 : index
    %get3A_17 = vector.load %arg1[%get3A_15, %get3A_16] : memref<1024x128xf32, #tpu.memory_space<vmem>>, vector<1024x128xf32>
    %add3A_18 = arith.addf %get3A_17, %div3A_14 : vector<1024x128xf32>
    %get3A_19 = arith.constant 0 : index
    %get3A_20 = arith.constant 0 : index
    %get3A_21 = vector.load %arg6[%get3A_19, %get3A_20] : memref<1x128xf32, #tpu.memory_space<vmem>>, vector<1x128xf32>
    %add3A_22 = vector.broadcast %get3A_21 : vector<1x128xf32> to vector<1024x128xf32>
    %add3A_23 = arith.addf %add3A_18, %add3A_22 : vector<1024x128xf32>
    %swap3A = arith.constant 0 : index
    %swap3A_24 = arith.constant 0 : index
    %swap3A_25 = vector.load %arg7[%swap3A, %swap3A_24] : memref<1024x128xf32, #tpu.memory_space<vmem>>, vector<1024x128xf32>
    tpu.vector_store %arg7[%swap3A, %swap3A_24], %add3A_23 {strides = array<i32>} : memref<1024x128xf32, #tpu.memory_space<vmem>>, vector<1024x128xf32>,
    return
  }
  func.func @transform_0(%arg0: i32) -> (i32, i32) {
    %c0_i32 = arith.constant 0 : i32
    %c0_i32_0 = arith.constant 0 : i32
    return %arg0, %c0_i32 : i32, i32
  }
  func.func @transform_1(%arg0: i32) -> (i32, i32) {
    %c0_i32 = arith.constant 0 : i32
    %c0_i32_0 = arith.constant 0 : i32
    return %arg0, %c0_i32 : i32, i32
  }
  func.func @transform_2(%arg0: i32) -> (i32, i32) {
    %c0_i32 = arith.constant 0 : i32
    %c0_i32_0 = arith.constant 0 : i32
    return %arg0, %c0_i32 : i32, i32
  }
  func.func @transform_3(%arg0: i32) -> (i32, i32) {
    %c0_i32 = arith.constant 0 : i32
    %c0_i32_0 = arith.constant 0 : i32
    return %arg0, %c0_i32 : i32, i32
  }
  func.func @transform_4(%arg0: i32) -> (i32, i32) {
    %c0_i32 = arith.constant 0 : i32
    %c0_i32_0 = arith.constant 0 : i32
    return %arg0, %c0_i32 : i32, i32
  }
  func.func @transform_5(%arg0: i32) -> (i32, i32) {
    %c0_i32 = arith.constant 0 : i32
    %c0_i32_0 = arith.constant 0 : i32
    %c0_i32_1 = arith.constant 0 : i32
    return %c0_i32, %c0_i32_0 : i32, i32
  }
  func.func @transform_6(%arg0: i32) -> (i32, i32) {
    %c0_i32 = arith.constant 0 : i32
    %c0_i32_0 = arith.constant 0 : i32
    return %arg0, %c0_i32 : i32, i32
  }
}

</mosaic_0001>

<sc_bundles>
// kernel: kernel.11.cloned.1.call-start
scs
__scs_entry_jumppad:
0x0: {  	(pc) =	sbr.rel $0x88, $3  }
0x1: {  	(tag) =	ssettag $0x0;
	lr =	simm.s32 $0x1  }
0x2: {  	[smem:$0x3F9A] =	sst lr;
	_ =	strace $0xD0000000  }
0x3: {  	_ = 	snop  }
0x4: {  	_ = 	snop  }
0x5: {  	_ = 	snop  }
0x6: {  	_ = 	snop  }
0x7: {  	_ = 	snop  }
__scs_overlays_trampoline_lowered:
0x8: {  	[smem:$0x3FA9] =	sst s0  }
0x9: {  	[smem:$0x3FAA] =	sst s1  }
0xa: {  	[smem:$0x3FAB] =	sst s2  }
0xb: {  	[smem:$0x3FAC] =	sst s3  }
0xc: {  	[smem:$0x3FAD] =	sst s4  }
0xd: {  	[smem:$0x3FAE] =	sst s5  }
0xe: {  	[smem:$0x3FAF] =	sst s6  }
0xf: {  	[smem:$0x3FB0] =	sst s7  }
0x10: {  	[smem:$0x3FB1] =	sst s8  }
0x11: {  	[smem:$0x3FB2] =	sst s9;
	s0 =	simm.s32 @!p0 $0x0  }
0x12: {  	s1 =	sld [smem:$0x3F98];
	s0 =	simm.s32 @p0 $0x1  }
0x13: {  	[smem:$0x3FB3] =	sst s0;
	s0 =	simm.s32 @!p1 $0x0  }
0x14: {  	s2 =	sld [smem:$0x3F97];
	s0 =	simm.s32 @p1 $0x1  }
0x15: {  	[smem:$0x3FB4] =	sst s0;
	s0 =	simm.s32 @!p2 $0x0  }
0x16: {  	s3 =	sld [smem:$0x3FDB];
	s0 =	simm.s32 @p2 $0x1  }
0x17: {  	s4 =	simm.s32 $0x1BF5;
	[smem:$0x3FB6] =	sst s0  }
0x18: {  	s0 =	sld [smem:$0x3F99];
	_ =	swait.ge [sflag:s4], $0x0  }
0x19: {  	s7 =	sld [smem:$0x3F9A]  }
0x1a: {  	s8 =	sadd.s32 $0xFFFFE003, lr  }
0x1b: {  	s9 =	sadd.s32 $0xFFFFFEF7, lr;
	s5 =	simm.s32 $0xFFFFFFFF;
	p2 =	slt.u32 s8, $0xFFFFF086  }
0x1c: {  	p1 =	slt.u32 s9, $0xF7A;
	s5 =	simm.s32 @!p2 $0x0  }
0x1d: {  	s5 =	simm.s32 @p1 $0x1;
	p0 =	seq.s32 s7, s2  }
0x1e: {  	s7 =	smul.u32 @!p0 $0xF7A, s2;
	p2 =	seq.s32 @!p0 s5, $0x0  }
0x1f: {  	s9 =	smul.u32 $0xF7A, s1;
	s8 =	simm.s32 @!p0 $0x1BF5;
	p2 =	por !p2, p0  }
0x20: {  	[sflag:s8] =	ssyncset.s32 @!p0 $0xFFFFF086;
	s6 =	sadd.s32 @!p0 s3, s7;
	s7 =	simm.s32 @!p0 $0x108  }
0x21: {  	s3 =	sadd.s32 s3, s9;
	s6 =	sadd.s32 @!p0 $0x88, s6;
	s7 =	simm.s32 @p2 $0x1082  }
0x22: {  	[simem:s7], [sflag:s8] =	dma.local @!p0 [hbm:s6], $0xF7A  }
0x23: {  	s9 =	sor.u32 $0xD0000000, s2;
	s6 =	simm.s32 $0x108;
	_ =	swait.ge @!p0 [sflag:s8], $0x0  }
0x24: {  	s3 =	sadd.s32 $0x88, s3;
	s6 =	simm.s32 @!p1 $0x1082;
	[sflag:s4] =	ssyncset.s32 $0xFFFFF086  }
0x25: {  	[simem:s6], [sflag:s4] =	dma.local [hbm:s3], $0xF7A  }
0x26: {  	[smem:$0x3F9A] =	sst s1;
	(tag) =	ssettag s2;
	_ =	strace s9  }
0x27: {  	s1 =	sld [smem:$0x3FAA]  }
0x28: {  	s2 =	sld [smem:$0x3FAB]  }
0x29: {  	s4 =	sld [smem:$0x3FAD]  }
0x2a: {  	p0 =	seq.s32 s5, $0x0;
	s5 =	sld [smem:$0x3FAE]  }
0x2b: {  	s6 =	sld [smem:$0x3FAF]  }
0x2c: {  	s7 =	sld [smem:$0x3FB0]  }
0x2d: {  	s3 =	simm.s32 $0x108;
	s8 =	sld [smem:$0x3FB1]  }
0x2e: {  	s3 =	simm.s32 @!p0 $0x1082;
	s9 =	sld [smem:$0x3FB2]  }
0x2f: {  	lr =	sadd.s32 s0, s3;
	s0 =	sld [smem:$0x3FA9]  }
0x30: {  	s3 =	sld [smem:$0x3FAC]  }
0x31: {  	[smem:$0x3FB5] =	sst s10  }
0x32: {  	s10 =	sld [smem:$0x3FB3];
	_ =	sdelay $0x3  }
0x33: {  	p0 =	seq.s32 s10, $0x1;
	s10 =	sld [smem:$0x3FB5];
	_ =	sdelay $0x3  }
0x34: {  	[smem:$0x3FB5] =	sst s10  }
0x35: {  	s10 =	sld [smem:$0x3FB4];
	_ =	sdelay $0x3  }
0x36: {  	p1 =	seq.s32 s10, $0x1;
	s10 =	sld [smem:$0x3FB5];
	_ =	sdelay $0x3  }
0x37: {  	[smem:$0x3FB5] =	sst s10  }
0x38: {  	s10 =	sld [smem:$0x3FB6]  }
0x39: {  	_ = 	snop;
	(pc) =	sbr.ind lr, $3  }
0x3a: {  	_ = 	snop  }
0x3b: {  	_ = 	snop  }
0x3c: {  	p2 =	seq.s32 s10, $0x1;
	s10 =	sld [smem:$0x3FB5]  }
0x3d: {  	_ =	shalt  }
0x3e: {  	_ =	shalt  }
0x3f: {  	_ =	shalt  }
0x40: {  	_ =	shalt  }
0x41: {  	_ =	shalt  }
0x42: {  	_ =	shalt  }
0x43: {  	_ =	shalt  }
0x44: {  	_ =	shalt  }
0x45: {  	_ =	shalt  }
0x46: {  	_ =	shalt  }
0x47: {  	_ =	shalt  }
0x48: {  	_ =	shalt  }
0x49: {  	_ =	shalt  }
0x4a: {  	_ =	shalt  }
0x4b: {  	_ =	shalt  }
0x4c: {  	_ =	shalt  }
0x4d: {  	_ =	shalt  }
0x4e: {  	_ =	shalt  }
0x4f: {  	_ =	shalt  }
0x50: {  	_ =	shalt  }
0x51: {  	_ =	shalt  }
0x52: {  	_ =	shalt  }
0x53: {  	_ =	shalt  }
0x54: {  	_ =	shalt  }
0x55: {  	_ =	shalt  }
0x56: {  	_ =	shalt  }
0x57: {  	_ =	shalt  }
0x58: {  	_ =	shalt  }
0x59: {  	_ =	shalt  }
0x5a: {  	_ =	shalt  }
0x5b: {  	_ =	shalt  }
0x5c: {  	_ =	shalt  }
0x5d: {  	_ =	shalt  }
0x5e: {  	_ =	shalt  }
0x5f: {  	_ =	shalt  }
0x60: {  	_ =	shalt  }
0x61: {  	_ =	shalt  }
0x62: {  	_ =	shalt  }
0x63: {  	_ =	shalt  }
0x64: {  	_ =	shalt  }
0x65: {  	_ =	shalt  }
0x66: {  	_ =	shalt  }
0x67: {  	_ =	shalt  }
0x68: {  	_ =	shalt  }
0x69: {  	_ =	shalt  }
0x6a: {  	_ =	shalt  }
0x6b: {  	_ =	shalt  }
0x6c: {  	_ =	shalt  }
0x6d: {  	_ =	shalt  }
0x6e: {  	_ =	shalt  }
0x6f: {  	_ =	shalt  }
0x70: {  	_ =	shalt  }
0x71: {  	_ =	shalt  }
0x72: {  	_ =	shalt  }
0x73: {  	_ =	shalt  }
0x74: {  	_ =	shalt  }
0x75: {  	_ =	shalt  }
0x76: {  	_ =	shalt  }
0x77: {  	_ =	shalt  }
0x78: {  	_ =	shalt  }
0x79: {  	_ =	shalt  }
0x7a: {  	_ =	shalt  }
0x7b: {  	_ =	shalt  }
0x7c: {  	_ =	shalt  }
0x7d: {  	_ =	shalt  }
0x7e: {  	_ =	shalt  }
0x7f: {  	_ =	shalt  }
0x80: {  	_ =	shalt  }
0x81: {  	_ =	shalt  }
0x82: {  	_ =	shalt  }
0x83: {  	_ =	shalt  }
0x84: {  	_ =	shalt  }
0x85: {  	_ =	shalt  }
0x86: {  	_ =	shalt  }
0x87: {  	_ =	shalt  }
.Lfunc_end0:
.L_simem_size_0:
called_computation.1_lowered:
.L_overlay_start_0:
0x88: {  	s2 =	sld [smem:$0x3FD9]  }
0x89: {  	s3 =	sld [smem:$0x3FFE];
	_ =	sdelay $0x1  }
0x8a: {  	s1 =	srdreg.scid  }
0x8b: {  	s0 =	sand.u32 $0x1, s1  }
0x8c: {  	s17 =	sshll.u32 s0, $0xA;
	s2 =	sadd.s32 s3, s2  }
0x8d: {  	s2 =	sadd.s32 s2, s17  }
0x8e: {  	[smem:$0x3FC1] =	sst s2  }
0x8f: {  	_ = 	snop  }
0x90: {  	s2 =	sld [smem:$0x3FD0];
	(tm) =	ssettm $0x1  }
0x91: {  	s18 =	sld [smem:$0x3FFB];
	_ =	sdelay $0x3  }
0x92: {  	_ =	strace s18  }
0x93: {  	s3 =	sld [smem:$0x3FFC];
	_ =	sdelay $0x3  }
0x94: {  	_ =	strace s3  }
0x95: {  	s3 =	sld [smem:$0x3FFD];
	_ =	sdelay $0x3  }
0x96: {  	_ =	strace s3  }
0x97: {  	_ =	strace $0x8FFFFFFF  }
0x98: {  	s19 =	sld [smem:$0x3FDB];
	_ =	sdelay $0x1  }
0x99: {  	s4 =	simm.s32 $_scs_section_size  }
0x9a: {  	s5 =	simm.s32 $_size__tile_overlayer_lowered;
	s6 =	simm.s32 $_tile_overlayer_lowered  }
0x9b: {  	s22 =	simm.s32 $0x1BFF;
	s21 =	sshll.u32 s6, $0x1;
	s3 =	sadd.s32 s4, s19  }
0x9c: {  	s7 =	simm.s32 $0x0;
	s20 =	sshll.u32 s5, $0x1;
	s5 =	sadd.s32 s21, s3  }
0x9d: {  	[timem:s7], [sflag:s22] =	dma.local [hbm:s5], s20  }
0x9e: {  	_ =	swait.ge [sflag:s22], s20  }
0x9f: {  	s4 =	ssub.s32 $0x0, s20;
	[sflag:s22] =	ssyncset.done $0x0  }
0xa0: {  	[sflag:s22] =	ssyncadd.s32 s4;
	_ =	sdelay $0x1  }
0xa1: {  	s23 =	simm.s32 $0x1B8B  }
0xa2: {  	_ =	swait.ge [sflag:s23], $0x1  }
0xa3: {  	[sflag:s23] =	ssyncset.done $0x0  }
0xa4: {  	s25 =	simm.s32 $0x1B8E;
	s24 =	sld [smem:$0x3FFE];
	[sflag:s23] =	ssyncadd.s32 $0xFFFFFFFF  }
0xa5: {  	s26 =	simm.s32 $execute0_lowered;
	[smem:$0x3FD2] =	sst s25  }
0xa6: {  	s5 =	sshll.u32 s26, $0x1;
	_ =	strace $0x80000046;
	[dreg:$0x1] =	wrdreg $0xFFFFFFFF  }
0xa7: {  	s28 =	simm.s32 $_size_execute0_lowered;
	s3 =	sadd.s32 s3, s5;
	[dreg:$0x0] =	wrdreg $0x0  }
0xa8: {  	s5 =	sshll.u32 s28, $0x1;
	[dreg:$0x2] =	wrdreg s3  }
0xa9: {  	[dreg:$0x3] =	wrdreg s5  }
0xaa: {  	[dreg:$0x4] =	wrdreg $0xC0  }
0xab: {  	_ =	task [dreg:s7], $0x5FFFF  }
0xac: {  	[dreg:$0x1] =	wrdreg $0xFFFFFFFF  }
0xad: {  	[dreg:$0x0] =	wrdreg $0x60  }
0xae: {  	[dreg:$0x2] =	wrdreg s2  }
0xaf: {  	[dreg:$0x3] =	wrdreg s24  }
0xb0: {  	[dreg:$0x4] =	wrdreg $0x48000  }
0xb1: {  	[dreg:$0x5] =	wrdreg $0xA  }
0xb2: {  	_ =	task.clear_ibuf [dreg:s7], $0x6FFFF;
	_ =	strace $0x90000046  }
0xb3: {  	s29 =	simm.s32 $0xA;
	_ =	strace $0x80000048  }
0xb4: {  	_ =	swait.ge [sflag:s29], $0x1  }
0xb5: {  	[sflag:s29] =	ssyncadd.s32 $0xFFFFFFFF  }
0xb6: {  	_ =	strace $0x90000048  }
0xb7: {  	_ =	sfence  }
0xb8: {  	s30 =	sld [smem:$0x0];
	_ =	sdelay $0x2  }
0xb9: {  	s31 =	sshll.u32 s1, $0xD;
	s1 =	sshrl.u32 s1, $0x2  }
0xba: {  	s3 =	sand.u32 $0x4000, s31;
	s1 =	sadd.s32 s1, s30  }
0xbb: {  	s0 =	sor.u32 s3, s0;
	s1 =	sshll.u32 s1, $0x11  }
0xbc: {  	s0 =	sor.u32 s1, s0  }
0xbd: {  	s0 =	sadd.s32 $0x8F2B, s0  }
0xbe: {  	[sflag:s0] =	ssyncadd.remote.s32 $0x1  }
0xbf: {  	_ =	sfence.sel $0xFFFF  }
0xc0: {  	[dreg:$0x0] =	wrdreg $0xFFFFFFFF;
	(pc) =	sbr.abs _section_cstart, $3  }
0xc1: {  	[dreg:$0x1] =	wrdreg $0xFFFFFFFF  }
0xc2: {  	_ =	task.clear_ibuf [dreg:s7], $0x2FFFF;
	_ =	strace $0x9FFFFFFF  }
0xc3: {  	(tm) =	ssettm $0x7FFFFFFF  }
tec
execute0_lowered:
.L_overlay_start_1:
0x0: {  	(tag) =	ssettag $0x1  }
0x1: {  	s0 =	rddreg [dreg:$0x0]  }
0x2: {  	s1 =	srdreg.scid;
	s5 =	rddreg [dreg:$0x1]  }
0x3: {  	s12 =	stileid.u32;
	s2 =	rddreg [dreg:$0x2];
	s3 =	simm.s32 $0x0  }
0x4: {  	s13 =	simm.s32 $0x2;
	s14 =	simm.s32 $0x400;
	s15 =	simm.s32 $0x80  }
0x5: {  	s16 =	simm.s32 $0x800;
	s17 =	simm.s32 $0x1;
	s18 =	simm.s32 $0x480  }
0x6: {  	s19 =	simm.s32 $0x100;
	s20 =	simm.s32 $0x500;
	s4 =	smul.u32 $0x7000, s12  }
0x7: {  	s28 =	simm.s32 $0x300;
	s29 =	simm.s32 $0x700;
	s21 =	smul.u32 $0x14000, s12  }
0x8: {  	s30 =	simm.s32 $0x380;
	s1 =	sand.u32 $0x1, s1;
	s11 =	smul.u32 $0x50000, s12  }
0x9: {  	s31 =	simm.s32 $0x780;
	[smem:$0x7FF] =	sst s3;
	s6 =	smul.u32 $0x3800, s1  }
0xa: {  	s26 =	sshll.u32 s12, $0x6;
	s7 =	smul.u32 $0x140000, s1;
	_ =	strace $0x80000047  }
0xb: {  	s23 =	ssub.s32 $0x2, s1;
	p0 =	seq.s32 s1, $0x0;
	s9 =	sshrl.u32 s21, $0x3  }
0xc: {  	s24 =	sshrl.u32 s23, $0x1;
	s25 =	sshrl.u32 s11, $0x2;
	s4 =	sadd.s32 s6, s4  }
0xd: {  	s6 =	sadd.s32 s21, s7;
	s22 =	sadd.s32 s9, s5;
	s9 =	ssub.s32 s23, s24  }
0xe: {  	s1 =	sadd.s32 s25, s2;
	s21 =	simm.s32 $0x180;
	s23 =	simm.s32 $0x200  }
0xf: {  	s24 =	simm.s32 $0x600;
	s25 =	simm.s32 $0x280;
	s8 =	sshrl.u32 s4, $0x3  }
0x10: {  	s4 =	sadd.s32 $0x11000, s5;
	s6 =	sshrl.u32 s6, $0x3;
	s7 =	sadd.s32 $0x39000, s22  }
0x11: {  	s9 =	smax.u32 s9, $0x1;
	s12 =	sshrl.u32 s1, $0x3;
	s22 =	simm.s32 $0x580  }
0x12: {  	s1 =	simm.s32 $0x0;
	s10 =	sadd.s32 s8, s5;
	s6 =	sadd.s32 s6, s5  }
0x13: {  	s5 =	simm.s32 $0xE;
	[dreg:$0x4] =	wrdreg s7;
	s7 =	sor.u32 $0x1C02, s26  }
0x14: {  	s8 =	sadd.s32 s8, s0;
	s26 =	simm.s32 $0x680;
	s6 =	sadd.s32 $0x61000, s6  }
0x15: {  	s5 =	simm.s32 @!p0 $0x6;
	[dreg:$0x5] =	wrdreg s6;
	s6 =	sadd.s32 $0x3000, s10  }
.LBB2_1:
0x16: {  	s0 =	rddreg [dreg:$0x4]  }
0x17: {  	[spmem:s12], [sflag:s7] =	dma.local [hbm:s0], $0x2800  }
0x18: {  	_ =	swait.ge [sflag:s13], $0x2800  }
0x19: {  	[sflag:s13] =	ssyncset.done $0x0  }
0x1a: {  	[sflag:s13] =	ssyncadd.s32 $0xFFFFD800  }
0x1b: {  	[bflag:$0x0] =	sbarrier.arrive $0xFFFF  }
0x1c: {  	[tilespmem:s3], [sflag:$0x2] =	stream.linear.gather [hbm4b:s8+s3], $0x400, $0x38;
	[tilespmem:$0x18800] =	vst v63  }
0x1d: {  	_ =	swait.ge [sflag:s13], $0x400  }
0x1e: {  	[sflag:s13] =	ssyncset.done $0x0  }
0x1f: {  	[sflag:s13] =	ssyncadd.s32 $0xFFFFFC00  }
0x20: {  	[tilespmem:s14], [sflag:$0x2] =	stream.linear.gather [hbm4b:s6+s3], $0x400, $0x38;
	[tilespmem:$0x18800] =	vst v63  }
0x21: {  	_ =	swait.ge [sflag:s13], $0x400  }
0x22: {  	[sflag:s13] =	ssyncset.done $0x0  }
0x23: {  	[sflag:s13] =	ssyncadd.s32 $0xFFFFFC00  }
0x24: {  	[tilespmem:s16], [sflag:$0x1] =	stream.indirect.gather [hbm4b:s4+s15], $0x80, s3, s15, $0xb8;
	[tilespmem:$0x18800] =	vst v63  }
0x25: {  	_ =	swait.ge [sflag:s17], $0x4000  }
0x26: {  	[sflag:s17] =	ssyncset.done $0x0  }
0x27: {  	[sflag:s17] =	ssyncadd.s32 $0xFFFFC000  }
0x28: {  	[spmem:s2] =	stream.indirect.scatter.add.f32 [tilespmem:s16], [sflag:$0x2], $0x80, s14, s15, $0xb8;
	[tilespmem:$0x18800] =	vst v63  }
0x29: {  	_ =	swait.ge [sflag:s13], $0x4000  }
0x2a: {  	[sflag:s13] =	ssyncset.done $0x0  }
0x2b: {  	[sflag:s13] =	ssyncadd.s32 $0xFFFFC000  }
0x2c: {  	[tilespmem:s16], [sflag:$0x1] =	stream.indirect.gather [hbm4b:s4+s15], $0x80, s15, s15, $0xb8;
	[tilespmem:$0x18800] =	vst v63  }
0x2d: {  	_ =	swait.ge [sflag:s17], $0x4000  }
0x2e: {  	[sflag:s17] =	ssyncset.done $0x0  }
0x2f: {  	[sflag:s17] =	ssyncadd.s32 $0xFFFFC000  }
0x30: {  	[spmem:s2] =	stream.indirect.scatter.add.f32 [tilespmem:s16], [sflag:$0x2], $0x80, s18, s15, $0xb8;
	[tilespmem:$0x18800] =	vst v63  }
0x31: {  	_ =	swait.ge [sflag:s13], $0x4000  }
0x32: {  	[sflag:s13] =	ssyncset.done $0x0  }
0x33: {  	[sflag:s13] =	ssyncadd.s32 $0xFFFFC000  }
0x34: {  	[tilespmem:s16], [sflag:$0x1] =	stream.indirect.gather [hbm4b:s4+s15], $0x80, s19, s15, $0xb8;
	[tilespmem:$0x18800] =	vst v63  }
0x35: {  	_ =	swait.ge [sflag:s17], $0x4000  }
0x36: {  	[sflag:s17] =	ssyncset.done $0x0  }
0x37: {  	[sflag:s17] =	ssyncadd.s32 $0xFFFFC000  }
0x38: {  	[spmem:s2] =	stream.indirect.scatter.add.f32 [tilespmem:s16], [sflag:$0x2], $0x80, s20, s15, $0xb8;
	[tilespmem:$0x18800] =	vst v63  }
0x39: {  	_ =	swait.ge [sflag:s13], $0x4000  }
0x3a: {  	[sflag:s13] =	ssyncset.done $0x0  }
0x3b: {  	[sflag:s13] =	ssyncadd.s32 $0xFFFFC000  }
0x3c: {  	[tilespmem:s16], [sflag:$0x1] =	stream.indirect.gather [hbm4b:s4+s15], $0x80, s21, s15, $0xb8;
	[tilespmem:$0x18800] =	vst v63  }
0x3d: {  	_ =	swait.ge [sflag:s17], $0x4000  }
0x3e: {  	[sflag:s17] =	ssyncset.done $0x0  }
0x3f: {  	[sflag:s17] =	ssyncadd.s32 $0xFFFFC000  }
0x40: {  	[spmem:s2] =	stream.indirect.scatter.add.f32 [tilespmem:s16], [sflag:$0x2], $0x80, s22, s15, $0xb8;
	[tilespmem:$0x18800] =	vst v63  }
0x41: {  	_ =	swait.ge [sflag:s13], $0x4000  }
0x42: {  	[sflag:s13] =	ssyncset.done $0x0  }
0x43: {  	[sflag:s13] =	ssyncadd.s32 $0xFFFFC000  }
0x44: {  	[tilespmem:s16], [sflag:$0x1] =	stream.indirect.gather [hbm4b:s4+s15], $0x80, s23, s15, $0xb8;
	[tilespmem:$0x18800] =	vst v63  }
0x45: {  	_ =	swait.ge [sflag:s17], $0x4000  }
0x46: {  	[sflag:s17] =	ssyncset.done $0x0  }
0x47: {  	[sflag:s17] =	ssyncadd.s32 $0xFFFFC000  }
0x48: {  	[spmem:s2] =	stream.indirect.scatter.add.f32 [tilespmem:s16], [sflag:$0x2], $0x80, s24, s15, $0xb8;
	[tilespmem:$0x18800] =	vst v63  }
0x49: {  	_ =	swait.ge [sflag:s13], $0x4000  }
0x4a: {  	[sflag:s13] =	ssyncset.done $0x0  }
0x4b: {  	[sflag:s13] =	ssyncadd.s32 $0xFFFFC000  }
0x4c: {  	[tilespmem:s16], [sflag:$0x1] =	stream.indirect.gather [hbm4b:s4+s15], $0x80, s25, s15, $0xb8;
	[tilespmem:$0x18800] =	vst v63  }
0x4d: {  	_ =	swait.ge [sflag:s17], $0x4000  }
0x4e: {  	[sflag:s17] =	ssyncset.done $0x0  }
0x4f: {  	[sflag:s17] =	ssyncadd.s32 $0xFFFFC000  }
0x50: {  	[spmem:s2] =	stream.indirect.scatter.add.f32 [tilespmem:s16], [sflag:$0x2], $0x80, s26, s15, $0xb8;
	[tilespmem:$0x18800] =	vst v63  }
0x51: {  	_ =	swait.ge [sflag:s13], $0x4000  }
0x52: {  	[sflag:s13] =	ssyncset.done $0x0  }
0x53: {  	[sflag:s13] =	ssyncadd.s32 $0xFFFFC000  }
0x54: {  	[tilespmem:s16], [sflag:$0x1] =	stream.indirect.gather [hbm4b:s4+s15], $0x80, s28, s15, $0xb8;
	[tilespmem:$0x18800] =	vst v63  }
0x55: {  	_ =	swait.ge [sflag:s17], $0x4000  }
0x56: {  	[sflag:s17] =	ssyncset.done $0x0  }
0x57: {  	[sflag:s17] =	ssyncadd.s32 $0xFFFFC000  }
0x58: {  	[spmem:s2] =	stream.indirect.scatter.add.f32 [tilespmem:s16], [sflag:$0x2], $0x80, s29, s15, $0xb8;
	[tilespmem:$0x18800] =	vst v63  }
0x59: {  	_ =	swait.ge [sflag:s13], $0x4000  }
0x5a: {  	[sflag:s13] =	ssyncset.done $0x0  }
0x5b: {  	[sflag:s13] =	ssyncadd.s32 $0xFFFFC000  }
0x5c: {  	[tilespmem:s16], [sflag:$0x1] =	stream.indirect.gather [hbm4b:s4+s15], $0x80, s30, s15, $0xb8;
	[tilespmem:$0x18800] =	vst v63  }
0x5d: {  	p0 =	sne.s32 s5, $0x1;
	_ =	swait.ge [sflag:s17], $0x4000  }
.Ltmp0:
0x5e: {  	[sflag:s17] =	ssyncset.done $0x0;
	(pc) =	sbr.rel @!p0 .LBB2_3-.Ltmp0, $4  }
0x5f: {  	[sflag:s17] =	ssyncadd.s32 $0xFFFFC000  }
0x60: {  	[spmem:s2] =	stream.indirect.scatter.add.f32 [tilespmem:s16], [sflag:$0x2], $0x80, s31, s15, $0xb8;
	[tilespmem:$0x18800] =	vst v63  }
0x61: {  	s10 =	smov.u32 s6;
	_ =	swait.ge [sflag:s13], $0x4000  }
0x62: {  	s11 =	smov.u32 s8;
	s0 =	sadd.s32 $0xFFFFFFFF, s5;
	[sflag:s13] =	ssyncset.done $0x0  }
.LBB2_2:
0x63: {  	[sflag:s13] =	ssyncadd.s32 $0xFFFFC000;
	s10 =	sadd.s32 $0x80, s10;
	s11 =	sadd.s32 $0x80, s11  }
0x64: {  	[tilespmem:s3], [sflag:$0x2] =	stream.linear.gather [hbm4b:s11+s3], $0x400, $0x38;
	[tilespmem:$0x18800] =	vst v63  }
0x65: {  	p0 =	sne.s32 s0, $0x1;
	s0 =	sadd.s32 $0xFFFFFFFF, s0;
	_ =	swait.ge [sflag:s13], $0x400  }
0x66: {  	[sflag:s13] =	ssyncset.done $0x0  }
0x67: {  	[sflag:s13] =	ssyncadd.s32 $0xFFFFFC00  }
0x68: {  	[tilespmem:s14], [sflag:$0x2] =	stream.linear.gather [hbm4b:s10+s3], $0x400, $0x38;
	[tilespmem:$0x18800] =	vst v63  }
0x69: {  	_ =	swait.ge [sflag:s13], $0x400  }
0x6a: {  	[sflag:s13] =	ssyncset.done $0x0  }
0x6b: {  	[sflag:s13] =	ssyncadd.s32 $0xFFFFFC00  }
0x6c: {  	[tilespmem:s16], [sflag:$0x1] =	stream.indirect.gather [hbm4b:s4+s15], $0x80, s3, s15, $0xb8;
	[tilespmem:$0x18800] =	vst v63  }
0x6d: {  	_ =	swait.ge [sflag:s17], $0x4000  }
0x6e: {  	[sflag:s17] =	ssyncset.done $0x0  }
0x6f: {  	[sflag:s17] =	ssyncadd.s32 $0xFFFFC000  }
0x70: {  	[spmem:s2] =	stream.indirect.scatter.add.f32 [tilespmem:s16], [sflag:$0x2], $0x80, s14, s15, $0xb8;
	[tilespmem:$0x18800] =	vst v63  }
0x71: {  	_ =	swait.ge [sflag:s13], $0x4000  }
0x72: {  	[sflag:s13] =	ssyncset.done $0x0  }
0x73: {  	[sflag:s13] =	ssyncadd.s32 $0xFFFFC000  }
0x74: {  	[tilespmem:s16], [sflag:$0x1] =	stream.indirect.gather [hbm4b:s4+s15], $0x80, s15, s15, $0xb8;
	[tilespmem:$0x18800] =	vst v63  }
0x75: {  	_ =	swait.ge [sflag:s17], $0x4000  }
0x76: {  	[sflag:s17] =	ssyncset.done $0x0  }
0x77: {  	[sflag:s17] =	ssyncadd.s32 $0xFFFFC000  }
0x78: {  	[spmem:s2] =	stream.indirect.scatter.add.f32 [tilespmem:s16], [sflag:$0x2], $0x80, s18, s15, $0xb8;
	[tilespmem:$0x18800] =	vst v63  }
0x79: {  	_ =	swait.ge [sflag:s13], $0x4000  }
0x7a: {  	[sflag:s13] =	ssyncset.done $0x0  }
0x7b: {  	[sflag:s13] =	ssyncadd.s32 $0xFFFFC000  }
0x7c: {  	[tilespmem:s16], [sflag:$0x1] =	stream.indirect.gather [hbm4b:s4+s15], $0x80, s19, s15, $0xb8;
	[tilespmem:$0x18800] =	vst v63  }
0x7d: {  	_ =	swait.ge [sflag:s17], $0x4000  }
0x7e: {  	[sflag:s17] =	ssyncset.done $0x0  }
0x7f: {  	[sflag:s17] =	ssyncadd.s32 $0xFFFFC000  }
0x80: {  	[spmem:s2] =	stream.indirect.scatter.add.f32 [tilespmem:s16], [sflag:$0x2], $0x80, s20, s15, $0xb8;
	[tilespmem:$0x18800] =	vst v63  }
0x81: {  	_ =	swait.ge [sflag:s13], $0x4000  }
0x82: {  	[sflag:s13] =	ssyncset.done $0x0  }
0x83: {  	[sflag:s13] =	ssyncadd.s32 $0xFFFFC000  }
0x84: {  	[tilespmem:s16], [sflag:$0x1] =	stream.indirect.gather [hbm4b:s4+s15], $0x80, s21, s15, $0xb8;
	[tilespmem:$0x18800] =	vst v63  }
0x85: {  	_ =	swait.ge [sflag:s17], $0x4000  }
0x86: {  	[sflag:s17] =	ssyncset.done $0x0  }
0x87: {  	[sflag:s17] =	ssyncadd.s32 $0xFFFFC000  }
0x88: {  	[spmem:s2] =	stream.indirect.scatter.add.f32 [tilespmem:s16], [sflag:$0x2], $0x80, s22, s15, $0xb8;
	[tilespmem:$0x18800] =	vst v63  }
0x89: {  	_ =	swait.ge [sflag:s13], $0x4000  }
0x8a: {  	[sflag:s13] =	ssyncset.done $0x0  }
0x8b: {  	[sflag:s13] =	ssyncadd.s32 $0xFFFFC000  }
0x8c: {  	[tilespmem:s16], [sflag:$0x1] =	stream.indirect.gather [hbm4b:s4+s15], $0x80, s23, s15, $0xb8;
	[tilespmem:$0x18800] =	vst v63  }
0x8d: {  	_ =	swait.ge [sflag:s17], $0x4000  }
0x8e: {  	[sflag:s17] =	ssyncset.done $0x0  }
0x8f: {  	[sflag:s17] =	ssyncadd.s32 $0xFFFFC000  }
0x90: {  	[spmem:s2] =	stream.indirect.scatter.add.f32 [tilespmem:s16], [sflag:$0x2], $0x80, s24, s15, $0xb8;
	[tilespmem:$0x18800] =	vst v63  }
0x91: {  	_ =	swait.ge [sflag:s13], $0x4000  }
0x92: {  	[sflag:s13] =	ssyncset.done $0x0  }
0x93: {  	[sflag:s13] =	ssyncadd.s32 $0xFFFFC000  }
0x94: {  	[tilespmem:s16], [sflag:$0x1] =	stream.indirect.gather [hbm4b:s4+s15], $0x80, s25, s15, $0xb8;
	[tilespmem:$0x18800] =	vst v63  }
0x95: {  	_ =	swait.ge [sflag:s17], $0x4000  }
0x96: {  	[sflag:s17] =	ssyncset.done $0x0  }
0x97: {  	[sflag:s17] =	ssyncadd.s32 $0xFFFFC000  }
0x98: {  	[spmem:s2] =	stream.indirect.scatter.add.f32 [tilespmem:s16], [sflag:$0x2], $0x80, s26, s15, $0xb8;
	[tilespmem:$0x18800] =	vst v63  }
0x99: {  	_ =	swait.ge [sflag:s13], $0x4000  }
0x9a: {  	[sflag:s13] =	ssyncset.done $0x0  }
0x9b: {  	[sflag:s13] =	ssyncadd.s32 $0xFFFFC000  }
0x9c: {  	[tilespmem:s16], [sflag:$0x1] =	stream.indirect.gather [hbm4b:s4+s15], $0x80, s28, s15, $0xb8;
	[tilespmem:$0x18800] =	vst v63  }
0x9d: {  	_ =	swait.ge [sflag:s17], $0x4000  }
0x9e: {  	[sflag:s17] =	ssyncset.done $0x0  }
0x9f: {  	[sflag:s17] =	ssyncadd.s32 $0xFFFFC000  }
0xa0: {  	[spmem:s2] =	stream.indirect.scatter.add.f32 [tilespmem:s16], [sflag:$0x2], $0x80, s29, s15, $0xb8;
	[tilespmem:$0x18800] =	vst v63  }
0xa1: {  	_ =	swait.ge [sflag:s13], $0x4000  }
0xa2: {  	[sflag:s13] =	ssyncset.done $0x0  }
0xa3: {  	[sflag:s13] =	ssyncadd.s32 $0xFFFFC000  }
0xa4: {  	[tilespmem:s16], [sflag:$0x1] =	stream.indirect.gather [hbm4b:s4+s15], $0x80, s30, s15, $0xb8;
	[tilespmem:$0x18800] =	vst v63  }
0xa5: {  	_ =	swait.ge [sflag:s17], $0x4000  }
.Ltmp1:
0xa6: {  	[sflag:s17] =	ssyncset.done $0x0;
	(pc) =	sbr.rel @p0 .LBB2_2-.Ltmp1, $4  }
0xa7: {  	[sflag:s17] =	ssyncadd.s32 $0xFFFFC000  }
0xa8: {  	[spmem:s2] =	stream.indirect.scatter.add.f32 [tilespmem:s16], [sflag:$0x2], $0x80, s31, s15, $0xb8;
	[tilespmem:$0x18800] =	vst v63  }
0xa9: {  	_ =	swait.ge [sflag:s13], $0x4000  }
0xaa: {  	[sflag:s13] =	ssyncset.done $0x0  }
.LBB2_3:
0xab: {  	[sflag:s13] =	ssyncadd.s32 $0xFFFFC000;
	s1 =	sadd.s32 $0x1, s1  }
0xac: {  	[bflag:$0x0] =	sbarrier.arrive $0xFFFF;
	p0 =	sne.s32 s1, s9  }
.Ltmp2:
0xad: {  	s0 =	rddreg [dreg:$0x5];
	(pc) =	sbr.rel @p0 .LBB2_1-.Ltmp2, $4  }
0xae: {  	[hbm:s0], [sflag:s7] =	dma.local [spmem:s12], $0x2800  }
0xaf: {  	_ =	swait.ge [sflag:s13], $0x2800  }
0xb0: {  	[sflag:s13] =	ssyncset.done $0x0  }
0xb1: {  	[sflag:s13] =	ssyncadd.s32 $0xFFFFD800  }
0xb2: {  	_ =	sfence.sel $0x180000  }
0xb3: {  	[bflag:$0x0] =	sbarrier.arrive $0xFFFF  }
0xb4: {  	_ =	strace $0x90000047  }
0xb5: {  	s0 =	stileid.u32;
	[bflag:$0x2] =	sbarrier.arrive $0xFFFF  }
0xb6: {  	p0 =	sne.s32 s0, $0x0;
	s0 =	rddreg [dreg:$0x3]  }
0xb7: {  	s0 =	sadd.s32 @!p0 $0x100000, s0  }
0xb8: {  	[sflag:s0] =	ssyncadd.tile.s32 @!p0 $0x1;
	_ =	shalt  }
.Lfunc_end2:
_tile_overlayer_lowered:
.L_overlay_start_2:
0xb9: {  	(tag) =	ssettag $0x2  }
0xba: {  	s0 =	rddreg [dreg:$0x0];
	s2 =	stileid.u32  }
0xbb: {  	s1 =	rddreg [dreg:$0x1];
	p0 =	sne.s32 s2, $0x0  }
0xbc: {  	s3 =	rddreg [dreg:$0x2];
	[bflag:$0x3] =	sbarrier.arrive $0xFFFF;
	s2 =	simm.s32 @!p0 $0x1C02  }
0xbd: {  	[timem:s3], [sflag:s2] =	dma.local @!p0 [hbm:s0], s1  }
0xbe: {  	s0 =	simm.s32 @!p0 $0x2  }
0xbf: {  	_ =	swait.ge @!p0 [sflag:s0], s1  }
0xc0: {  	s1 =	ssub.s32 @!p0 $0x0, s1;
	[sflag:s0] =	ssyncset.done @!p0 $0x0  }
0xc1: {  	[sflag:s0] =	ssyncadd.s32 @!p0 s1  }
0xc2: {  	[bflag:$0x3] =	sbarrier.arrive $0xFFFF  }
0xc3: {  	_ =	shalt  }

// kernel: kernel.14.cloned.1.call-start
scs
__scs_entry_jumppad:
0x0: {  	(pc) =	sbr.rel $0x88, $3  }
0x1: {  	(tag) =	ssettag $0x0;
	lr =	simm.s32 $0x1  }
0x2: {  	[smem:$0x3F9A] =	sst lr;
	_ =	strace $0xD0000000  }
0x3: {  	_ = 	snop  }
0x4: {  	_ = 	snop  }
0x5: {  	_ = 	snop  }
0x6: {  	_ = 	snop  }
0x7: {  	_ = 	snop  }
__scs_overlays_trampoline_lowered:
0x8: {  	[smem:$0x3FA9] =	sst s0  }
0x9: {  	[smem:$0x3FAA] =	sst s1  }
0xa: {  	[smem:$0x3FAB] =	sst s2  }
0xb: {  	[smem:$0x3FAC] =	sst s3  }
0xc: {  	[smem:$0x3FAD] =	sst s4  }
0xd: {  	[smem:$0x3FAE] =	sst s5  }
0xe: {  	[smem:$0x3FAF] =	sst s6  }
0xf: {  	[smem:$0x3FB0] =	sst s7  }
0x10: {  	[smem:$0x3FB1] =	sst s8  }
0x11: {  	[smem:$0x3FB2] =	sst s9;
	s0 =	simm.s32 @!p0 $0x0  }
0x12: {  	s1 =	sld [smem:$0x3F98];
	s0 =	simm.s32 @p0 $0x1  }
0x13: {  	[smem:$0x3FB3] =	sst s0;
	s0 =	simm.s32 @!p1 $0x0  }
0x14: {  	s2 =	sld [smem:$0x3F97];
	s0 =	simm.s32 @p1 $0x1  }
0x15: {  	[smem:$0x3FB4] =	sst s0;
	s0 =	simm.s32 @!p2 $0x0  }
0x16: {  	s3 =	sld [smem:$0x3FDB];
	s0 =	simm.s32 @p2 $0x1  }
0x17: {  	s4 =	simm.s32 $0x1BF5;
	[smem:$0x3FB6] =	sst s0  }
0x18: {  	s0 =	sld [smem:$0x3F99];
	_ =	swait.ge [sflag:s4], $0x0  }
0x19: {  	s7 =	sld [smem:$0x3F9A]  }
0x1a: {  	s8 =	sadd.s32 $0xFFFFE003, lr  }
0x1b: {  	s9 =	sadd.s32 $0xFFFFFEF7, lr;
	s5 =	simm.s32 $0xFFFFFFFF;
	p2 =	slt.u32 s8, $0xFFFFF086  }
0x1c: {  	p1 =	slt.u32 s9, $0xF7A;
	s5 =	simm.s32 @!p2 $0x0  }
0x1d: {  	s5 =	simm.s32 @p1 $0x1;
	p0 =	seq.s32 s7, s2  }
0x1e: {  	s7 =	smul.u32 @!p0 $0xF7A, s2;
	p2 =	seq.s32 @!p0 s5, $0x0  }
0x1f: {  	s9 =	smul.u32 $0xF7A, s1;
	s8 =	simm.s32 @!p0 $0x1BF5;
	p2 =	por !p2, p0  }
0x20: {  	[sflag:s8] =	ssyncset.s32 @!p0 $0xFFFFF086;
	s6 =	sadd.s32 @!p0 s3, s7;
	s7 =	simm.s32 @!p0 $0x108  }
0x21: {  	s3 =	sadd.s32 s3, s9;
	s6 =	sadd.s32 @!p0 $0x88, s6;
	s7 =	simm.s32 @p2 $0x1082  }
0x22: {  	[simem:s7], [sflag:s8] =	dma.local @!p0 [hbm:s6], $0xF7A  }
0x23: {  	s9 =	sor.u32 $0xD0000000, s2;
	s6 =	simm.s32 $0x108;
	_ =	swait.ge @!p0 [sflag:s8], $0x0  }
0x24: {  	s3 =	sadd.s32 $0x88, s3;
	s6 =	simm.s32 @!p1 $0x1082;
	[sflag:s4] =	ssyncset.s32 $0xFFFFF086  }
0x25: {  	[simem:s6], [sflag:s4] =	dma.local [hbm:s3], $0xF7A  }
0x26: {  	[smem:$0x3F9A] =	sst s1;
	(tag) =	ssettag s2;
	_ =	strace s9  }
0x27: {  	s1 =	sld [smem:$0x3FAA]  }
0x28: {  	s2 =	sld [smem:$0x3FAB]  }
0x29: {  	s4 =	sld [smem:$0x3FAD]  }
0x2a: {  	p0 =	seq.s32 s5, $0x0;
	s5 =	sld [smem:$0x3FAE]  }
0x2b: {  	s6 =	sld [smem:$0x3FAF]  }
0x2c: {  	s7 =	sld [smem:$0x3FB0]  }
0x2d: {  	s3 =	simm.s32 $0x108;
	s8 =	sld [smem:$0x3FB1]  }
0x2e: {  	s3 =	simm.s32 @!p0 $0x1082;
	s9 =	sld [smem:$0x3FB2]  }
0x2f: {  	lr =	sadd.s32 s0, s3;
	s0 =	sld [smem:$0x3FA9]  }
0x30: {  	s3 =	sld [smem:$0x3FAC]  }
0x31: {  	[smem:$0x3FB5] =	sst s10  }
0x32: {  	s10 =	sld [smem:$0x3FB3];
	_ =	sdelay $0x3  }
0x33: {  	p0 =	seq.s32 s10, $0x1;
	s10 =	sld [smem:$0x3FB5];
	_ =	sdelay $0x3  }
0x34: {  	[smem:$0x3FB5] =	sst s10  }
0x35: {  	s10 =	sld [smem:$0x3FB4];
	_ =	sdelay $0x3  }
0x36: {  	p1 =	seq.s32 s10, $0x1;
	s10 =	sld [smem:$0x3FB5];
	_ =	sdelay $0x3  }
0x37: {  	[smem:$0x3FB5] =	sst s10  }
0x38: {  	s10 =	sld [smem:$0x3FB6]  }
0x39: {  	_ = 	snop;
	(pc) =	sbr.ind lr, $3  }
0x3a: {  	_ = 	snop  }
0x3b: {  	_ = 	snop  }
0x3c: {  	p2 =	seq.s32 s10, $0x1;
	s10 =	sld [smem:$0x3FB5]  }
0x3d: {  	_ =	shalt  }
0x3e: {  	_ =	shalt  }
0x3f: {  	_ =	shalt  }
0x40: {  	_ =	shalt  }
0x41: {  	_ =	shalt  }
0x42: {  	_ =	shalt  }
0x43: {  	_ =	shalt  }
0x44: {  	_ =	shalt  }
0x45: {  	_ =	shalt  }
0x46: {  	_ =	shalt  }
0x47: {  	_ =	shalt  }
0x48: {  	_ =	shalt  }
0x49: {  	_ =	shalt  }
0x4a: {  	_ =	shalt  }
0x4b: {  	_ =	shalt  }
0x4c: {  	_ =	shalt  }
0x4d: {  	_ =	shalt  }
0x4e: {  	_ =	shalt  }
0x4f: {  	_ =	shalt  }
0x50: {  	_ =	shalt  }
0x51: {  	_ =	shalt  }
0x52: {  	_ =	shalt  }
0x53: {  	_ =	shalt  }
0x54: {  	_ =	shalt  }
0x55: {  	_ =	shalt  }
0x56: {  	_ =	shalt  }
0x57: {  	_ =	shalt  }
0x58: {  	_ =	shalt  }
0x59: {  	_ =	shalt  }
0x5a: {  	_ =	shalt  }
0x5b: {  	_ =	shalt  }
0x5c: {  	_ =	shalt  }
0x5d: {  	_ =	shalt  }
0x5e: {  	_ =	shalt  }
0x5f: {  	_ =	shalt  }
0x60: {  	_ =	shalt  }
0x61: {  	_ =	shalt  }
0x62: {  	_ =	shalt  }
0x63: {  	_ =	shalt  }
0x64: {  	_ =	shalt  }
0x65: {  	_ =	shalt  }
0x66: {  	_ =	shalt  }
0x67: {  	_ =	shalt  }
0x68: {  	_ =	shalt  }
0x69: {  	_ =	shalt  }
0x6a: {  	_ =	shalt  }
0x6b: {  	_ =	shalt  }
0x6c: {  	_ =	shalt  }
0x6d: {  	_ =	shalt  }
0x6e: {  	_ =	shalt  }
0x6f: {  	_ =	shalt  }
0x70: {  	_ =	shalt  }
0x71: {  	_ =	shalt  }
0x72: {  	_ =	shalt  }
0x73: {  	_ =	shalt  }
0x74: {  	_ =	shalt  }
0x75: {  	_ =	shalt  }
0x76: {  	_ =	shalt  }
0x77: {  	_ =	shalt  }
0x78: {  	_ =	shalt  }
0x79: {  	_ =	shalt  }
0x7a: {  	_ =	shalt  }
0x7b: {  	_ =	shalt  }
0x7c: {  	_ =	shalt  }
0x7d: {  	_ =	shalt  }
0x7e: {  	_ =	shalt  }
0x7f: {  	_ =	shalt  }
0x80: {  	_ =	shalt  }
0x81: {  	_ =	shalt  }
0x82: {  	_ =	shalt  }
0x83: {  	_ =	shalt  }
0x84: {  	_ =	shalt  }
0x85: {  	_ =	shalt  }
0x86: {  	_ =	shalt  }
0x87: {  	_ =	shalt  }
.Lfunc_end0:
.L_simem_size_0:
called_computation.2_lowered:
.L_overlay_start_0:
0x88: {  	s2 =	sld [smem:$0x3FD9]  }
0x89: {  	s3 =	sld [smem:$0x3FFE];
	_ =	sdelay $0x1  }
0x8a: {  	s1 =	srdreg.scid  }
0x8b: {  	s0 =	sand.u32 $0x1, s1  }
0x8c: {  	s17 =	sshll.u32 s0, $0xA;
	s2 =	sadd.s32 s3, s2  }
0x8d: {  	s2 =	sadd.s32 s2, s17  }
0x8e: {  	[smem:$0x3FC1] =	sst s2  }
0x8f: {  	_ = 	snop  }
0x90: {  	s2 =	sld [smem:$0x3FD0];
	(tm) =	ssettm $0x1  }
0x91: {  	s18 =	sld [smem:$0x3FFB];
	_ =	sdelay $0x3  }
0x92: {  	_ =	strace s18  }
0x93: {  	s3 =	sld [smem:$0x3FFC];
	_ =	sdelay $0x3  }
0x94: {  	_ =	strace s3  }
0x95: {  	s3 =	sld [smem:$0x3FFD];
	_ =	sdelay $0x3  }
0x96: {  	_ =	strace s3  }
0x97: {  	_ =	strace $0x8FFFFFFF  }
0x98: {  	s19 =	sld [smem:$0x3FDB];
	_ =	sdelay $0x1  }
0x99: {  	s4 =	simm.s32 $_scs_section_size  }
0x9a: {  	s5 =	simm.s32 $_size__tile_overlayer_lowered;
	s6 =	simm.s32 $_tile_overlayer_lowered  }
0x9b: {  	s22 =	simm.s32 $0x1BFF;
	s21 =	sshll.u32 s6, $0x1;
	s3 =	sadd.s32 s4, s19  }
0x9c: {  	s7 =	simm.s32 $0x0;
	s20 =	sshll.u32 s5, $0x1;
	s5 =	sadd.s32 s21, s3  }
0x9d: {  	[timem:s7], [sflag:s22] =	dma.local [hbm:s5], s20  }
0x9e: {  	_ =	swait.ge [sflag:s22], s20  }
0x9f: {  	s4 =	ssub.s32 $0x0, s20;
	[sflag:s22] =	ssyncset.done $0x0  }
0xa0: {  	[sflag:s22] =	ssyncadd.s32 s4;
	_ =	sdelay $0x1  }
0xa1: {  	s23 =	simm.s32 $0x1B8B  }
0xa2: {  	_ =	swait.ge [sflag:s23], $0x1  }
0xa3: {  	[sflag:s23] =	ssyncset.done $0x0  }
0xa4: {  	s25 =	simm.s32 $0x1B8E;
	s24 =	sld [smem:$0x3FFE];
	[sflag:s23] =	ssyncadd.s32 $0xFFFFFFFF  }
0xa5: {  	s26 =	simm.s32 $execute0_lowered;
	[smem:$0x3FD2] =	sst s25  }
0xa6: {  	s5 =	sshll.u32 s26, $0x1;
	_ =	strace $0x8000004C;
	[dreg:$0x1] =	wrdreg $0xFFFFFFFF  }
0xa7: {  	s28 =	simm.s32 $_size_execute0_lowered;
	s3 =	sadd.s32 s3, s5;
	[dreg:$0x0] =	wrdreg $0x0  }
0xa8: {  	s5 =	sshll.u32 s28, $0x1;
	[dreg:$0x2] =	wrdreg s3  }
0xa9: {  	[dreg:$0x3] =	wrdreg s5  }
0xaa: {  	[dreg:$0x4] =	wrdreg $0xC0  }
0xab: {  	_ =	task [dreg:s7], $0x5FFFF  }
0xac: {  	[dreg:$0x1] =	wrdreg $0xFFFFFFFF  }
0xad: {  	[dreg:$0x0] =	wrdreg $0x60  }
0xae: {  	[dreg:$0x2] =	wrdreg s2  }
0xaf: {  	[dreg:$0x3] =	wrdreg s24  }
0xb0: {  	[dreg:$0x4] =	wrdreg $0x48000  }
0xb1: {  	[dreg:$0x5] =	wrdreg $0x9  }
0xb2: {  	_ =	task.clear_ibuf [dreg:s7], $0x6FFFF;
	_ =	strace $0x9000004C  }
0xb3: {  	s29 =	simm.s32 $0x9;
	_ =	strace $0x8000004E  }
0xb4: {  	_ =	swait.ge [sflag:s29], $0x1  }
0xb5: {  	[sflag:s29] =	ssyncadd.s32 $0xFFFFFFFF  }
0xb6: {  	_ =	strace $0x9000004E  }
0xb7: {  	_ =	sfence  }
0xb8: {  	s30 =	sld [smem:$0x0];
	_ =	sdelay $0x2  }
0xb9: {  	s31 =	sshll.u32 s1, $0xD;
	s1 =	sshrl.u32 s1, $0x2  }
0xba: {  	s3 =	sand.u32 $0x4000, s31;
	s1 =	sadd.s32 s1, s30  }
0xbb: {  	s0 =	sor.u32 s3, s0;
	s1 =	sshll.u32 s1, $0x11  }
0xbc: {  	s0 =	sor.u32 s1, s0  }
0xbd: {  	s0 =	sadd.s32 $0x8F2B, s0  }
0xbe: {  	[sflag:s0] =	ssyncadd.remote.s32 $0x1  }
0xbf: {  	_ =	sfence.sel $0xFFFF  }
0xc0: {  	[dreg:$0x0] =	wrdreg $0xFFFFFFFF;
	(pc) =	sbr.abs _section_cstart, $3  }
0xc1: {  	[dreg:$0x1] =	wrdreg $0xFFFFFFFF  }
0xc2: {  	_ =	task.clear_ibuf [dreg:s7], $0x2FFFF;
	_ =	strace $0x9FFFFFFF  }
0xc3: {  	(tm) =	ssettm $0x7FFFFFFF  }
tec
execute0_lowered:
.L_overlay_start_1:
0x0: {  	(tag) =	ssettag $0x1  }
0x1: {  	s0 =	rddreg [dreg:$0x0]  }
0x2: {  	s1 =	srdreg.scid;
	s5 =	rddreg [dreg:$0x1]  }
0x3: {  	s12 =	stileid.u32;
	s2 =	rddreg [dreg:$0x2];
	s3 =	simm.s32 $0x0  }
0x4: {  	s13 =	simm.s32 $0x2;
	s14 =	simm.s32 $0x400;
	s15 =	simm.s32 $0x80  }
0x5: {  	s16 =	simm.s32 $0x800;
	s17 =	simm.s32 $0x1;
	s18 =	simm.s32 $0x480  }
0x6: {  	s19 =	simm.s32 $0x100;
	s20 =	simm.s32 $0x500;
	s4 =	smul.u32 $0x7000, s12  }
0x7: {  	s28 =	simm.s32 $0x300;
	s29 =	simm.s32 $0x700;
	s21 =	smul.u32 $0x14000, s12  }
0x8: {  	s30 =	simm.s32 $0x380;
	s1 =	sand.u32 $0x1, s1;
	s11 =	smul.u32 $0x50000, s12  }
0x9: {  	s31 =	simm.s32 $0x780;
	[smem:$0x7FF] =	sst s3;
	s6 =	smul.u32 $0x3800, s1  }
0xa: {  	s26 =	sshll.u32 s12, $0x6;
	s7 =	smul.u32 $0x140000, s1;
	_ =	strace $0x8000004D  }
0xb: {  	s23 =	ssub.s32 $0x2, s1;
	p0 =	seq.s32 s1, $0x0;
	s9 =	sshrl.u32 s21, $0x3  }
0xc: {  	s24 =	sshrl.u32 s23, $0x1;
	s25 =	sshrl.u32 s11, $0x2;
	s4 =	sadd.s32 s6, s4  }
0xd: {  	s6 =	sadd.s32 s21, s7;
	s22 =	sadd.s32 s9, s5;
	s9 =	ssub.s32 s23, s24  }
0xe: {  	s1 =	sadd.s32 s25, s2;
	s21 =	simm.s32 $0x180;
	s23 =	simm.s32 $0x200  }
0xf: {  	s24 =	simm.s32 $0x600;
	s25 =	simm.s32 $0x280;
	s8 =	sshrl.u32 s4, $0x3  }
0x10: {  	s4 =	sadd.s32 $0x11000, s5;
	s6 =	sshrl.u32 s6, $0x3;
	s7 =	sadd.s32 $0x39000, s22  }
0x11: {  	s9 =	smax.u32 s9, $0x1;
	s12 =	sshrl.u32 s1, $0x3;
	s22 =	simm.s32 $0x580  }
0x12: {  	s1 =	simm.s32 $0x0;
	s10 =	sadd.s32 s8, s5;
	s6 =	sadd.s32 s6, s5  }
0x13: {  	s5 =	simm.s32 $0xE;
	[dreg:$0x4] =	wrdreg s7;
	s7 =	sor.u32 $0x1C02, s26  }
0x14: {  	s8 =	sadd.s32 s8, s0;
	s26 =	simm.s32 $0x680;
	s6 =	sadd.s32 $0xB1000, s6  }
0x15: {  	s5 =	simm.s32 @!p0 $0x6;
	[dreg:$0x5] =	wrdreg s6;
	s6 =	sadd.s32 $0x3000, s10  }
.LBB2_1:
0x16: {  	s0 =	rddreg [dreg:$0x4]  }
0x17: {  	[spmem:s12], [sflag:s7] =	dma.local [hbm:s0], $0x2800  }
0x18: {  	_ =	swait.ge [sflag:s13], $0x2800  }
0x19: {  	[sflag:s13] =	ssyncset.done $0x0  }
0x1a: {  	[sflag:s13] =	ssyncadd.s32 $0xFFFFD800  }
0x1b: {  	[bflag:$0x0] =	sbarrier.arrive $0xFFFF  }
0x1c: {  	[tilespmem:s3], [sflag:$0x2] =	stream.linear.gather [hbm4b:s8+s3], $0x400, $0x38;
	[tilespmem:$0x18800] =	vst v63  }
0x1d: {  	_ =	swait.ge [sflag:s13], $0x400  }
0x1e: {  	[sflag:s13] =	ssyncset.done $0x0  }
0x1f: {  	[sflag:s13] =	ssyncadd.s32 $0xFFFFFC00  }
0x20: {  	[tilespmem:s14], [sflag:$0x2] =	stream.linear.gather [hbm4b:s6+s3], $0x400, $0x38;
	[tilespmem:$0x18800] =	vst v63  }
0x21: {  	_ =	swait.ge [sflag:s13], $0x400  }
0x22: {  	[sflag:s13] =	ssyncset.done $0x0  }
0x23: {  	[sflag:s13] =	ssyncadd.s32 $0xFFFFFC00  }
0x24: {  	[tilespmem:s16], [sflag:$0x1] =	stream.indirect.gather [hbm4b:s4+s15], $0x80, s3, s15, $0xb8;
	[tilespmem:$0x18800] =	vst v63  }
0x25: {  	_ =	swait.ge [sflag:s17], $0x4000  }
0x26: {  	[sflag:s17] =	ssyncset.done $0x0  }
0x27: {  	[sflag:s17] =	ssyncadd.s32 $0xFFFFC000  }
0x28: {  	[spmem:s2] =	stream.indirect.scatter.add.f32 [tilespmem:s16], [sflag:$0x2], $0x80, s14, s15, $0xb8;
	[tilespmem:$0x18800] =	vst v63  }
0x29: {  	_ =	swait.ge [sflag:s13], $0x4000  }
0x2a: {  	[sflag:s13] =	ssyncset.done $0x0  }
0x2b: {  	[sflag:s13] =	ssyncadd.s32 $0xFFFFC000  }
0x2c: {  	[tilespmem:s16], [sflag:$0x1] =	stream.indirect.gather [hbm4b:s4+s15], $0x80, s15, s15, $0xb8;
	[tilespmem:$0x18800] =	vst v63  }
0x2d: {  	_ =	swait.ge [sflag:s17], $0x4000  }
0x2e: {  	[sflag:s17] =	ssyncset.done $0x0  }
0x2f: {  	[sflag:s17] =	ssyncadd.s32 $0xFFFFC000  }
0x30: {  	[spmem:s2] =	stream.indirect.scatter.add.f32 [tilespmem:s16], [sflag:$0x2], $0x80, s18, s15, $0xb8;
	[tilespmem:$0x18800] =	vst v63  }
0x31: {  	_ =	swait.ge [sflag:s13], $0x4000  }
0x32: {  	[sflag:s13] =	ssyncset.done $0x0  }
0x33: {  	[sflag:s13] =	ssyncadd.s32 $0xFFFFC000  }
0x34: {  	[tilespmem:s16], [sflag:$0x1] =	stream.indirect.gather [hbm4b:s4+s15], $0x80, s19, s15, $0xb8;
	[tilespmem:$0x18800] =	vst v63  }
0x35: {  	_ =	swait.ge [sflag:s17], $0x4000  }
0x36: {  	[sflag:s17] =	ssyncset.done $0x0  }
0x37: {  	[sflag:s17] =	ssyncadd.s32 $0xFFFFC000  }
0x38: {  	[spmem:s2] =	stream.indirect.scatter.add.f32 [tilespmem:s16], [sflag:$0x2], $0x80, s20, s15, $0xb8;
	[tilespmem:$0x18800] =	vst v63  }
0x39: {  	_ =	swait.ge [sflag:s13], $0x4000  }
0x3a: {  	[sflag:s13] =	ssyncset.done $0x0  }
0x3b: {  	[sflag:s13] =	ssyncadd.s32 $0xFFFFC000  }
0x3c: {  	[tilespmem:s16], [sflag:$0x1] =	stream.indirect.gather [hbm4b:s4+s15], $0x80, s21, s15, $0xb8;
	[tilespmem:$0x18800] =	vst v63  }
0x3d: {  	_ =	swait.ge [sflag:s17], $0x4000  }
0x3e: {  	[sflag:s17] =	ssyncset.done $0x0  }
0x3f: {  	[sflag:s17] =	ssyncadd.s32 $0xFFFFC000  }
0x40: {  	[spmem:s2] =	stream.indirect.scatter.add.f32 [tilespmem:s16], [sflag:$0x2], $0x80, s22, s15, $0xb8;
	[tilespmem:$0x18800] =	vst v63  }
0x41: {  	_ =	swait.ge [sflag:s13], $0x4000  }
0x42: {  	[sflag:s13] =	ssyncset.done $0x0  }
0x43: {  	[sflag:s13] =	ssyncadd.s32 $0xFFFFC000  }
0x44: {  	[tilespmem:s16], [sflag:$0x1] =	stream.indirect.gather [hbm4b:s4+s15], $0x80, s23, s15, $0xb8;
	[tilespmem:$0x18800] =	vst v63  }
0x45: {  	_ =	swait.ge [sflag:s17], $0x4000  }
0x46: {  	[sflag:s17] =	ssyncset.done $0x0  }
0x47: {  	[sflag:s17] =	ssyncadd.s32 $0xFFFFC000  }
0x48: {  	[spmem:s2] =	stream.indirect.scatter.add.f32 [tilespmem:s16], [sflag:$0x2], $0x80, s24, s15, $0xb8;
	[tilespmem:$0x18800] =	vst v63  }
0x49: {  	_ =	swait.ge [sflag:s13], $0x4000  }
0x4a: {  	[sflag:s13] =	ssyncset.done $0x0  }
0x4b: {  	[sflag:s13] =	ssyncadd.s32 $0xFFFFC000  }
0x4c: {  	[tilespmem:s16], [sflag:$0x1] =	stream.indirect.gather [hbm4b:s4+s15], $0x80, s25, s15, $0xb8;
	[tilespmem:$0x18800] =	vst v63  }
0x4d: {  	_ =	swait.ge [sflag:s17], $0x4000  }
0x4e: {  	[sflag:s17] =	ssyncset.done $0x0  }
0x4f: {  	[sflag:s17] =	ssyncadd.s32 $0xFFFFC000  }
0x50: {  	[spmem:s2] =	stream.indirect.scatter.add.f32 [tilespmem:s16], [sflag:$0x2], $0x80, s26, s15, $0xb8;
	[tilespmem:$0x18800] =	vst v63  }
0x51: {  	_ =	swait.ge [sflag:s13], $0x4000  }
0x52: {  	[sflag:s13] =	ssyncset.done $0x0  }
0x53: {  	[sflag:s13] =	ssyncadd.s32 $0xFFFFC000  }
0x54: {  	[tilespmem:s16], [sflag:$0x1] =	stream.indirect.gather [hbm4b:s4+s15], $0x80, s28, s15, $0xb8;
	[tilespmem:$0x18800] =	vst v63  }
0x55: {  	_ =	swait.ge [sflag:s17], $0x4000  }
0x56: {  	[sflag:s17] =	ssyncset.done $0x0  }
0x57: {  	[sflag:s17] =	ssyncadd.s32 $0xFFFFC000  }
0x58: {  	[spmem:s2] =	stream.indirect.scatter.add.f32 [tilespmem:s16], [sflag:$0x2], $0x80, s29, s15, $0xb8;
	[tilespmem:$0x18800] =	vst v63  }
0x59: {  	_ =	swait.ge [sflag:s13], $0x4000  }
0x5a: {  	[sflag:s13] =	ssyncset.done $0x0  }
0x5b: {  	[sflag:s13] =	ssyncadd.s32 $0xFFFFC000  }
0x5c: {  	[tilespmem:s16], [sflag:$0x1] =	stream.indirect.gather [hbm4b:s4+s15], $0x80, s30, s15, $0xb8;
	[tilespmem:$0x18800] =	vst v63  }
0x5d: {  	p0 =	sne.s32 s5, $0x1;
	_ =	swait.ge [sflag:s17], $0x4000  }
.Ltmp0:
0x5e: {  	[sflag:s17] =	ssyncset.done $0x0;
	(pc) =	sbr.rel @!p0 .LBB2_3-.Ltmp0, $4  }
0x5f: {  	[sflag:s17] =	ssyncadd.s32 $0xFFFFC000  }
0x60: {  	[spmem:s2] =	stream.indirect.scatter.add.f32 [tilespmem:s16], [sflag:$0x2], $0x80, s31, s15, $0xb8;
	[tilespmem:$0x18800] =	vst v63  }
0x61: {  	s10 =	smov.u32 s6;
	_ =	swait.ge [sflag:s13], $0x4000  }
0x62: {  	s11 =	smov.u32 s8;
	s0 =	sadd.s32 $0xFFFFFFFF, s5;
	[sflag:s13] =	ssyncset.done $0x0  }
.LBB2_2:
0x63: {  	[sflag:s13] =	ssyncadd.s32 $0xFFFFC000;
	s10 =	sadd.s32 $0x80, s10;
	s11 =	sadd.s32 $0x80, s11  }
0x64: {  	[tilespmem:s3], [sflag:$0x2] =	stream.linear.gather [hbm4b:s11+s3], $0x400, $0x38;
	[tilespmem:$0x18800] =	vst v63  }
0x65: {  	p0 =	sne.s32 s0, $0x1;
	s0 =	sadd.s32 $0xFFFFFFFF, s0;
	_ =	swait.ge [sflag:s13], $0x400  }
0x66: {  	[sflag:s13] =	ssyncset.done $0x0  }
0x67: {  	[sflag:s13] =	ssyncadd.s32 $0xFFFFFC00  }
0x68: {  	[tilespmem:s14], [sflag:$0x2] =	stream.linear.gather [hbm4b:s10+s3], $0x400, $0x38;
	[tilespmem:$0x18800] =	vst v63  }
0x69: {  	_ =	swait.ge [sflag:s13], $0x400  }
0x6a: {  	[sflag:s13] =	ssyncset.done $0x0  }
0x6b: {  	[sflag:s13] =	ssyncadd.s32 $0xFFFFFC00  }
0x6c: {  	[tilespmem:s16], [sflag:$0x1] =	stream.indirect.gather [hbm4b:s4+s15], $0x80, s3, s15, $0xb8;
	[tilespmem:$0x18800] =	vst v63  }
0x6d: {  	_ =	swait.ge [sflag:s17], $0x4000  }
0x6e: {  	[sflag:s17] =	ssyncset.done $0x0  }
0x6f: {  	[sflag:s17] =	ssyncadd.s32 $0xFFFFC000  }
0x70: {  	[spmem:s2] =	stream.indirect.scatter.add.f32 [tilespmem:s16], [sflag:$0x2], $0x80, s14, s15, $0xb8;
	[tilespmem:$0x18800] =	vst v63  }
0x71: {  	_ =	swait.ge [sflag:s13], $0x4000  }
0x72: {  	[sflag:s13] =	ssyncset.done $0x0  }
0x73: {  	[sflag:s13] =	ssyncadd.s32 $0xFFFFC000  }
0x74: {  	[tilespmem:s16], [sflag:$0x1] =	stream.indirect.gather [hbm4b:s4+s15], $0x80, s15, s15, $0xb8;
	[tilespmem:$0x18800] =	vst v63  }
0x75: {  	_ =	swait.ge [sflag:s17], $0x4000  }
0x76: {  	[sflag:s17] =	ssyncset.done $0x0  }
0x77: {  	[sflag:s17] =	ssyncadd.s32 $0xFFFFC000  }
0x78: {  	[spmem:s2] =	stream.indirect.scatter.add.f32 [tilespmem:s16], [sflag:$0x2], $0x80, s18, s15, $0xb8;
	[tilespmem:$0x18800] =	vst v63  }
0x79: {  	_ =	swait.ge [sflag:s13], $0x4000  }
0x7a: {  	[sflag:s13] =	ssyncset.done $0x0  }
0x7b: {  	[sflag:s13] =	ssyncadd.s32 $0xFFFFC000  }
0x7c: {  	[tilespmem:s16], [sflag:$0x1] =	stream.indirect.gather [hbm4b:s4+s15], $0x80, s19, s15, $0xb8;
	[tilespmem:$0x18800] =	vst v63  }
0x7d: {  	_ =	swait.ge [sflag:s17], $0x4000  }
0x7e: {  	[sflag:s17] =	ssyncset.done $0x0  }
0x7f: {  	[sflag:s17] =	ssyncadd.s32 $0xFFFFC000  }
0x80: {  	[spmem:s2] =	stream.indirect.scatter.add.f32 [tilespmem:s16], [sflag:$0x2], $0x80, s20, s15, $0xb8;
	[tilespmem:$0x18800] =	vst v63  }
0x81: {  	_ =	swait.ge [sflag:s13], $0x4000  }
0x82: {  	[sflag:s13] =	ssyncset.done $0x0  }
0x83: {  	[sflag:s13] =	ssyncadd.s32 $0xFFFFC000  }
0x84: {  	[tilespmem:s16], [sflag:$0x1] =	stream.indirect.gather [hbm4b:s4+s15], $0x80, s21, s15, $0xb8;
	[tilespmem:$0x18800] =	vst v63  }
0x85: {  	_ =	swait.ge [sflag:s17], $0x4000  }
0x86: {  	[sflag:s17] =	ssyncset.done $0x0  }
0x87: {  	[sflag:s17] =	ssyncadd.s32 $0xFFFFC000  }
0x88: {  	[spmem:s2] =	stream.indirect.scatter.add.f32 [tilespmem:s16], [sflag:$0x2], $0x80, s22, s15, $0xb8;
	[tilespmem:$0x18800] =	vst v63  }
0x89: {  	_ =	swait.ge [sflag:s13], $0x4000  }
0x8a: {  	[sflag:s13] =	ssyncset.done $0x0  }
0x8b: {  	[sflag:s13] =	ssyncadd.s32 $0xFFFFC000  }
0x8c: {  	[tilespmem:s16], [sflag:$0x1] =	stream.indirect.gather [hbm4b:s4+s15], $0x80, s23, s15, $0xb8;
	[tilespmem:$0x18800] =	vst v63  }
0x8d: {  	_ =	swait.ge [sflag:s17], $0x4000  }
0x8e: {  	[sflag:s17] =	ssyncset.done $0x0  }
0x8f: {  	[sflag:s17] =	ssyncadd.s32 $0xFFFFC000  }
0x90: {  	[spmem:s2] =	stream.indirect.scatter.add.f32 [tilespmem:s16], [sflag:$0x2], $0x80, s24, s15, $0xb8;
	[tilespmem:$0x18800] =	vst v63  }
0x91: {  	_ =	swait.ge [sflag:s13], $0x4000  }
0x92: {  	[sflag:s13] =	ssyncset.done $0x0  }
0x93: {  	[sflag:s13] =	ssyncadd.s32 $0xFFFFC000  }
0x94: {  	[tilespmem:s16], [sflag:$0x1] =	stream.indirect.gather [hbm4b:s4+s15], $0x80, s25, s15, $0xb8;
	[tilespmem:$0x18800] =	vst v63  }
0x95: {  	_ =	swait.ge [sflag:s17], $0x4000  }
0x96: {  	[sflag:s17] =	ssyncset.done $0x0  }
0x97: {  	[sflag:s17] =	ssyncadd.s32 $0xFFFFC000  }
0x98: {  	[spmem:s2] =	stream.indirect.scatter.add.f32 [tilespmem:s16], [sflag:$0x2], $0x80, s26, s15, $0xb8;
	[tilespmem:$0x18800] =	vst v63  }
0x99: {  	_ =	swait.ge [sflag:s13], $0x4000  }
0x9a: {  	[sflag:s13] =	ssyncset.done $0x0  }
0x9b: {  	[sflag:s13] =	ssyncadd.s32 $0xFFFFC000  }
0x9c: {  	[tilespmem:s16], [sflag:$0x1] =	stream.indirect.gather [hbm4b:s4+s15], $0x80, s28, s15, $0xb8;
	[tilespmem:$0x18800] =	vst v63  }
0x9d: {  	_ =	swait.ge [sflag:s17], $0x4000  }
0x9e: {  	[sflag:s17] =	ssyncset.done $0x0  }
0x9f: {  	[sflag:s17] =	ssyncadd.s32 $0xFFFFC000  }
0xa0: {  	[spmem:s2] =	stream.indirect.scatter.add.f32 [tilespmem:s16], [sflag:$0x2], $0x80, s29, s15, $0xb8;
	[tilespmem:$0x18800] =	vst v63  }
0xa1: {  	_ =	swait.ge [sflag:s13], $0x4000  }
0xa2: {  	[sflag:s13] =	ssyncset.done $0x0  }
0xa3: {  	[sflag:s13] =	ssyncadd.s32 $0xFFFFC000  }
0xa4: {  	[tilespmem:s16], [sflag:$0x1] =	stream.indirect.gather [hbm4b:s4+s15], $0x80, s30, s15, $0xb8;
	[tilespmem:$0x18800] =	vst v63  }
0xa5: {  	_ =	swait.ge [sflag:s17], $0x4000  }
.Ltmp1:
0xa6: {  	[sflag:s17] =	ssyncset.done $0x0;
	(pc) =	sbr.rel @p0 .LBB2_2-.Ltmp1, $4  }
0xa7: {  	[sflag:s17] =	ssyncadd.s32 $0xFFFFC000  }
0xa8: {  	[spmem:s2] =	stream.indirect.scatter.add.f32 [tilespmem:s16], [sflag:$0x2], $0x80, s31, s15, $0xb8;
	[tilespmem:$0x18800] =	vst v63  }
0xa9: {  	_ =	swait.ge [sflag:s13], $0x4000  }
0xaa: {  	[sflag:s13] =	ssyncset.done $0x0  }
.LBB2_3:
0xab: {  	[sflag:s13] =	ssyncadd.s32 $0xFFFFC000;
	s1 =	sadd.s32 $0x1, s1  }
0xac: {  	[bflag:$0x0] =	sbarrier.arrive $0xFFFF;
	p0 =	sne.s32 s1, s9  }
.Ltmp2:
0xad: {  	s0 =	rddreg [dreg:$0x5];
	(pc) =	sbr.rel @p0 .LBB2_1-.Ltmp2, $4  }
0xae: {  	[hbm:s0], [sflag:s7] =	dma.local [spmem:s12], $0x2800  }
0xaf: {  	_ =	swait.ge [sflag:s13], $0x2800  }
0xb0: {  	[sflag:s13] =	ssyncset.done $0x0  }
0xb1: {  	[sflag:s13] =	ssyncadd.s32 $0xFFFFD800  }
0xb2: {  	_ =	sfence.sel $0x180000  }
0xb3: {  	[bflag:$0x0] =	sbarrier.arrive $0xFFFF  }
0xb4: {  	_ =	strace $0x9000004D  }
0xb5: {  	s0 =	stileid.u32;
	[bflag:$0x2] =	sbarrier.arrive $0xFFFF  }
0xb6: {  	p0 =	sne.s32 s0, $0x0;
	s0 =	rddreg [dreg:$0x3]  }
0xb7: {  	s0 =	sadd.s32 @!p0 $0x100000, s0  }
0xb8: {  	[sflag:s0] =	ssyncadd.tile.s32 @!p0 $0x1;
	_ =	shalt  }
.Lfunc_end2:
_tile_overlayer_lowered:
.L_overlay_start_2:
0xb9: {  	(tag) =	ssettag $0x2  }
0xba: {  	s0 =	rddreg [dreg:$0x0];
	s2 =	stileid.u32  }
0xbb: {  	s1 =	rddreg [dreg:$0x1];
	p0 =	sne.s32 s2, $0x0  }
0xbc: {  	s3 =	rddreg [dreg:$0x2];
	[bflag:$0x3] =	sbarrier.arrive $0xFFFF;
	s2 =	simm.s32 @!p0 $0x1C02  }
0xbd: {  	[timem:s3], [sflag:s2] =	dma.local @!p0 [hbm:s0], s1  }
0xbe: {  	s0 =	simm.s32 @!p0 $0x2  }
0xbf: {  	_ =	swait.ge @!p0 [sflag:s0], s1  }
0xc0: {  	s1 =	ssub.s32 @!p0 $0x0, s1;
	[sflag:s0] =	ssyncset.done @!p0 $0x0  }
0xc1: {  	[sflag:s0] =	ssyncadd.s32 @!p0 s1  }
0xc2: {  	[bflag:$0x3] =	sbarrier.arrive $0xFFFF  }
0xc3: {  	_ =	shalt  }

// kernel: kernel.8.cloned.1.call-start
scs
__scs_entry_jumppad:
0x0: {  	(pc) =	sbr.rel $0x88, $3  }
0x1: {  	(tag) =	ssettag $0x0;
	lr =	simm.s32 $0x1  }
0x2: {  	[smem:$0x3F9A] =	sst lr;
	_ =	strace $0xD0000000  }
0x3: {  	_ = 	snop  }
0x4: {  	_ = 	snop  }
0x5: {  	_ = 	snop  }
0x6: {  	_ = 	snop  }
0x7: {  	_ = 	snop  }
__scs_overlays_trampoline_lowered:
0x8: {  	[smem:$0x3FA9] =	sst s0  }
0x9: {  	[smem:$0x3FAA] =	sst s1  }
0xa: {  	[smem:$0x3FAB] =	sst s2  }
0xb: {  	[smem:$0x3FAC] =	sst s3  }
0xc: {  	[smem:$0x3FAD] =	sst s4  }
0xd: {  	[smem:$0x3FAE] =	sst s5  }
0xe: {  	[smem:$0x3FAF] =	sst s6  }
0xf: {  	[smem:$0x3FB0] =	sst s7  }
0x10: {  	[smem:$0x3FB1] =	sst s8  }
0x11: {  	[smem:$0x3FB2] =	sst s9;
	s0 =	simm.s32 @!p0 $0x0  }
0x12: {  	s1 =	sld [smem:$0x3F98];
	s0 =	simm.s32 @p0 $0x1  }
0x13: {  	[smem:$0x3FB3] =	sst s0;
	s0 =	simm.s32 @!p1 $0x0  }
0x14: {  	s2 =	sld [smem:$0x3F97];
	s0 =	simm.s32 @p1 $0x1  }
0x15: {  	[smem:$0x3FB4] =	sst s0;
	s0 =	simm.s32 @!p2 $0x0  }
0x16: {  	s3 =	sld [smem:$0x3FDB];
	s0 =	simm.s32 @p2 $0x1  }
0x17: {  	s4 =	simm.s32 $0x1BF5;
	[smem:$0x3FB6] =	sst s0  }
0x18: {  	s0 =	sld [smem:$0x3F99];
	_ =	swait.ge [sflag:s4], $0x0  }
0x19: {  	s7 =	sld [smem:$0x3F9A]  }
0x1a: {  	s8 =	sadd.s32 $0xFFFFE003, lr  }
0x1b: {  	s9 =	sadd.s32 $0xFFFFFEF7, lr;
	s5 =	simm.s32 $0xFFFFFFFF;
	p2 =	slt.u32 s8, $0xFFFFF086  }
0x1c: {  	p1 =	slt.u32 s9, $0xF7A;
	s5 =	simm.s32 @!p2 $0x0  }
0x1d: {  	s5 =	simm.s32 @p1 $0x1;
	p0 =	seq.s32 s7, s2  }
0x1e: {  	s7 =	smul.u32 @!p0 $0xF7A, s2;
	p2 =	seq.s32 @!p0 s5, $0x0  }
0x1f: {  	s9 =	smul.u32 $0xF7A, s1;
	s8 =	simm.s32 @!p0 $0x1BF5;
	p2 =	por !p2, p0  }
0x20: {  	[sflag:s8] =	ssyncset.s32 @!p0 $0xFFFFF086;
	s6 =	sadd.s32 @!p0 s3, s7;
	s7 =	simm.s32 @!p0 $0x108  }
0x21: {  	s3 =	sadd.s32 s3, s9;
	s6 =	sadd.s32 @!p0 $0x88, s6;
	s7 =	simm.s32 @p2 $0x1082  }
0x22: {  	[simem:s7], [sflag:s8] =	dma.local @!p0 [hbm:s6], $0xF7A  }
0x23: {  	s9 =	sor.u32 $0xD0000000, s2;
	s6 =	simm.s32 $0x108;
	_ =	swait.ge @!p0 [sflag:s8], $0x0  }
0x24: {  	s3 =	sadd.s32 $0x88, s3;
	s6 =	simm.s32 @!p1 $0x1082;
	[sflag:s4] =	ssyncset.s32 $0xFFFFF086  }
0x25: {  	[simem:s6], [sflag:s4] =	dma.local [hbm:s3], $0xF7A  }
0x26: {  	[smem:$0x3F9A] =	sst s1;
	(tag) =	ssettag s2;
	_ =	strace s9  }
0x27: {  	s1 =	sld [smem:$0x3FAA]  }
0x28: {  	s2 =	sld [smem:$0x3FAB]  }
0x29: {  	s4 =	sld [smem:$0x3FAD]  }
0x2a: {  	p0 =	seq.s32 s5, $0x0;
	s5 =	sld [smem:$0x3FAE]  }
0x2b: {  	s6 =	sld [smem:$0x3FAF]  }
0x2c: {  	s7 =	sld [smem:$0x3FB0]  }
0x2d: {  	s3 =	simm.s32 $0x108;
	s8 =	sld [smem:$0x3FB1]  }
0x2e: {  	s3 =	simm.s32 @!p0 $0x1082;
	s9 =	sld [smem:$0x3FB2]  }
0x2f: {  	lr =	sadd.s32 s0, s3;
	s0 =	sld [smem:$0x3FA9]  }
0x30: {  	s3 =	sld [smem:$0x3FAC]  }
0x31: {  	[smem:$0x3FB5] =	sst s10  }
0x32: {  	s10 =	sld [smem:$0x3FB3];
	_ =	sdelay $0x3  }
0x33: {  	p0 =	seq.s32 s10, $0x1;
	s10 =	sld [smem:$0x3FB5];
	_ =	sdelay $0x3  }
0x34: {  	[smem:$0x3FB5] =	sst s10  }
0x35: {  	s10 =	sld [smem:$0x3FB4];
	_ =	sdelay $0x3  }
0x36: {  	p1 =	seq.s32 s10, $0x1;
	s10 =	sld [smem:$0x3FB5];
	_ =	sdelay $0x3  }
0x37: {  	[smem:$0x3FB5] =	sst s10  }
0x38: {  	s10 =	sld [smem:$0x3FB6]  }
0x39: {  	_ = 	snop;
	(pc) =	sbr.ind lr, $3  }
0x3a: {  	_ = 	snop  }
0x3b: {  	_ = 	snop  }
0x3c: {  	p2 =	seq.s32 s10, $0x1;
	s10 =	sld [smem:$0x3FB5]  }
0x3d: {  	_ =	shalt  }
0x3e: {  	_ =	shalt  }
0x3f: {  	_ =	shalt  }
0x40: {  	_ =	shalt  }
0x41: {  	_ =	shalt  }
0x42: {  	_ =	shalt  }
0x43: {  	_ =	shalt  }
0x44: {  	_ =	shalt  }
0x45: {  	_ =	shalt  }
0x46: {  	_ =	shalt  }
0x47: {  	_ =	shalt  }
0x48: {  	_ =	shalt  }
0x49: {  	_ =	shalt  }
0x4a: {  	_ =	shalt  }
0x4b: {  	_ =	shalt  }
0x4c: {  	_ =	shalt  }
0x4d: {  	_ =	shalt  }
0x4e: {  	_ =	shalt  }
0x4f: {  	_ =	shalt  }
0x50: {  	_ =	shalt  }
0x51: {  	_ =	shalt  }
0x52: {  	_ =	shalt  }
0x53: {  	_ =	shalt  }
0x54: {  	_ =	shalt  }
0x55: {  	_ =	shalt  }
0x56: {  	_ =	shalt  }
0x57: {  	_ =	shalt  }
0x58: {  	_ =	shalt  }
0x59: {  	_ =	shalt  }
0x5a: {  	_ =	shalt  }
0x5b: {  	_ =	shalt  }
0x5c: {  	_ =	shalt  }
0x5d: {  	_ =	shalt  }
0x5e: {  	_ =	shalt  }
0x5f: {  	_ =	shalt  }
0x60: {  	_ =	shalt  }
0x61: {  	_ =	shalt  }
0x62: {  	_ =	shalt  }
0x63: {  	_ =	shalt  }
0x64: {  	_ =	shalt  }
0x65: {  	_ =	shalt  }
0x66: {  	_ =	shalt  }
0x67: {  	_ =	shalt  }
0x68: {  	_ =	shalt  }
0x69: {  	_ =	shalt  }
0x6a: {  	_ =	shalt  }
0x6b: {  	_ =	shalt  }
0x6c: {  	_ =	shalt  }
0x6d: {  	_ =	shalt  }
0x6e: {  	_ =	shalt  }
0x6f: {  	_ =	shalt  }
0x70: {  	_ =	shalt  }
0x71: {  	_ =	shalt  }
0x72: {  	_ =	shalt  }
0x73: {  	_ =	shalt  }
0x74: {  	_ =	shalt  }
0x75: {  	_ =	shalt  }
0x76: {  	_ =	shalt  }
0x77: {  	_ =	shalt  }
0x78: {  	_ =	shalt  }
0x79: {  	_ =	shalt  }
0x7a: {  	_ =	shalt  }
0x7b: {  	_ =	shalt  }
0x7c: {  	_ =	shalt  }
0x7d: {  	_ =	shalt  }
0x7e: {  	_ =	shalt  }
0x7f: {  	_ =	shalt  }
0x80: {  	_ =	shalt  }
0x81: {  	_ =	shalt  }
0x82: {  	_ =	shalt  }
0x83: {  	_ =	shalt  }
0x84: {  	_ =	shalt  }
0x85: {  	_ =	shalt  }
0x86: {  	_ =	shalt  }
0x87: {  	_ =	shalt  }
.Lfunc_end0:
.L_simem_size_0:
called_computation_lowered:
.L_overlay_start_0:
0x88: {  	s2 =	sld [smem:$0x3FD9]  }
0x89: {  	s3 =	sld [smem:$0x3FFE];
	_ =	sdelay $0x1  }
0x8a: {  	s1 =	srdreg.scid  }
0x8b: {  	s0 =	sand.u32 $0x1, s1  }
0x8c: {  	s17 =	sshll.u32 s0, $0xA;
	s2 =	sadd.s32 s3, s2  }
0x8d: {  	s2 =	sadd.s32 s2, s17  }
0x8e: {  	[smem:$0x3FC1] =	sst s2  }
0x8f: {  	_ = 	snop  }
0x90: {  	(tm) =	ssettm $0x1  }
0x91: {  	s18 =	sld [smem:$0x3FFB];
	_ =	sdelay $0x3  }
0x92: {  	_ =	strace s18  }
0x93: {  	s2 =	sld [smem:$0x3FFC];
	_ =	sdelay $0x3  }
0x94: {  	_ =	strace s2  }
0x95: {  	s2 =	sld [smem:$0x3FFD];
	_ =	sdelay $0x3  }
0x96: {  	_ =	strace s2  }
0x97: {  	_ =	strace $0x8FFFFFFF  }
0x98: {  	s19 =	sld [smem:$0x3FDB];
	_ =	sdelay $0x1  }
0x99: {  	s20 =	simm.s32 $_scs_section_size  }
0x9a: {  	s4 =	simm.s32 $_size__tile_overlayer_lowered;
	s5 =	simm.s32 $_tile_overlayer_lowered  }
0x9b: {  	s6 =	simm.s32 $0x1BFF;
	s21 =	sshll.u32 s5, $0x1;
	s3 =	sadd.s32 s20, s19  }
0x9c: {  	s22 =	simm.s32 $0x0;
	s4 =	sshll.u32 s4, $0x1;
	s5 =	sadd.s32 s21, s3  }
0x9d: {  	[timem:s22], [sflag:s6] =	dma.local [hbm:s5], s4  }
0x9e: {  	_ =	swait.ge [sflag:s6], s4  }
0x9f: {  	s4 =	ssub.s32 $0x0, s4;
	[sflag:s6] =	ssyncset.done $0x0  }
0xa0: {  	[sflag:s6] =	ssyncadd.s32 s4;
	_ =	sdelay $0x1  }
0xa1: {  	s23 =	simm.s32 $0x1B8B  }
0xa2: {  	_ =	swait.ge [sflag:s23], $0x1  }
0xa3: {  	[sflag:s23] =	ssyncset.done $0x0  }
0xa4: {  	[sflag:s23] =	ssyncadd.s32 $0xFFFFFFFF  }
0xa5: {  	s4 =	sld [smem:$0x0]  }
0xa6: {  	s5 =	sand.u32 $0xFFFFFFFE, s1  }
0xa7: {  	p0 =	sne.s32 s1, s5  }
0xa8: {  	s5 =	sshll.u32 @p0 s5, $0xE  }
0xa9: {  	s5 =	sadd.s32 @p0 $0x11B8D, s5;
	s6 =	sshll.u32 @p0 s4, $0x11  }
0xaa: {  	s5 =	sor.u32 @p0 s6, s5  }
0xab: {  	[sflag:s5] =	ssyncadd.remote.s32 @p0 $0x1;
	_ =	sdelay $0x1  }
0xac: {  	s5 =	simm.s32 @p0 $0x1B8D  }
0xad: {  	_ =	swait.eq @p0 [sflag:s5], $0x1  }
0xae: {  	[sflag:s5] =	ssyncadd.s32 @p0 $0xFFFFFFFF  }
0xaf: {  	s6 =	sshll.u32 @!p0 s1, $0xE  }
0xb0: {  	s6 =	sor.u32 @!p0 $0x4000, s6;
	s5 =	simm.s32 @!p0 $0x1B8D  }
0xb1: {  	s4 =	sshll.u32 @!p0 s4, $0x11;
	s6 =	sadd.s32 @!p0 $0x11B8D, s6;
	_ =	swait.eq @!p0 [sflag:s5], $0x1  }
0xb2: {  	s4 =	sor.u32 @!p0 s4, s6;
	[sflag:s5] =	ssyncadd.s32 @!p0 $0xFFFFFFFF  }
0xb3: {  	s25 =	simm.s32 $0x1B8E;
	s24 =	sld [smem:$0x3FFE];
	[sflag:s4] =	ssyncadd.remote.s32 @!p0 $0x1  }
0xb4: {  	s26 =	simm.s32 $execute0_lowered;
	[smem:$0x3FD2] =	sst s25  }
0xb5: {  	s5 =	sshll.u32 s26, $0x1;
	_ =	strace $0x80000049;
	[dreg:$0x1] =	wrdreg $0xFFFFFFFF  }
0xb6: {  	s28 =	simm.s32 $_size_execute0_lowered;
	s3 =	sadd.s32 s3, s5;
	[dreg:$0x0] =	wrdreg $0x0  }
0xb7: {  	s5 =	sshll.u32 s28, $0x1;
	[dreg:$0x2] =	wrdreg s3  }
0xb8: {  	[dreg:$0x3] =	wrdreg s5  }
0xb9: {  	[dreg:$0x4] =	wrdreg $0xC0  }
0xba: {  	_ =	task [dreg:s22], $0x5FFFF  }
0xbb: {  	[dreg:$0x1] =	wrdreg $0xFFFFFFFF  }
0xbc: {  	[dreg:$0x0] =	wrdreg $0x60  }
0xbd: {  	[dreg:$0x2] =	wrdreg s24  }
0xbe: {  	[dreg:$0x3] =	wrdreg $0x44000  }
0xbf: {  	[dreg:$0x4] =	wrdreg $0x9  }
0xc0: {  	_ =	task.clear_ibuf [dreg:s22], $0x5FFFF;
	_ =	strace $0x90000049  }
0xc1: {  	s29 =	simm.s32 $0x9;
	_ =	strace $0x8000004B  }
0xc2: {  	_ =	swait.ge [sflag:s29], $0x1  }
0xc3: {  	[sflag:s29] =	ssyncadd.s32 $0xFFFFFFFF  }
0xc4: {  	_ =	strace $0x9000004B  }
0xc5: {  	_ =	sfence  }
0xc6: {  	s30 =	sld [smem:$0x0];
	_ =	sdelay $0x2  }
0xc7: {  	s31 =	sshll.u32 s1, $0xD;
	s1 =	sshrl.u32 s1, $0x2  }
0xc8: {  	s4 =	sand.u32 $0x4000, s31;
	s1 =	sadd.s32 s1, s30  }
0xc9: {  	s0 =	sor.u32 s4, s0;
	s1 =	sshll.u32 s1, $0x11  }
0xca: {  	s0 =	sor.u32 s1, s0  }
0xcb: {  	s0 =	sadd.s32 $0x8F2B, s0  }
0xcc: {  	[sflag:s0] =	ssyncadd.remote.s32 $0x1  }
0xcd: {  	_ =	sfence.sel $0xFFFF  }
0xce: {  	[dreg:$0x0] =	wrdreg $0xFFFFFFFF;
	(pc) =	sbr.abs _section_cstart, $3  }
0xcf: {  	[dreg:$0x1] =	wrdreg $0xFFFFFFFF  }
0xd0: {  	_ =	task.clear_ibuf [dreg:s22], $0x2FFFF;
	_ =	strace $0x9FFFFFFF  }
0xd1: {  	(tm) =	ssettm $0x7FFFFFFF  }
tec
execute0_lowered:
.L_overlay_start_1:
0x0: {  	(tag) =	ssettag $0x1  }
0x1: {  	s1 =	srdreg.scid  }
0x2: {  	s0 =	stileid.u32;
	s5 =	rddreg [dreg:$0x0]  }
0x3: {  	s2 =	rddreg [dreg:$0x1];
	s3 =	simm.s32 $0x0;
	s13 =	simm.s32 $0x80  }
0x4: {  	s14 =	simm.s32 $0x100;
	s15 =	simm.s32 $0x180;
	s16 =	simm.s32 $0x200  }
0x5: {  	s17 =	simm.s32 $0x280;
	s18 =	simm.s32 $0x300;
	s4 =	smul.u32 $0x5000, s0  }
0x6: {  	s19 =	simm.s32 $0x380;
	s20 =	simm.s32 $0x0;
	s28 =	smul.u32 $0x14000, s0  }
0x7: {  	s6 =	sand.u32 $0x1, s1;
	s1 =	rddreg [dreg:$0x2];
	s29 =	smul.u32 $0x50000, s0  }
0x8: {  	[smem:$0x7FF] =	sst s3;
	s31 =	sshll.u32 s0, $0x6;
	s7 =	smul.u32 $0x2800, s6  }
0x9: {  	_ =	strace $0x8000004A;
	s8 =	smul.u32 $0x140000, s6;
	s6 =	ssub.s32 $0x2, s6  }
0xa: {  	s10 =	sshrl.u32 s28, $0x3;
	s11 =	sshrl.u32 s6, $0x1;
	s30 =	sshrl.u32 s29, $0x2  }
0xb: {  	s4 =	sadd.s32 s7, s4;
	s7 =	sadd.s32 s28, s8;
	s10 =	sadd.s32 s10, s5  }
0xc: {  	s11 =	ssub.s32 s6, s11;
	s12 =	sadd.s32 s30, s2;
	s6 =	sor.u32 $0x1C01, s31  }
0xd: {  	s4 =	sshrl.u32 s4, $0x3;
	s7 =	sshrl.u32 s7, $0x3;
	s8 =	smax.u32 s11, $0x1  }
0xe: {  	s11 =	simm.s32 $0x1;
	s9 =	sadd.s32 s4, s5;
	s4 =	sadd.s32 $0xBB000, s5  }
0xf: {  	s7 =	sadd.s32 s7, s5;
	s5 =	sadd.s32 $0x39000, s10;
	s10 =	sshrl.u32 s12, $0x3  }
0x10: {  	s12 =	simm.s32 $0x400;
	s7 =	sadd.s32 $0xBB800, s7;
	s9 =	sadd.s32 $0xB1000, s9  }
.LBB2_1:
0x11: {  	[spmem:s10], [sflag:s6] =	dma.local [hbm:s5], $0x2800  }
0x12: {  	_ =	swait.ge [sflag:s11], $0x2800  }
0x13: {  	[sflag:s11] =	ssyncset.done $0x0  }
0x14: {  	[sflag:s11] =	ssyncadd.s32 $0xFFFFD800  }
0x15: {  	[tilespmem:s12], [sflag:$0x1] =	stream.linear.gather [hbm4b:s4+s3], $0x4000, $0x38;
	[tilespmem:$0x18400] =	vst v63  }
0x16: {  	_ =	swait.ge [sflag:s11], $0x4000  }
0x17: {  	[sflag:s11] =	ssyncset.done $0x0  }
0x18: {  	[sflag:s11] =	ssyncadd.s32 $0xFFFFC000  }
0x19: {  	s21 =	sadd.s32 $0x0, s9;
	[bflag:$0x0] =	sbarrier.arrive $0xFFFF  }
0x1a: {  	[tilespmem:s3], [sflag:$0x1] =	stream.linear.gather [hbm4b:s21+s3], $0x400, $0x38;
	[tilespmem:$0x18400] =	vst v63  }
0x1b: {  	_ =	swait.ge [sflag:s11], $0x400  }
0x1c: {  	[sflag:s11] =	ssyncset.done $0x0  }
0x1d: {  	[sflag:s11] =	ssyncadd.s32 $0xFFFFFC00  }
0x1e: {  	[spmem:s2] =	stream.indirect.scatter.add.f32 [tilespmem:s12], [sflag:$0x1], $0x80, s3, s13, $0xb8;
	[tilespmem:$0x18400] =	vst v63  }
0x1f: {  	_ =	swait.ge [sflag:s11], $0x4000  }
0x20: {  	[sflag:s11] =	ssyncset.done $0x0  }
0x21: {  	[sflag:s11] =	ssyncadd.s32 $0xFFFFC000  }
0x22: {  	[spmem:s2] =	stream.indirect.scatter.add.f32 [tilespmem:s12], [sflag:$0x1], $0x80, s13, s13, $0xb8;
	[tilespmem:$0x18400] =	vst v63  }
0x23: {  	_ =	swait.ge [sflag:s11], $0x4000  }
0x24: {  	[sflag:s11] =	ssyncset.done $0x0  }
0x25: {  	[sflag:s11] =	ssyncadd.s32 $0xFFFFC000  }
0x26: {  	[spmem:s2] =	stream.indirect.scatter.add.f32 [tilespmem:s12], [sflag:$0x1], $0x80, s14, s13, $0xb8;
	[tilespmem:$0x18400] =	vst v63  }
0x27: {  	_ =	swait.ge [sflag:s11], $0x4000  }
0x28: {  	[sflag:s11] =	ssyncset.done $0x0  }
0x29: {  	[sflag:s11] =	ssyncadd.s32 $0xFFFFC000  }
0x2a: {  	[spmem:s2] =	stream.indirect.scatter.add.f32 [tilespmem:s12], [sflag:$0x1], $0x80, s15, s13, $0xb8;
	[tilespmem:$0x18400] =	vst v63  }
0x2b: {  	_ =	swait.ge [sflag:s11], $0x4000  }
0x2c: {  	[sflag:s11] =	ssyncset.done $0x0  }
0x2d: {  	[sflag:s11] =	ssyncadd.s32 $0xFFFFC000  }
0x2e: {  	[spmem:s2] =	stream.indirect.scatter.add.f32 [tilespmem:s12], [sflag:$0x1], $0x80, s16, s13, $0xb8;
	[tilespmem:$0x18400] =	vst v63  }
0x2f: {  	_ =	swait.ge [sflag:s11], $0x4000  }
0x30: {  	[sflag:s11] =	ssyncset.done $0x0  }
0x31: {  	[sflag:s11] =	ssyncadd.s32 $0xFFFFC000  }
0x32: {  	[spmem:s2] =	stream.indirect.scatter.add.f32 [tilespmem:s12], [sflag:$0x1], $0x80, s17, s13, $0xb8;
	[tilespmem:$0x18400] =	vst v63  }
0x33: {  	_ =	swait.ge [sflag:s11], $0x4000  }
0x34: {  	[sflag:s11] =	ssyncset.done $0x0  }
0x35: {  	[sflag:s11] =	ssyncadd.s32 $0xFFFFC000  }
0x36: {  	[spmem:s2] =	stream.indirect.scatter.add.f32 [tilespmem:s12], [sflag:$0x1], $0x80, s18, s13, $0xb8;
	[tilespmem:$0x18400] =	vst v63  }
0x37: {  	_ =	swait.ge [sflag:s11], $0x4000  }
0x38: {  	[sflag:s11] =	ssyncset.done $0x0  }
0x39: {  	[sflag:s11] =	ssyncadd.s32 $0xFFFFC000  }
0x3a: {  	[spmem:s2] =	stream.indirect.scatter.add.f32 [tilespmem:s12], [sflag:$0x1], $0x80, s19, s13, $0xb8;
	[tilespmem:$0x18400] =	vst v63  }
0x3b: {  	_ =	swait.ge [sflag:s11], $0x4000  }
0x3c: {  	s23 =	simm.s32 $0x100;
	s21 =	simm.s32 $0x80;
	[sflag:s11] =	ssyncset.done $0x0  }
.LBB2_2:
0x3d: {  	s24 =	sadd.s32 s21, s9  }
0x3e: {  	[sflag:s11] =	ssyncadd.s32 $0xFFFFC000;
	s21 =	smov.u32 s23;
	s22 =	sadd.s32 $0x80, s23  }
0x3f: {  	[tilespmem:s3], [sflag:$0x1] =	stream.linear.gather [hbm4b:s24+s3], $0x400, $0x38;
	[tilespmem:$0x18400] =	vst v63  }
0x40: {  	p0 =	sne.s32 s23, $0x480;
	_ =	swait.ge [sflag:s11], $0x400  }
0x41: {  	[sflag:s11] =	ssyncset.done $0x0  }
0x42: {  	[sflag:s11] =	ssyncadd.s32 $0xFFFFFC00  }
0x43: {  	[spmem:s2] =	stream.indirect.scatter.add.f32 [tilespmem:s12], [sflag:$0x1], $0x80, s3, s13, $0xb8;
	[tilespmem:$0x18400] =	vst v63  }
0x44: {  	_ =	swait.ge [sflag:s11], $0x4000  }
0x45: {  	[sflag:s11] =	ssyncset.done $0x0  }
0x46: {  	[sflag:s11] =	ssyncadd.s32 $0xFFFFC000  }
0x47: {  	[spmem:s2] =	stream.indirect.scatter.add.f32 [tilespmem:s12], [sflag:$0x1], $0x80, s13, s13, $0xb8;
	[tilespmem:$0x18400] =	vst v63  }
0x48: {  	_ =	swait.ge [sflag:s11], $0x4000  }
0x49: {  	[sflag:s11] =	ssyncset.done $0x0  }
0x4a: {  	[sflag:s11] =	ssyncadd.s32 $0xFFFFC000  }
0x4b: {  	[spmem:s2] =	stream.indirect.scatter.add.f32 [tilespmem:s12], [sflag:$0x1], $0x80, s14, s13, $0xb8;
	[tilespmem:$0x18400] =	vst v63  }
0x4c: {  	_ =	swait.ge [sflag:s11], $0x4000  }
0x4d: {  	[sflag:s11] =	ssyncset.done $0x0  }
0x4e: {  	[sflag:s11] =	ssyncadd.s32 $0xFFFFC000  }
0x4f: {  	[spmem:s2] =	stream.indirect.scatter.add.f32 [tilespmem:s12], [sflag:$0x1], $0x80, s15, s13, $0xb8;
	[tilespmem:$0x18400] =	vst v63  }
0x50: {  	_ =	swait.ge [sflag:s11], $0x4000  }
0x51: {  	[sflag:s11] =	ssyncset.done $0x0  }
0x52: {  	[sflag:s11] =	ssyncadd.s32 $0xFFFFC000  }
0x53: {  	[spmem:s2] =	stream.indirect.scatter.add.f32 [tilespmem:s12], [sflag:$0x1], $0x80, s16, s13, $0xb8;
	[tilespmem:$0x18400] =	vst v63  }
0x54: {  	_ =	swait.ge [sflag:s11], $0x4000  }
0x55: {  	[sflag:s11] =	ssyncset.done $0x0  }
0x56: {  	[sflag:s11] =	ssyncadd.s32 $0xFFFFC000  }
0x57: {  	[spmem:s2] =	stream.indirect.scatter.add.f32 [tilespmem:s12], [sflag:$0x1], $0x80, s17, s13, $0xb8;
	[tilespmem:$0x18400] =	vst v63  }
0x58: {  	_ =	swait.ge [sflag:s11], $0x4000  }
0x59: {  	[sflag:s11] =	ssyncset.done $0x0  }
0x5a: {  	[sflag:s11] =	ssyncadd.s32 $0xFFFFC000  }
0x5b: {  	[spmem:s2] =	stream.indirect.scatter.add.f32 [tilespmem:s12], [sflag:$0x1], $0x80, s18, s13, $0xb8;
	[tilespmem:$0x18400] =	vst v63  }
0x5c: {  	_ =	swait.ge [sflag:s11], $0x4000  }
.Ltmp0:
0x5d: {  	[sflag:s11] =	ssyncset.done $0x0;
	(pc) =	sbr.rel @p0 .LBB2_2-.Ltmp0, $4  }
0x5e: {  	[sflag:s11] =	ssyncadd.s32 $0xFFFFC000  }
0x5f: {  	[spmem:s2] =	stream.indirect.scatter.add.f32 [tilespmem:s12], [sflag:$0x1], $0x80, s19, s13, $0xb8;
	[tilespmem:$0x18400] =	vst v63  }
0x60: {  	_ =	swait.ge [sflag:s11], $0x4000  }
0x61: {  	s23 =	smov.u32 s22;
	[sflag:s11] =	ssyncset.done $0x0  }
0x62: {  	s21 =	sadd.s32 s21, s9;
	[sflag:s11] =	ssyncadd.s32 $0xFFFFC000  }
0x63: {  	[tilespmem:s3], [sflag:$0x1] =	stream.linear.gather [hbm4b:s21+s3], $0x400, $0x38;
	[tilespmem:$0x18400] =	vst v63  }
0x64: {  	_ =	swait.ge [sflag:s11], $0x400  }
0x65: {  	[sflag:s11] =	ssyncset.done $0x0  }
0x66: {  	[sflag:s11] =	ssyncadd.s32 $0xFFFFFC00  }
0x67: {  	[spmem:s2] =	stream.indirect.scatter.add.f32 [tilespmem:s12], [sflag:$0x1], $0x80, s3, s13, $0xb8;
	[tilespmem:$0x18400] =	vst v63  }
0x68: {  	_ =	swait.ge [sflag:s11], $0x4000  }
0x69: {  	[sflag:s11] =	ssyncset.done $0x0  }
0x6a: {  	[sflag:s11] =	ssyncadd.s32 $0xFFFFC000  }
0x6b: {  	[spmem:s2] =	stream.indirect.scatter.add.f32 [tilespmem:s12], [sflag:$0x1], $0x80, s13, s13, $0xb8;
	[tilespmem:$0x18400] =	vst v63  }
0x6c: {  	_ =	swait.ge [sflag:s11], $0x4000  }
0x6d: {  	[sflag:s11] =	ssyncset.done $0x0  }
0x6e: {  	[sflag:s11] =	ssyncadd.s32 $0xFFFFC000  }
0x6f: {  	[spmem:s2] =	stream.indirect.scatter.add.f32 [tilespmem:s12], [sflag:$0x1], $0x80, s14, s13, $0xb8;
	[tilespmem:$0x18400] =	vst v63  }
0x70: {  	_ =	swait.ge [sflag:s11], $0x4000  }
0x71: {  	[sflag:s11] =	ssyncset.done $0x0  }
0x72: {  	[sflag:s11] =	ssyncadd.s32 $0xFFFFC000  }
0x73: {  	[spmem:s2] =	stream.indirect.scatter.add.f32 [tilespmem:s12], [sflag:$0x1], $0x80, s15, s13, $0xb8;
	[tilespmem:$0x18400] =	vst v63  }
0x74: {  	_ =	swait.ge [sflag:s11], $0x4000  }
0x75: {  	[sflag:s11] =	ssyncset.done $0x0  }
0x76: {  	[sflag:s11] =	ssyncadd.s32 $0xFFFFC000  }
0x77: {  	[spmem:s2] =	stream.indirect.scatter.add.f32 [tilespmem:s12], [sflag:$0x1], $0x80, s16, s13, $0xb8;
	[tilespmem:$0x18400] =	vst v63  }
0x78: {  	_ =	swait.ge [sflag:s11], $0x4000  }
0x79: {  	[sflag:s11] =	ssyncset.done $0x0  }
0x7a: {  	[sflag:s11] =	ssyncadd.s32 $0xFFFFC000  }
0x7b: {  	[spmem:s2] =	stream.indirect.scatter.add.f32 [tilespmem:s12], [sflag:$0x1], $0x80, s17, s13, $0xb8;
	[tilespmem:$0x18400] =	vst v63  }
0x7c: {  	_ =	swait.ge [sflag:s11], $0x4000  }
0x7d: {  	[sflag:s11] =	ssyncset.done $0x0  }
0x7e: {  	[sflag:s11] =	ssyncadd.s32 $0xFFFFC000  }
0x7f: {  	[spmem:s2] =	stream.indirect.scatter.add.f32 [tilespmem:s12], [sflag:$0x1], $0x80, s18, s13, $0xb8;
	[tilespmem:$0x18400] =	vst v63  }
0x80: {  	_ =	swait.ge [sflag:s11], $0x4000  }
0x81: {  	[sflag:s11] =	ssyncset.done $0x0  }
0x82: {  	[sflag:s11] =	ssyncadd.s32 $0xFFFFC000  }
0x83: {  	[spmem:s2] =	stream.indirect.scatter.add.f32 [tilespmem:s12], [sflag:$0x1], $0x80, s19, s13, $0xb8;
	[tilespmem:$0x18400] =	vst v63  }
0x84: {  	_ =	swait.ge [sflag:s11], $0x4000  }
0x85: {  	s20 =	sadd.s32 $0x1, s20;
	[sflag:s11] =	ssyncset.done $0x0  }
0x86: {  	p0 =	sne.s32 s20, s8;
	[sflag:s11] =	ssyncadd.s32 $0xFFFFC000  }
.Ltmp1:
0x87: {  	[bflag:$0x0] =	sbarrier.arrive $0xFFFF;
	(pc) =	sbr.rel @p0 .LBB2_1-.Ltmp1, $4  }
0x88: {  	[hbm:s7], [sflag:s6] =	dma.local [spmem:s10], $0x2800  }
0x89: {  	_ =	swait.ge [sflag:s11], $0x2800  }
0x8a: {  	[sflag:s11] =	ssyncset.done $0x0  }
0x8b: {  	[sflag:s11] =	ssyncadd.s32 $0xFFFFD800  }
0x8c: {  	_ =	sfence.sel $0x180000  }
0x8d: {  	[bflag:$0x0] =	sbarrier.arrive $0xFFFF  }
0x8e: {  	p0 =	sne.s32 s0, $0x0;
	_ =	strace $0x9000004A  }
0x8f: {  	s0 =	sadd.s32 @!p0 $0x100000, s1;
	[bflag:$0x2] =	sbarrier.arrive $0xFFFF  }
0x90: {  	[sflag:s0] =	ssyncadd.tile.s32 @!p0 $0x1;
	_ =	shalt  }
.Lfunc_end2:
_tile_overlayer_lowered:
.L_overlay_start_2:
0x91: {  	(tag) =	ssettag $0x2  }
0x92: {  	s0 =	rddreg [dreg:$0x0];
	s2 =	stileid.u32  }
0x93: {  	s1 =	rddreg [dreg:$0x1];
	p0 =	sne.s32 s2, $0x0  }
0x94: {  	s3 =	rddreg [dreg:$0x2];
	[bflag:$0x3] =	sbarrier.arrive $0xFFFF;
	s2 =	simm.s32 @!p0 $0x1C01  }
0x95: {  	[timem:s3], [sflag:s2] =	dma.local @!p0 [hbm:s0], s1  }
0x96: {  	s0 =	simm.s32 @!p0 $0x1  }
0x97: {  	_ =	swait.ge @!p0 [sflag:s0], s1  }
0x98: {  	s1 =	ssub.s32 @!p0 $0x0, s1;
	[sflag:s0] =	ssyncset.done @!p0 $0x0  }
0x99: {  	[sflag:s0] =	ssyncadd.s32 @!p0 s1  }
0x9a: {  	[bflag:$0x3] =	sbarrier.arrive $0xFFFF  }
0x9b: {  	_ =	shalt  }

</sc_bundles>
